<compile_context>
chip_gen: v7x
topology: tpu7x:2x2x1
jax: 0.10.2.dev20260603
libtpu: 0.0.44.dev20260713+nightly
codegen_flags: <defaults>
</compile_context>

<pallas_src>
import functools

import jax
import jax.numpy as jnp
from jax import lax
from jax.experimental import pallas as pl
from jax.experimental.pallas import tpu as pltpu
from jax.experimental.pallas import tpu_sc as plsc

V = 1000000
D = 64
B = 4096
L = 200
OUT = 2

NC = 2
NS = 16
NW = NC * NS
RPW = B // NW
TPW = RPW * L
LA, LB = 104, 96


def _sc_pool_body(ids_hbm, vec_hbm, w_hbm, tm_hbm, pooled_hbm,
                  ids_v, wv_v, idse_v, rowbuf_v, pooled_v,
                  sem_w, sem_tm, sem_a, sem_b):
    c = lax.axis_index("c")
    s = lax.axis_index("s")
    wid = s * NC + c
    tok0 = wid * TPW

    pltpu.sync_copy(ids_hbm.at[pl.ds(tok0, TPW)], ids_v)

    def fire_wtm(k, _):
        sl = pl.ds(k * 128, 128)
        idx = ids_v.at[sl]
        pltpu.async_copy(w_hbm.at[idx], wv_v.at[sl], sem_w)
        pltpu.async_copy(tm_hbm.at[idx], idse_v.at[sl], sem_tm)
        return 0
    lax.fori_loop(0, TPW // 128, fire_wtm, 0)
    pltpu.make_async_copy(w_hbm.at[pl.ds(0, TPW)], wv_v.at[pl.ds(0, TPW)],
                          sem_w).wait()
    pltpu.make_async_copy(tm_hbm.at[pl.ds(0, TPW)], idse_v, sem_tm).wait()

    def xform(k, _):
        sl = pl.ds(k * 16, 16)
        x = wv_v[sl]
        idv = ids_v[sl]
        e = idse_v[sl]
        sg = 1.0 / (1.0 + jnp.exp(-x))
        sg = jnp.where(idv != 0, sg, jnp.zeros_like(sg))
        wv_v[sl] = sg
        idse_v[sl] = e
        return 0
    lax.fori_loop(0, TPW // 16, xform, 0)

    sems = (sem_a, sem_b)

    def fire_row(r, slot):
        off = r * L
        pltpu.async_copy(vec_hbm.at[idse_v.at[pl.ds(off, LA)]],
                         rowbuf_v.at[slot, pl.ds(0, LA)], sems[slot])
        pltpu.async_copy(vec_hbm.at[idse_v.at[pl.ds(off + LA, LB)]],
                         rowbuf_v.at[slot, pl.ds(LA, LB)], sems[slot])

    def drain_row(slot):
        pltpu.make_async_copy(vec_hbm.at[pl.ds(0, L)], rowbuf_v.at[slot],
                              sems[slot]).wait()

    def fma_block(slot, base, k, nt, carry):
        a0, a1, a2, a3 = carry
        wc = wv_v[pl.ds(base + k * 16, 16)]
        for t2 in range(nt):
            sc = wc[t2]
            t = k * 16 + t2
            a0 = a0 + sc * rowbuf_v[slot, t, pl.ds(0, 16)]
            a1 = a1 + sc * rowbuf_v[slot, t, pl.ds(16, 16)]
            a2 = a2 + sc * rowbuf_v[slot, t, pl.ds(32, 16)]
            a3 = a3 + sc * rowbuf_v[slot, t, pl.ds(48, 16)]
        return (a0, a1, a2, a3)

    fire_row(0, 0)
    fire_row(1, 1)

    def process(r, slot):
        drain_row(slot)
        base = r * L
        z = jnp.zeros((16,), jnp.float32)
        carry = lax.fori_loop(0, L // 16,
                              lambda k, cy: fma_block(slot, base, k, 16, cy),
                              (z, z, z, z))
        a0, a1, a2, a3 = fma_block(slot, base, L // 16, L % 16, carry)
        pooled_v[r, pl.ds(0, 16)] = a0
        pooled_v[r, pl.ds(16, 16)] = a1
        pooled_v[r, pl.ds(32, 16)] = a2
        pooled_v[r, pl.ds(48, 16)] = a3

    def row_group(g, _):
        for b in range(2):
            r = g * 2 + b
            process(r, b)

            @pl.when(r + 2 < RPW)
            def _():
                fire_row(r + 2, b)
        return 0
    lax.fori_loop(0, RPW // 2, row_group, 0)

    row0 = wid * RPW
    pltpu.sync_copy(pooled_v, pooled_hbm.at[pl.ds(row0, RPW)])


@jax.jit
def _sc_pool(ids_flat, vec128, w, token_mapping):
    mesh = plsc.VectorSubcoreMesh(core_axis_name="c", subcore_axis_name="s")
    fn = pl.kernel(
        _sc_pool_body,
        mesh=mesh,
        compiler_params=pltpu.CompilerParams(use_tc_tiling_on_sc=False),
        out_type=jax.ShapeDtypeStruct((B, D), jnp.float32),
        scratch_types=[
            pltpu.VMEM((TPW,), jnp.int32),
            pltpu.VMEM((TPW + 16,), jnp.float32),
            pltpu.VMEM((TPW,), jnp.int32),
            pltpu.VMEM((2, L, D), jnp.float32),
            pltpu.VMEM((RPW, D), jnp.float32),
            pltpu.SemaphoreType.DMA,
            pltpu.SemaphoreType.DMA,
            pltpu.SemaphoreType.DMA,
            pltpu.SemaphoreType.DMA,
        ],
    )
    return fn(ids_flat, vec128, w, token_mapping)


def _head_body(pooled_ref, ids_ref, w_ref, b_ref, logits_ref, enc_ref):
    raw = pooled_ref[...]
    ln = jnp.sum((ids_ref[...] != 0).astype(jnp.float32), axis=1,
                 keepdims=True) + 1e-16
    pooled = raw / ln
    ss = jnp.sum(pooled * pooled, axis=1, keepdims=True)
    nrm = jnp.sqrt(ss)
    enc = pooled / jnp.maximum(nrm, 1e-12)
    enc_ref[...] = enc
    logits_ref[...] = (
        jnp.dot(enc, w_ref[...], preferred_element_type=jnp.float32)
        + b_ref[...]
    )


@jax.jit
def _head(pooled, input_ids, head_W, head_b2d):
    blk = 512
    grid = B // blk
    return pl.pallas_call(
        _head_body,
        grid=(grid,),
        in_specs=[
            pl.BlockSpec((blk, D), lambda i: (i, 0)),
            pl.BlockSpec((blk, L), lambda i: (i, 0)),
            pl.BlockSpec((D, OUT), lambda i: (0, 0)),
            pl.BlockSpec((1, OUT), lambda i: (0, 0)),
        ],
        out_specs=[
            pl.BlockSpec((blk, OUT), lambda i: (i, 0)),
            pl.BlockSpec((blk, D), lambda i: (i, 0)),
        ],
        out_shape=[
            jax.ShapeDtypeStruct((B, OUT), jnp.float32),
            jax.ShapeDtypeStruct((B, D), jnp.float32),
        ],
    )(pooled, input_ids, head_W, head_b2d)


def kernel(input_ids, vectors, w, token_mapping, head_W, head_b):
    ids_flat = input_ids.reshape(-1)
    pooled = _sc_pool(ids_flat, vectors, w, token_mapping)
    logits, enc = _head(pooled, input_ids, head_W, head_b.reshape(1, OUT))
    return (logits, enc)

# --- scband reference (transcript-rebuilt; emitter-appended) ---
"""Pipeline reference for scband-base-finetuneable-4088808866463 (READ-ONLY COPY).

The authoritative reference and input builder live on the scoring server;
editing this copy changes nothing except your own understanding.
"""

import jax, jax.numpy as jnp
import numpy as np

VOCAB = 1000000
EMBED = 64
BATCH = 4096
SEQ = 200
OUT_DIM = 2
PAD_ID = 0


def setup_inputs(seed: int = 0) -> dict:
    key = jax.random.key(seed)
    k1, k2, k3 = jax.random.split(key, 3)
    input_ids = jax.random.randint(k1, (BATCH, SEQ), 0, VOCAB, dtype=jnp.int32)
    # Learned parameters sized per init_kwargs
    vectors = jax.random.normal(k2, (VOCAB, EMBED), dtype=jnp.float32) * 0.02
    # w initialized to zeros with pad position set to -10000 (construct_weights)
    w = jnp.zeros((VOCAB,), dtype=jnp.float32).at[PAD_ID].set(-10000.0)
    token_mapping = jnp.arange(VOCAB, dtype=jnp.int32)
    # head: n_layers == 0 -> single Linear(embed_dim, out_dim), xavier init
    limit = float(np.sqrt(6.0 / (EMBED + OUT_DIM)))
    head_W = jax.random.uniform(k3, (EMBED, OUT_DIM), dtype=jnp.float32, minval=-limit, maxval=limit)
    head_b = jnp.zeros((OUT_DIM,), dtype=jnp.float32)
    return {
        "input_ids": input_ids,
        "vectors": vectors,
        "w": w,
        "token_mapping": token_mapping,
        "head_W": head_W,
        "head_b": head_b,
    }


def reference(input_ids, vectors, w, token_mapping, head_W, head_b):
    # _encode: weighted mean pooling over token embeddings
    ws = jax.nn.sigmoid(jnp.take(w, input_ids, axis=0))            # [B, L]
    mask = (input_ids != PAD_ID).astype(jnp.float32)               # [B, L]
    ws = ws * mask
    length = jnp.sum(mask, axis=1) + 1e-16                         # [B]
    ids_emb = jnp.take(token_mapping, input_ids, axis=0)           # [B, L]
    embedded = jnp.take(vectors, ids_emb, axis=0)                  # [B, L, D] (gather)
    pooled = jnp.einsum("bl,bld->bd", ws, embedded)                # bmm(w[:,None,:], embedded).squeeze(1)
    pooled = pooled / length[:, None]
    # F.normalize(..., p=2, dim=1, eps=1e-12)
    norm = jnp.sqrt(jnp.sum(pooled * pooled, axis=1, keepdims=True))
    encoded = pooled / jnp.maximum(norm, 1e-12)
    logits = encoded @ head_W + head_b                             # head (single Linear)
    return (logits, encoded)

if __name__ == "__main__":
    import jax
    _d = setup_inputs()
    print(jax.jit(kernel)(*tuple(_d.values())))

</pallas_src>

<mosaic_0001>
#map = affine_map<(d0, d1) -> (0)>
#map1 = affine_map<(d0, d1) -> (0, 0)>
module attributes {stable_mosaic.version = 14 : i64} {
  func.func @_sc_pool_body(%arg0: i32, %arg1: i32, %arg2: memref<819200xi32, #tpu.memory_space<hbm>>, %arg3: memref<1000000x64xf32, #tpu.memory_space<hbm>>, %arg4: memref<1000000xf32, #tpu.memory_space<hbm>>, %arg5: memref<1000000xi32, #tpu.memory_space<hbm>>, %arg6: memref<4096x64xf32, #tpu.memory_space<hbm>>, %arg7: memref<25600xi32, #tpu.memory_space<vmem>>, %arg8: memref<25616xf32, #tpu.memory_space<vmem>>, %arg9: memref<25600xi32, #tpu.memory_space<vmem>>, %arg10: memref<2x200x64xf32, #tpu.memory_space<vmem>>, %arg11: memref<128x64xf32, #tpu.memory_space<vmem>>, %arg12: memref<!tpu.dma_semaphore, #tpu.memory_space<semaphore_mem>>, %arg13: memref<!tpu.dma_semaphore, #tpu.memory_space<semaphore_mem>>, %arg14: memref<!tpu.dma_semaphore, #tpu.memory_space<semaphore_mem>>, %arg15: memref<!tpu.dma_semaphore, #tpu.memory_space<semaphore_mem>>) attributes {dimension_semantics = [#tpu.dimension_semantics<core_parallel>, #tpu.dimension_semantics<subcore_parallel>], iteration_bounds = array<i64: 2, 16>, scalar_prefetch = 0 : i64, scratch_operands = 9 : i64, tpu.core_type = #tpu.core_type<sc_vector_subcore>, window_params = [{transform_indices = #map}, {transform_indices = #map1}, {transform_indices = #map}, {transform_indices = #map}, {transform_indices = #map1}]} {
    %mul3A = arith.constant 2 : i32
    %mul3A_0 = arith.muli %arg1, %mul3A : i32
    %add3A = arith.addi %mul3A_0, %arg0 : i32
    %mul3A_1 = arith.constant 25600 : i32
    %mul3A_2 = arith.muli %add3A, %mul3A_1 : i32
    "tpu.region"() ({
      %run_scoped3A = tpu.sem_alloc : memref<!tpu.dma_semaphore, #tpu.memory_space<semaphore_mem>>
      %dma_start3A_75 = tpu.memref_slice %arg2[%mul3A_2] : memref<819200xi32, #tpu.memory_space<hbm>> -> memref<25600xi32, #tpu.memory_space<hbm>>
      %dma_start3A_76 = tpu.memref_slice %arg2[%mul3A_2] : memref<819200xi32, #tpu.memory_space<hbm>> -> memref<25600xi32, #tpu.memory_space<hbm>>
      tpu.enqueue_dma source(%dma_start3A_76 : memref<25600xi32, #tpu.memory_space<hbm>>) target(%arg7 : memref<25600xi32, #tpu.memory_space<vmem>>) target_semaphore(%run_scoped3A : memref<!tpu.dma_semaphore, #tpu.memory_space<semaphore_mem>>)
      %dma_wait3A_77 = tpu.memref_slice %arg2[%mul3A_2] : memref<819200xi32, #tpu.memory_space<hbm>> -> memref<25600xi32, #tpu.memory_space<hbm>>
      %dma_wait3A_78 = tpu.memref_slice %arg2[%mul3A_2] : memref<819200xi32, #tpu.memory_space<hbm>> -> memref<25600xi32, #tpu.memory_space<hbm>>
      tpu.wait_dma2 semaphore(%run_scoped3A : memref<!tpu.dma_semaphore, #tpu.memory_space<semaphore_mem>>) src(%dma_wait3A_78 : memref<25600xi32, #tpu.memory_space<hbm>>) dst(%arg7 : memref<25600xi32, #tpu.memory_space<vmem>>)
      tpu.yield
    }) : () -> ()
    %scan3A = arith.constant 0 : i32
    %scan3A_3 = arith.constant 0 : i32
    %scan3A_4 = arith.constant 200 : i32
    %scan3A_5 = arith.addi %scan3A_3, %scan3A_4 : i32
    %scan3A_6 = arith.constant 1 : i32
    %scan3A_7 = scf.for %scan3A_75 = %scan3A_3 to %scan3A_5 step %scan3A_6 iter_args(%scan3A_76 = %scan3A) -> (i32)  : i32 {
      %mul3A_77 = arith.constant 128 : i32
      %mul3A_78 = arith.muli %scan3A_75, %mul3A_77 : i32
      %dma_start3A_79 = tpu.memref_slice %arg8[%mul3A_78] : memref<25616xf32, #tpu.memory_space<vmem>> -> memref<128xf32, #tpu.memory_space<vmem>>
      %dma_start3A_80 = tpu.memref_slice %arg7[%mul3A_78] : memref<25600xi32, #tpu.memory_space<vmem>> -> memref<128xi32, #tpu.memory_space<vmem>>
      %dma_start3A_81 = arith.constant 0 : i32
      %dma_start3A_82 = tpu.memref_slice %arg4[%dma_start3A_81] : memref<1000000xf32, #tpu.memory_space<hbm>> -> memref<1000000xf32, #tpu.memory_space<hbm>>
      tpu.enqueue_indirect_dma source(%dma_start3A_82 : memref<1000000xf32, #tpu.memory_space<hbm>>) target(%dma_start3A_79 : memref<128xf32, #tpu.memory_space<vmem>>) offsets(%dma_start3A_80 : memref<128xi32, #tpu.memory_space<vmem>>) semaphore(%arg12 : memref<!tpu.dma_semaphore, #tpu.memory_space<semaphore_mem>>)
      %dma_start3A_83 = tpu.memref_slice %arg9[%mul3A_78] : memref<25600xi32, #tpu.memory_space<vmem>> -> memref<128xi32, #tpu.memory_space<vmem>>
      %dma_start3A_84 = tpu.memref_slice %arg7[%mul3A_78] : memref<25600xi32, #tpu.memory_space<vmem>> -> memref<128xi32, #tpu.memory_space<vmem>>
      %dma_start3A_85 = arith.constant 0 : i32
      %dma_start3A_86 = tpu.memref_slice %arg5[%dma_start3A_85] : memref<1000000xi32, #tpu.memory_space<hbm>> -> memref<1000000xi32, #tpu.memory_space<hbm>>
      tpu.enqueue_indirect_dma source(%dma_start3A_86 : memref<1000000xi32, #tpu.memory_space<hbm>>) target(%dma_start3A_83 : memref<128xi32, #tpu.memory_space<vmem>>) offsets(%dma_start3A_84 : memref<128xi32, #tpu.memory_space<vmem>>) semaphore(%arg13 : memref<!tpu.dma_semaphore, #tpu.memory_space<semaphore_mem>>)
      %scan3A_87 = arith.constant 0 : i32
      scf.yield %scan3A_87 : i32
    }
    %scan3A_8 = arith.constant 200 : i32
    %dma_wait3A = arith.constant 0 : i32
    %dma_wait3A_9 = tpu.memref_slice %arg8[%dma_wait3A] : memref<25616xf32, #tpu.memory_space<vmem>> -> memref<25600xf32, #tpu.memory_space<vmem>>
    %dma_wait3A_10 = arith.constant 0 : i32
    %dma_wait3A_11 = tpu.memref_slice %arg4[%dma_wait3A_10] : memref<1000000xf32, #tpu.memory_space<hbm>> -> memref<25600xf32, #tpu.memory_space<hbm>>
    %dma_wait3A_12 = arith.constant 0 : i32
    %dma_wait3A_13 = tpu.memref_slice %arg8[%dma_wait3A_12] : memref<25616xf32, #tpu.memory_space<vmem>> -> memref<25600xf32, #tpu.memory_space<vmem>>
    %dma_wait3A_14 = arith.constant 0 : i32
    %dma_wait3A_15 = tpu.memref_slice %arg4[%dma_wait3A_14] : memref<1000000xf32, #tpu.memory_space<hbm>> -> memref<25600xf32, #tpu.memory_space<hbm>>
    tpu.wait_dma2 semaphore(%arg12 : memref<!tpu.dma_semaphore, #tpu.memory_space<semaphore_mem>>) src(%dma_wait3A_15 : memref<25600xf32, #tpu.memory_space<hbm>>) dst(%dma_wait3A_13 : memref<25600xf32, #tpu.memory_space<vmem>>)
    %dma_wait3A_16 = arith.constant 0 : i32
    %dma_wait3A_17 = tpu.memref_slice %arg5[%dma_wait3A_16] : memref<1000000xi32, #tpu.memory_space<hbm>> -> memref<25600xi32, #tpu.memory_space<hbm>>
    %dma_wait3A_18 = arith.constant 0 : i32
    %dma_wait3A_19 = tpu.memref_slice %arg5[%dma_wait3A_18] : memref<1000000xi32, #tpu.memory_space<hbm>> -> memref<25600xi32, #tpu.memory_space<hbm>>
    tpu.wait_dma2 semaphore(%arg13 : memref<!tpu.dma_semaphore, #tpu.memory_space<semaphore_mem>>) src(%dma_wait3A_19 : memref<25600xi32, #tpu.memory_space<hbm>>) dst(%arg9 : memref<25600xi32, #tpu.memory_space<vmem>>)
    %scan3A_20 = arith.constant 0 : i32
    %scan3A_21 = arith.constant 0 : i32
    %scan3A_22 = arith.constant 1600 : i32
    %scan3A_23 = arith.addi %scan3A_21, %scan3A_22 : i32
    %scan3A_24 = arith.constant 1 : i32
    %scan3A_25 = scf.for %scan3A_75 = %scan3A_21 to %scan3A_23 step %scan3A_24 iter_args(%scan3A_76 = %scan3A_20) -> (i32)  : i32 {
      %mul3A_77 = arith.constant 16 : i32
      %mul3A_78 = arith.muli %scan3A_75, %mul3A_77 : i32
      %get3A = arith.index_cast %mul3A_78 : i32 to index
      %get3A_79 = tpu.vector_load %arg8[%get3A] {strides = array<i32>} : memref<25616xf32, #tpu.memory_space<vmem>>, vector<16xf32>,
      %get3A_80 = vector.shape_cast %get3A_79 : vector<16xf32> to vector<16xf32>
      %get3A_81 = arith.index_cast %mul3A_78 : i32 to index
      %get3A_82 = tpu.vector_load %arg7[%get3A_81] {strides = array<i32>} : memref<25600xi32, #tpu.memory_space<vmem>>, vector<16xi32>,
      %get3A_83 = vector.shape_cast %get3A_82 : vector<16xi32> to vector<16xi32>
      %get3A_84 = arith.index_cast %mul3A_78 : i32 to index
      %get3A_85 = tpu.vector_load %arg9[%get3A_84] {strides = array<i32>} : memref<25600xi32, #tpu.memory_space<vmem>>, vector<16xi32>,
      %get3A_86 = vector.shape_cast %get3A_85 : vector<16xi32> to vector<16xi32>
      %neg3A = arith.constant 0.000000e+00 : f32
      %neg3A_87 = vector.broadcast %neg3A : f32 to vector<16xf32>
      %neg3A_88 = arith.subf %neg3A_87, %get3A_80 : vector<16xf32>
      %exp3A = math.exp %neg3A_88 : vector<16xf32>
      %add3A_89 = arith.constant 1.000000e+00 : f32
      %add3A_90 = vector.broadcast %add3A_89 : f32 to vector<16xf32>
      %add3A_91 = arith.addf %add3A_90, %exp3A : vector<16xf32>
      %div3A = arith.constant 1.000000e+00 : f32
      %div3A_92 = vector.broadcast %div3A : f32 to vector<16xf32>
      %div3A_93 = arith.divf %div3A_92, %add3A_91 : vector<16xf32>
      %ne3A = arith.constant 0 : i32
      %ne3A_94 = vector.broadcast %ne3A : i32 to vector<16xi32>
      %ne3A_95 = arith.cmpi ne, %get3A_83, %ne3A_94 : vector<16xi32>
      %broadcast_in_dim3A = arith.constant 0.000000e+00 : f32
      %broadcast_in_dim3A_96 = vector.broadcast %broadcast_in_dim3A : f32 to vector<16xf32>
      %select_n3A = arith.select %ne3A_95, %div3A_93, %broadcast_in_dim3A_96 : vector<16xi1>, vector<16xf32>
      %swap3A = arith.index_cast %mul3A_78 : i32 to index
      %swap3A_97 = tpu.vector_load %arg8[%swap3A] {strides = array<i32>} : memref<25616xf32, #tpu.memory_space<vmem>>, vector<16xf32>,
      %swap3A_98 = vector.shape_cast %swap3A_97 : vector<16xf32> to vector<16xf32>
      %swap3A_99 = vector.shape_cast %select_n3A : vector<16xf32> to vector<16xf32>
      tpu.vector_store %arg8[%swap3A], %swap3A_99 {strides = array<i32>} : memref<25616xf32, #tpu.memory_space<vmem>>, vector<16xf32>,
      %swap3A_100 = arith.index_cast %mul3A_78 : i32 to index
      %swap3A_101 = tpu.vector_load %arg9[%swap3A_100] {strides = array<i32>} : memref<25600xi32, #tpu.memory_space<vmem>>, vector<16xi32>,
      %swap3A_102 = vector.shape_cast %swap3A_101 : vector<16xi32> to vector<16xi32>
      %swap3A_103 = vector.shape_cast %get3A_86 : vector<16xi32> to vector<16xi32>
      tpu.vector_store %arg9[%swap3A_100], %swap3A_103 {strides = array<i32>} : memref<25600xi32, #tpu.memory_space<vmem>>, vector<16xi32>,
      %scan3A_104 = arith.constant 0 : i32
      scf.yield %scan3A_104 : i32
    }
    %scan3A_26 = arith.constant 1600 : i32
    %dma_start3A = arith.constant 0 : i32
    %dma_start3A_27 = arith.constant 0 : i32
    %dma_start3A_28 = arith.constant 0 : i32
    %dma_start3A_29 = tpu.memref_slice %arg10[%dma_start3A, %dma_start3A_27, %dma_start3A_28] : memref<2x200x64xf32, #tpu.memory_space<vmem>> -> memref<1x104x64xf32, #tpu.memory_space<vmem>>
    %dma_start3A_30 = tpu.memref_squeeze %dma_start3A_29 : memref<1x104x64xf32, #tpu.memory_space<vmem>> -> memref<104x64xf32, #tpu.memory_space<vmem>>
    %dma_start3A_31 = arith.constant 0 : i32
    %dma_start3A_32 = tpu.memref_slice %arg9[%dma_start3A_31] : memref<25600xi32, #tpu.memory_space<vmem>> -> memref<104xi32, #tpu.memory_space<vmem>>
    %dma_start3A_33 = arith.constant 0 : i32
    %dma_start3A_34 = arith.constant 0 : i32
    %dma_start3A_35 = tpu.memref_slice %arg3[%dma_start3A_33, %dma_start3A_34] : memref<1000000x64xf32, #tpu.memory_space<hbm>> -> memref<1000000x64xf32, #tpu.memory_space<hbm>>
    tpu.enqueue_indirect_dma source(%dma_start3A_35 : memref<1000000x64xf32, #tpu.memory_space<hbm>>) target(%dma_start3A_30 : memref<104x64xf32, #tpu.memory_space<vmem>>) offsets(%dma_start3A_32 : memref<104xi32, #tpu.memory_space<vmem>>) semaphore(%arg14 : memref<!tpu.dma_semaphore, #tpu.memory_space<semaphore_mem>>)
    %dma_start3A_36 = arith.constant 0 : i32
    %dma_start3A_37 = arith.constant 104 : i32
    %dma_start3A_38 = arith.constant 0 : i32
    %dma_start3A_39 = tpu.memref_slice %arg10[%dma_start3A_36, %dma_start3A_37, %dma_start3A_38] : memref<2x200x64xf32, #tpu.memory_space<vmem>> -> memref<1x96x64xf32, #tpu.memory_space<vmem>>
    %dma_start3A_40 = tpu.memref_squeeze %dma_start3A_39 : memref<1x96x64xf32, #tpu.memory_space<vmem>> -> memref<96x64xf32, #tpu.memory_space<vmem>>
    %dma_start3A_41 = arith.constant 104 : i32
    %dma_start3A_42 = tpu.memref_slice %arg9[%dma_start3A_41] : memref<25600xi32, #tpu.memory_space<vmem>> -> memref<96xi32, #tpu.memory_space<vmem>>
    %dma_start3A_43 = arith.constant 0 : i32
    %dma_start3A_44 = arith.constant 0 : i32
    %dma_start3A_45 = tpu.memref_slice %arg3[%dma_start3A_43, %dma_start3A_44] : memref<1000000x64xf32, #tpu.memory_space<hbm>> -> memref<1000000x64xf32, #tpu.memory_space<hbm>>
    tpu.enqueue_indirect_dma source(%dma_start3A_45 : memref<1000000x64xf32, #tpu.memory_space<hbm>>) target(%dma_start3A_40 : memref<96x64xf32, #tpu.memory_space<vmem>>) offsets(%dma_start3A_42 : memref<96xi32, #tpu.memory_space<vmem>>) semaphore(%arg14 : memref<!tpu.dma_semaphore, #tpu.memory_space<semaphore_mem>>)
    %dma_start3A_46 = arith.constant 1 : i32
    %dma_start3A_47 = arith.constant 0 : i32
    %dma_start3A_48 = arith.constant 0 : i32
    %dma_start3A_49 = tpu.memref_slice %arg10[%dma_start3A_46, %dma_start3A_47, %dma_start3A_48] : memref<2x200x64xf32, #tpu.memory_space<vmem>> -> memref<1x104x64xf32, #tpu.memory_space<vmem>>
    %dma_start3A_50 = tpu.memref_squeeze %dma_start3A_49 : memref<1x104x64xf32, #tpu.memory_space<vmem>> -> memref<104x64xf32, #tpu.memory_space<vmem>>
    %dma_start3A_51 = arith.constant 200 : i32
    %dma_start3A_52 = tpu.memref_slice %arg9[%dma_start3A_51] : memref<25600xi32, #tpu.memory_space<vmem>> -> memref<104xi32, #tpu.memory_space<vmem>>
    %dma_start3A_53 = arith.constant 0 : i32
    %dma_start3A_54 = arith.constant 0 : i32
    %dma_start3A_55 = tpu.memref_slice %arg3[%dma_start3A_53, %dma_start3A_54] : memref<1000000x64xf32, #tpu.memory_space<hbm>> -> memref<1000000x64xf32, #tpu.memory_space<hbm>>
    tpu.enqueue_indirect_dma source(%dma_start3A_55 : memref<1000000x64xf32, #tpu.memory_space<hbm>>) target(%dma_start3A_50 : memref<104x64xf32, #tpu.memory_space<vmem>>) offsets(%dma_start3A_52 : memref<104xi32, #tpu.memory_space<vmem>>) semaphore(%arg15 : memref<!tpu.dma_semaphore, #tpu.memory_space<semaphore_mem>>)
    %dma_start3A_56 = arith.constant 1 : i32
    %dma_start3A_57 = arith.constant 104 : i32
    %dma_start3A_58 = arith.constant 0 : i32
    %dma_start3A_59 = tpu.memref_slice %arg10[%dma_start3A_56, %dma_start3A_57, %dma_start3A_58] : memref<2x200x64xf32, #tpu.memory_space<vmem>> -> memref<1x96x64xf32, #tpu.memory_space<vmem>>
    %dma_start3A_60 = tpu.memref_squeeze %dma_start3A_59 : memref<1x96x64xf32, #tpu.memory_space<vmem>> -> memref<96x64xf32, #tpu.memory_space<vmem>>
    %dma_start3A_61 = arith.constant 304 : i32
    %dma_start3A_62 = tpu.memref_slice %arg9[%dma_start3A_61] : memref<25600xi32, #tpu.memory_space<vmem>> -> memref<96xi32, #tpu.memory_space<vmem>>
    %dma_start3A_63 = arith.constant 0 : i32
    %dma_start3A_64 = arith.constant 0 : i32
    %dma_start3A_65 = tpu.memref_slice %arg3[%dma_start3A_63, %dma_start3A_64] : memref<1000000x64xf32, #tpu.memory_space<hbm>> -> memref<1000000x64xf32, #tpu.memory_space<hbm>>
    tpu.enqueue_indirect_dma source(%dma_start3A_65 : memref<1000000x64xf32, #tpu.memory_space<hbm>>) target(%dma_start3A_60 : memref<96x64xf32, #tpu.memory_space<vmem>>) offsets(%dma_start3A_62 : memref<96xi32, #tpu.memory_space<vmem>>) semaphore(%arg15 : memref<!tpu.dma_semaphore, #tpu.memory_space<semaphore_mem>>)
    %scan3A_66 = arith.constant 0 : i32
    %scan3A_67 = arith.constant 0 : i32
    %scan3A_68 = arith.constant 64 : i32
    %scan3A_69 = arith.addi %scan3A_67, %scan3A_68 : i32
    %scan3A_70 = arith.constant 1 : i32
    %scan3A_71 = scf.for %scan3A_75 = %scan3A_67 to %scan3A_69 step %scan3A_70 iter_args(%scan3A_76 = %scan3A_66) -> (i32)  : i32 {
      %mul3A_77 = arith.constant 2 : i32
      %mul3A_78 = arith.muli %scan3A_75, %mul3A_77 : i32
      %add3A_79 = arith.constant 0 : i32
      %add3A_80 = arith.addi %mul3A_78, %add3A_79 : i32
      %dma_wait3A_81 = arith.constant 0 : i32
      %dma_wait3A_82 = arith.constant 0 : i32
      %dma_wait3A_83 = arith.constant 0 : i32
      %dma_wait3A_84 = tpu.memref_slice %arg10[%dma_wait3A_81, %dma_wait3A_82, %dma_wait3A_83] : memref<2x200x64xf32, #tpu.memory_space<vmem>> -> memref<1x200x64xf32, #tpu.memory_space<vmem>>
      %dma_wait3A_85 = tpu.memref_squeeze %dma_wait3A_84 : memref<1x200x64xf32, #tpu.memory_space<vmem>> -> memref<200x64xf32, #tpu.memory_space<vmem>>
      %dma_wait3A_86 = arith.constant 0 : i32
      %dma_wait3A_87 = arith.constant 0 : i32
      %dma_wait3A_88 = tpu.memref_slice %arg3[%dma_wait3A_86, %dma_wait3A_87] : memref<1000000x64xf32, #tpu.memory_space<hbm>> -> memref<200x64xf32, #tpu.memory_space<hbm>>
      %dma_wait3A_89 = arith.constant 0 : i32
      %dma_wait3A_90 = arith.constant 0 : i32
      %dma_wait3A_91 = tpu.memref_slice %arg10[%dma_wait3A_81, %dma_wait3A_89, %dma_wait3A_90] : memref<2x200x64xf32, #tpu.memory_space<vmem>> -> memref<1x200x64xf32, #tpu.memory_space<vmem>>
      %dma_wait3A_92 = tpu.memref_squeeze %dma_wait3A_91 : memref<1x200x64xf32, #tpu.memory_space<vmem>> -> memref<200x64xf32, #tpu.memory_space<vmem>>
      %dma_wait3A_93 = arith.constant 0 : i32
      %dma_wait3A_94 = arith.constant 0 : i32
      %dma_wait3A_95 = tpu.memref_slice %arg3[%dma_wait3A_93, %dma_wait3A_94] : memref<1000000x64xf32, #tpu.memory_space<hbm>> -> memref<200x64xf32, #tpu.memory_space<hbm>>
      tpu.wait_dma2 semaphore(%arg14 : memref<!tpu.dma_semaphore, #tpu.memory_space<semaphore_mem>>) src(%dma_wait3A_95 : memref<200x64xf32, #tpu.memory_space<hbm>>) dst(%dma_wait3A_92 : memref<200x64xf32, #tpu.memory_space<vmem>>)
      %mul3A_96 = arith.constant 200 : i32
      %mul3A_97 = arith.muli %add3A_80, %mul3A_96 : i32
      %broadcast_in_dim3A = arith.constant 0.000000e+00 : f32
      %broadcast_in_dim3A_98 = vector.broadcast %broadcast_in_dim3A : f32 to vector<16xf32>
      %scan3A_99 = arith.constant 0 : i32
      %scan3A_100 = arith.constant 12 : i32
      %scan3A_101 = arith.addi %scan3A_99, %scan3A_100 : i32
      %scan3A_102 = arith.constant 1 : i32
      %scan3A_103:4 = scf.for %scan3A_864 = %scan3A_99 to %scan3A_101 step %scan3A_102 iter_args(%scan3A_865 = %broadcast_in_dim3A_98, %scan3A_866 = %broadcast_in_dim3A_98, %scan3A_867 = %broadcast_in_dim3A_98, %scan3A_868 = %broadcast_in_dim3A_98) -> (vector<16xf32>, vector<16xf32>, vector<16xf32>, vector<16xf32>)  : i32 {
        %mul3A_869 = arith.constant 16 : i32
        %mul3A_870 = arith.muli %scan3A_864, %mul3A_869 : i32
        %add3A_871 = arith.addi %mul3A_97, %mul3A_870 : i32
        %get3A_872 = arith.index_cast %add3A_871 : i32 to index
        %get3A_873 = tpu.vector_load %arg8[%get3A_872] {strides = array<i32>} : memref<25616xf32, #tpu.memory_space<vmem>>, vector<16xf32>,
        %get3A_874 = vector.shape_cast %get3A_873 : vector<16xf32> to vector<16xf32>
        %slice3A_875 = vector.extract_strided_slice %get3A_874 {offsets = [0], sizes = [1], strides = [1]} : vector<16xf32> to vector<1xf32>
        %squeeze3A_876 = vector.extract %slice3A_875[0] : f32 from vector<1xf32>
        %mul3A_877 = arith.constant 16 : i32
        %mul3A_878 = arith.muli %scan3A_864, %mul3A_877 : i32
        %add3A_879 = arith.constant 0 : i32
        %add3A_880 = arith.addi %mul3A_878, %add3A_879 : i32
        %get3A_881 = arith.constant 0 : i32
        %get3A_882 = arith.index_cast %get3A_881 : i32 to index
        %get3A_883 = arith.index_cast %add3A_880 : i32 to index
        %get3A_884 = arith.constant 0 : index
        %get3A_885 = tpu.vector_load %arg10[%get3A_882, %get3A_883, %get3A_884] {strides = array<i32>} : memref<2x200x64xf32, #tpu.memory_space<vmem>>, vector<1x1x16xf32>,
        %get3A_886 = vector.shape_cast %get3A_885 : vector<1x1x16xf32> to vector<16xf32>
        %mul3A_887 = vector.broadcast %squeeze3A_876 : f32 to vector<16xf32>
        %mul3A_888 = arith.mulf %mul3A_887, %get3A_886 : vector<16xf32>
        %add3A_889 = arith.addf %scan3A_865, %mul3A_888 : vector<16xf32>
        %get3A_890 = arith.constant 0 : i32
        %get3A_891 = arith.index_cast %get3A_890 : i32 to index
        %get3A_892 = arith.index_cast %add3A_880 : i32 to index
        %get3A_893 = arith.constant 16 : index
        %get3A_894 = tpu.vector_load %arg10[%get3A_891, %get3A_892, %get3A_893] {strides = array<i32>} : memref<2x200x64xf32, #tpu.memory_space<vmem>>, vector<1x1x16xf32>,
        %get3A_895 = vector.shape_cast %get3A_894 : vector<1x1x16xf32> to vector<16xf32>
        %mul3A_896 = vector.broadcast %squeeze3A_876 : f32 to vector<16xf32>
        %mul3A_897 = arith.mulf %mul3A_896, %get3A_895 : vector<16xf32>
        %add3A_898 = arith.addf %scan3A_866, %mul3A_897 : vector<16xf32>
        %get3A_899 = arith.constant 0 : i32
        %get3A_900 = arith.index_cast %get3A_899 : i32 to index
        %get3A_901 = arith.index_cast %add3A_880 : i32 to index
        %get3A_902 = arith.constant 32 : index
        %get3A_903 = tpu.vector_load %arg10[%get3A_900, %get3A_901, %get3A_902] {strides = array<i32>} : memref<2x200x64xf32, #tpu.memory_space<vmem>>, vector<1x1x16xf32>,
        %get3A_904 = vector.shape_cast %get3A_903 : vector<1x1x16xf32> to vector<16xf32>
        %mul3A_905 = vector.broadcast %squeeze3A_876 : f32 to vector<16xf32>
        %mul3A_906 = arith.mulf %mul3A_905, %get3A_904 : vector<16xf32>
        %add3A_907 = arith.addf %scan3A_867, %mul3A_906 : vector<16xf32>
        %get3A_908 = arith.constant 0 : i32
        %get3A_909 = arith.index_cast %get3A_908 : i32 to index
        %get3A_910 = arith.index_cast %add3A_880 : i32 to index
        %get3A_911 = arith.constant 48 : index
        %get3A_912 = tpu.vector_load %arg10[%get3A_909, %get3A_910, %get3A_911] {strides = array<i32>} : memref<2x200x64xf32, #tpu.memory_space<vmem>>, vector<1x1x16xf32>,
        %get3A_913 = vector.shape_cast %get3A_912 : vector<1x1x16xf32> to vector<16xf32>
        %mul3A_914 = vector.broadcast %squeeze3A_876 : f32 to vector<16xf32>
        %mul3A_915 = arith.mulf %mul3A_914, %get3A_913 : vector<16xf32>
        %add3A_916 = arith.addf %scan3A_868, %mul3A_915 : vector<16xf32>
        %slice3A_917 = vector.extract_strided_slice %get3A_874 {offsets = [1], sizes = [1], strides = [1]} : vector<16xf32> to vector<1xf32>
        %squeeze3A_918 = vector.extract %slice3A_917[0] : f32 from vector<1xf32>
        %mul3A_919 = arith.constant 16 : i32
        %mul3A_920 = arith.muli %scan3A_864, %mul3A_919 : i32
        %add3A_921 = arith.constant 1 : i32
        %add3A_922 = arith.addi %mul3A_920, %add3A_921 : i32
        %get3A_923 = arith.constant 0 : i32
        %get3A_924 = arith.index_cast %get3A_923 : i32 to index
        %get3A_925 = arith.index_cast %add3A_922 : i32 to index
        %get3A_926 = arith.constant 0 : index
        %get3A_927 = tpu.vector_load %arg10[%get3A_924, %get3A_925, %get3A_926] {strides = array<i32>} : memref<2x200x64xf32, #tpu.memory_space<vmem>>, vector<1x1x16xf32>,
        %get3A_928 = vector.shape_cast %get3A_927 : vector<1x1x16xf32> to vector<16xf32>
        %mul3A_929 = vector.broadcast %squeeze3A_918 : f32 to vector<16xf32>
        %mul3A_930 = arith.mulf %mul3A_929, %get3A_928 : vector<16xf32>
        %add3A_931 = arith.addf %add3A_889, %mul3A_930 : vector<16xf32>
        %get3A_932 = arith.constant 0 : i32
        %get3A_933 = arith.index_cast %get3A_932 : i32 to index
        %get3A_934 = arith.index_cast %add3A_922 : i32 to index
        %get3A_935 = arith.constant 16 : index
        %get3A_936 = tpu.vector_load %arg10[%get3A_933, %get3A_934, %get3A_935] {strides = array<i32>} : memref<2x200x64xf32, #tpu.memory_space<vmem>>, vector<1x1x16xf32>,
        %get3A_937 = vector.shape_cast %get3A_936 : vector<1x1x16xf32> to vector<16xf32>
        %mul3A_938 = vector.broadcast %squeeze3A_918 : f32 to vector<16xf32>
        %mul3A_939 = arith.mulf %mul3A_938, %get3A_937 : vector<16xf32>
        %add3A_940 = arith.addf %add3A_898, %mul3A_939 : vector<16xf32>
        %get3A_941 = arith.constant 0 : i32
        %get3A_942 = arith.index_cast %get3A_941 : i32 to index
        %get3A_943 = arith.index_cast %add3A_922 : i32 to index
        %get3A_944 = arith.constant 32 : index
        %get3A_945 = tpu.vector_load %arg10[%get3A_942, %get3A_943, %get3A_944] {strides = array<i32>} : memref<2x200x64xf32, #tpu.memory_space<vmem>>, vector<1x1x16xf32>,
        %get3A_946 = vector.shape_cast %get3A_945 : vector<1x1x16xf32> to vector<16xf32>
        %mul3A_947 = vector.broadcast %squeeze3A_918 : f32 to vector<16xf32>
        %mul3A_948 = arith.mulf %mul3A_947, %get3A_946 : vector<16xf32>
        %add3A_949 = arith.addf %add3A_907, %mul3A_948 : vector<16xf32>
        %get3A_950 = arith.constant 0 : i32
        %get3A_951 = arith.index_cast %get3A_950 : i32 to index
        %get3A_952 = arith.index_cast %add3A_922 : i32 to index
        %get3A_953 = arith.constant 48 : index
        %get3A_954 = tpu.vector_load %arg10[%get3A_951, %get3A_952, %get3A_953] {strides = array<i32>} : memref<2x200x64xf32, #tpu.memory_space<vmem>>, vector<1x1x16xf32>,
        %get3A_955 = vector.shape_cast %get3A_954 : vector<1x1x16xf32> to vector<16xf32>
        %mul3A_956 = vector.broadcast %squeeze3A_918 : f32 to vector<16xf32>
        %mul3A_957 = arith.mulf %mul3A_956, %get3A_955 : vector<16xf32>
        %add3A_958 = arith.addf %add3A_916, %mul3A_957 : vector<16xf32>
        %slice3A_959 = vector.extract_strided_slice %get3A_874 {offsets = [2], sizes = [1], strides = [1]} : vector<16xf32> to vector<1xf32>
        %squeeze3A_960 = vector.extract %slice3A_959[0] : f32 from vector<1xf32>
        %mul3A_961 = arith.constant 16 : i32
        %mul3A_962 = arith.muli %scan3A_864, %mul3A_961 : i32
        %add3A_963 = arith.constant 2 : i32
        %add3A_964 = arith.addi %mul3A_962, %add3A_963 : i32
        %get3A_965 = arith.constant 0 : i32
        %get3A_966 = arith.index_cast %get3A_965 : i32 to index
        %get3A_967 = arith.index_cast %add3A_964 : i32 to index
        %get3A_968 = arith.constant 0 : index
        %get3A_969 = tpu.vector_load %arg10[%get3A_966, %get3A_967, %get3A_968] {strides = array<i32>} : memref<2x200x64xf32, #tpu.memory_space<vmem>>, vector<1x1x16xf32>,
        %get3A_970 = vector.shape_cast %get3A_969 : vector<1x1x16xf32> to vector<16xf32>
        %mul3A_971 = vector.broadcast %squeeze3A_960 : f32 to vector<16xf32>
        %mul3A_972 = arith.mulf %mul3A_971, %get3A_970 : vector<16xf32>
        %add3A_973 = arith.addf %add3A_931, %mul3A_972 : vector<16xf32>
        %get3A_974 = arith.constant 0 : i32
        %get3A_975 = arith.index_cast %get3A_974 : i32 to index
        %get3A_976 = arith.index_cast %add3A_964 : i32 to index
        %get3A_977 = arith.constant 16 : index
        %get3A_978 = tpu.vector_load %arg10[%get3A_975, %get3A_976, %get3A_977] {strides = array<i32>} : memref<2x200x64xf32, #tpu.memory_space<vmem>>, vector<1x1x16xf32>,
        %get3A_979 = vector.shape_cast %get3A_978 : vector<1x1x16xf32> to vector<16xf32>
        %mul3A_980 = vector.broadcast %squeeze3A_960 : f32 to vector<16xf32>
        %mul3A_981 = arith.mulf %mul3A_980, %get3A_979 : vector<16xf32>
        %add3A_982 = arith.addf %add3A_940, %mul3A_981 : vector<16xf32>
        %get3A_983 = arith.constant 0 : i32
        %get3A_984 = arith.index_cast %get3A_983 : i32 to index
        %get3A_985 = arith.index_cast %add3A_964 : i32 to index
        %get3A_986 = arith.constant 32 : index
        %get3A_987 = tpu.vector_load %arg10[%get3A_984, %get3A_985, %get3A_986] {strides = array<i32>} : memref<2x200x64xf32, #tpu.memory_space<vmem>>, vector<1x1x16xf32>,
        %get3A_988 = vector.shape_cast %get3A_987 : vector<1x1x16xf32> to vector<16xf32>
        %mul3A_989 = vector.broadcast %squeeze3A_960 : f32 to vector<16xf32>
        %mul3A_990 = arith.mulf %mul3A_989, %get3A_988 : vector<16xf32>
        %add3A_991 = arith.addf %add3A_949, %mul3A_990 : vector<16xf32>
        %get3A_992 = arith.constant 0 : i32
        %get3A_993 = arith.index_cast %get3A_992 : i32 to index
        %get3A_994 = arith.index_cast %add3A_964 : i32 to index
        %get3A_995 = arith.constant 48 : index
        %get3A_996 = tpu.vector_load %arg10[%get3A_993, %get3A_994, %get3A_995] {strides = array<i32>} : memref<2x200x64xf32, #tpu.memory_space<vmem>>, vector<1x1x16xf32>,
        %get3A_997 = vector.shape_cast %get3A_996 : vector<1x1x16xf32> to vector<16xf32>
        %mul3A_998 = vector.broadcast %squeeze3A_960 : f32 to vector<16xf32>
        %mul3A_999 = arith.mulf %mul3A_998, %get3A_997 : vector<16xf32>
        %add3A_1000 = arith.addf %add3A_958, %mul3A_999 : vector<16xf32>
        %slice3A_1001 = vector.extract_strided_slice %get3A_874 {offsets = [3], sizes = [1], strides = [1]} : vector<16xf32> to vector<1xf32>
        %squeeze3A_1002 = vector.extract %slice3A_1001[0] : f32 from vector<1xf32>
        %mul3A_1003 = arith.constant 16 : i32
        %mul3A_1004 = arith.muli %scan3A_864, %mul3A_1003 : i32
        %add3A_1005 = arith.constant 3 : i32
        %add3A_1006 = arith.addi %mul3A_1004, %add3A_1005 : i32
        %get3A_1007 = arith.constant 0 : i32
        %get3A_1008 = arith.index_cast %get3A_1007 : i32 to index
        %get3A_1009 = arith.index_cast %add3A_1006 : i32 to index
        %get3A_1010 = arith.constant 0 : index
        %get3A_1011 = tpu.vector_load %arg10[%get3A_1008, %get3A_1009, %get3A_1010] {strides = array<i32>} : memref<2x200x64xf32, #tpu.memory_space<vmem>>, vector<1x1x16xf32>,
        %get3A_1012 = vector.shape_cast %get3A_1011 : vector<1x1x16xf32> to vector<16xf32>
        %mul3A_1013 = vector.broadcast %squeeze3A_1002 : f32 to vector<16xf32>
        %mul3A_1014 = arith.mulf %mul3A_1013, %get3A_1012 : vector<16xf32>
        %add3A_1015 = arith.addf %add3A_973, %mul3A_1014 : vector<16xf32>
        %get3A_1016 = arith.constant 0 : i32
        %get3A_1017 = arith.index_cast %get3A_1016 : i32 to index
        %get3A_1018 = arith.index_cast %add3A_1006 : i32 to index
        %get3A_1019 = arith.constant 16 : index
        %get3A_1020 = tpu.vector_load %arg10[%get3A_1017, %get3A_1018, %get3A_1019] {strides = array<i32>} : memref<2x200x64xf32, #tpu.memory_space<vmem>>, vector<1x1x16xf32>,
        %get3A_1021 = vector.shape_cast %get3A_1020 : vector<1x1x16xf32> to vector<16xf32>
        %mul3A_1022 = vector.broadcast %squeeze3A_1002 : f32 to vector<16xf32>
        %mul3A_1023 = arith.mulf %mul3A_1022, %get3A_1021 : vector<16xf32>
        %add3A_1024 = arith.addf %add3A_982, %mul3A_1023 : vector<16xf32>
        %get3A_1025 = arith.constant 0 : i32
        %get3A_1026 = arith.index_cast %get3A_1025 : i32 to index
        %get3A_1027 = arith.index_cast %add3A_1006 : i32 to index
        %get3A_1028 = arith.constant 32 : index
        %get3A_1029 = tpu.vector_load %arg10[%get3A_1026, %get3A_1027, %get3A_1028] {strides = array<i32>} : memref<2x200x64xf32, #tpu.memory_space<vmem>>, vector<1x1x16xf32>,
        %get3A_1030 = vector.shape_cast %get3A_1029 : vector<1x1x16xf32> to vector<16xf32>
        %mul3A_1031 = vector.broadcast %squeeze3A_1002 : f32 to vector<16xf32>
        %mul3A_1032 = arith.mulf %mul3A_1031, %get3A_1030 : vector<16xf32>
        %add3A_1033 = arith.addf %add3A_991, %mul3A_1032 : vector<16xf32>
        %get3A_1034 = arith.constant 0 : i32
        %get3A_1035 = arith.index_cast %get3A_1034 : i32 to index
        %get3A_1036 = arith.index_cast %add3A_1006 : i32 to index
        %get3A_1037 = arith.constant 48 : index
        %get3A_1038 = tpu.vector_load %arg10[%get3A_1035, %get3A_1036, %get3A_1037] {strides = array<i32>} : memref<2x200x64xf32, #tpu.memory_space<vmem>>, vector<1x1x16xf32>,
        %get3A_1039 = vector.shape_cast %get3A_1038 : vector<1x1x16xf32> to vector<16xf32>
        %mul3A_1040 = vector.broadcast %squeeze3A_1002 : f32 to vector<16xf32>
        %mul3A_1041 = arith.mulf %mul3A_1040, %get3A_1039 : vector<16xf32>
        %add3A_1042 = arith.addf %add3A_1000, %mul3A_1041 : vector<16xf32>
        %slice3A_1043 = vector.extract_strided_slice %get3A_874 {offsets = [4], sizes = [1], strides = [1]} : vector<16xf32> to vector<1xf32>
        %squeeze3A_1044 = vector.extract %slice3A_1043[0] : f32 from vector<1xf32>
        %mul3A_1045 = arith.constant 16 : i32
        %mul3A_1046 = arith.muli %scan3A_864, %mul3A_1045 : i32
        %add3A_1047 = arith.constant 4 : i32
        %add3A_1048 = arith.addi %mul3A_1046, %add3A_1047 : i32
        %get3A_1049 = arith.constant 0 : i32
        %get3A_1050 = arith.index_cast %get3A_1049 : i32 to index
        %get3A_1051 = arith.index_cast %add3A_1048 : i32 to index
        %get3A_1052 = arith.constant 0 : index
        %get3A_1053 = tpu.vector_load %arg10[%get3A_1050, %get3A_1051, %get3A_1052] {strides = array<i32>} : memref<2x200x64xf32, #tpu.memory_space<vmem>>, vector<1x1x16xf32>,
        %get3A_1054 = vector.shape_cast %get3A_1053 : vector<1x1x16xf32> to vector<16xf32>
        %mul3A_1055 = vector.broadcast %squeeze3A_1044 : f32 to vector<16xf32>
        %mul3A_1056 = arith.mulf %mul3A_1055, %get3A_1054 : vector<16xf32>
        %add3A_1057 = arith.addf %add3A_1015, %mul3A_1056 : vector<16xf32>
        %get3A_1058 = arith.constant 0 : i32
        %get3A_1059 = arith.index_cast %get3A_1058 : i32 to index
        %get3A_1060 = arith.index_cast %add3A_1048 : i32 to index
        %get3A_1061 = arith.constant 16 : index
        %get3A_1062 = tpu.vector_load %arg10[%get3A_1059, %get3A_1060, %get3A_1061] {strides = array<i32>} : memref<2x200x64xf32, #tpu.memory_space<vmem>>, vector<1x1x16xf32>,
        %get3A_1063 = vector.shape_cast %get3A_1062 : vector<1x1x16xf32> to vector<16xf32>
        %mul3A_1064 = vector.broadcast %squeeze3A_1044 : f32 to vector<16xf32>
        %mul3A_1065 = arith.mulf %mul3A_1064, %get3A_1063 : vector<16xf32>
        %add3A_1066 = arith.addf %add3A_1024, %mul3A_1065 : vector<16xf32>
        %get3A_1067 = arith.constant 0 : i32
        %get3A_1068 = arith.index_cast %get3A_1067 : i32 to index
        %get3A_1069 = arith.index_cast %add3A_1048 : i32 to index
        %get3A_1070 = arith.constant 32 : index
        %get3A_1071 = tpu.vector_load %arg10[%get3A_1068, %get3A_1069, %get3A_1070] {strides = array<i32>} : memref<2x200x64xf32, #tpu.memory_space<vmem>>, vector<1x1x16xf32>,
        %get3A_1072 = vector.shape_cast %get3A_1071 : vector<1x1x16xf32> to vector<16xf32>
        %mul3A_1073 = vector.broadcast %squeeze3A_1044 : f32 to vector<16xf32>
        %mul3A_1074 = arith.mulf %mul3A_1073, %get3A_1072 : vector<16xf32>
        %add3A_1075 = arith.addf %add3A_1033, %mul3A_1074 : vector<16xf32>
        %get3A_1076 = arith.constant 0 : i32
        %get3A_1077 = arith.index_cast %get3A_1076 : i32 to index
        %get3A_1078 = arith.index_cast %add3A_1048 : i32 to index
        %get3A_1079 = arith.constant 48 : index
        %get3A_1080 = tpu.vector_load %arg10[%get3A_1077, %get3A_1078, %get3A_1079] {strides = array<i32>} : memref<2x200x64xf32, #tpu.memory_space<vmem>>, vector<1x1x16xf32>,
        %get3A_1081 = vector.shape_cast %get3A_1080 : vector<1x1x16xf32> to vector<16xf32>
        %mul3A_1082 = vector.broadcast %squeeze3A_1044 : f32 to vector<16xf32>
        %mul3A_1083 = arith.mulf %mul3A_1082, %get3A_1081 : vector<16xf32>
        %add3A_1084 = arith.addf %add3A_1042, %mul3A_1083 : vector<16xf32>
        %slice3A_1085 = vector.extract_strided_slice %get3A_874 {offsets = [5], sizes = [1], strides = [1]} : vector<16xf32> to vector<1xf32>
        %squeeze3A_1086 = vector.extract %slice3A_1085[0] : f32 from vector<1xf32>
        %mul3A_1087 = arith.constant 16 : i32
        %mul3A_1088 = arith.muli %scan3A_864, %mul3A_1087 : i32
        %add3A_1089 = arith.constant 5 : i32
        %add3A_1090 = arith.addi %mul3A_1088, %add3A_1089 : i32
        %get3A_1091 = arith.constant 0 : i32
        %get3A_1092 = arith.index_cast %get3A_1091 : i32 to index
        %get3A_1093 = arith.index_cast %add3A_1090 : i32 to index
        %get3A_1094 = arith.constant 0 : index
        %get3A_1095 = tpu.vector_load %arg10[%get3A_1092, %get3A_1093, %get3A_1094] {strides = array<i32>} : memref<2x200x64xf32, #tpu.memory_space<vmem>>, vector<1x1x16xf32>,
        %get3A_1096 = vector.shape_cast %get3A_1095 : vector<1x1x16xf32> to vector<16xf32>
        %mul3A_1097 = vector.broadcast %squeeze3A_1086 : f32 to vector<16xf32>
        %mul3A_1098 = arith.mulf %mul3A_1097, %get3A_1096 : vector<16xf32>
        %add3A_1099 = arith.addf %add3A_1057, %mul3A_1098 : vector<16xf32>
        %get3A_1100 = arith.constant 0 : i32
        %get3A_1101 = arith.index_cast %get3A_1100 : i32 to index
        %get3A_1102 = arith.index_cast %add3A_1090 : i32 to index
        %get3A_1103 = arith.constant 16 : index
        %get3A_1104 = tpu.vector_load %arg10[%get3A_1101, %get3A_1102, %get3A_1103] {strides = array<i32>} : memref<2x200x64xf32, #tpu.memory_space<vmem>>, vector<1x1x16xf32>,
        %get3A_1105 = vector.shape_cast %get3A_1104 : vector<1x1x16xf32> to vector<16xf32>
        %mul3A_1106 = vector.broadcast %squeeze3A_1086 : f32 to vector<16xf32>
        %mul3A_1107 = arith.mulf %mul3A_1106, %get3A_1105 : vector<16xf32>
        %add3A_1108 = arith.addf %add3A_1066, %mul3A_1107 : vector<16xf32>
        %get3A_1109 = arith.constant 0 : i32
        %get3A_1110 = arith.index_cast %get3A_1109 : i32 to index
        %get3A_1111 = arith.index_cast %add3A_1090 : i32 to index
        %get3A_1112 = arith.constant 32 : index
        %get3A_1113 = tpu.vector_load %arg10[%get3A_1110, %get3A_1111, %get3A_1112] {strides = array<i32>} : memref<2x200x64xf32, #tpu.memory_space<vmem>>, vector<1x1x16xf32>,
        %get3A_1114 = vector.shape_cast %get3A_1113 : vector<1x1x16xf32> to vector<16xf32>
        %mul3A_1115 = vector.broadcast %squeeze3A_1086 : f32 to vector<16xf32>
        %mul3A_1116 = arith.mulf %mul3A_1115, %get3A_1114 : vector<16xf32>
        %add3A_1117 = arith.addf %add3A_1075, %mul3A_1116 : vector<16xf32>
        %get3A_1118 = arith.constant 0 : i32
        %get3A_1119 = arith.index_cast %get3A_1118 : i32 to index
        %get3A_1120 = arith.index_cast %add3A_1090 : i32 to index
        %get3A_1121 = arith.constant 48 : index
        %get3A_1122 = tpu.vector_load %arg10[%get3A_1119, %get3A_1120, %get3A_1121] {strides = array<i32>} : memref<2x200x64xf32, #tpu.memory_space<vmem>>, vector<1x1x16xf32>,
        %get3A_1123 = vector.shape_cast %get3A_1122 : vector<1x1x16xf32> to vector<16xf32>
        %mul3A_1124 = vector.broadcast %squeeze3A_1086 : f32 to vector<16xf32>
        %mul3A_1125 = arith.mulf %mul3A_1124, %get3A_1123 : vector<16xf32>
        %add3A_1126 = arith.addf %add3A_1084, %mul3A_1125 : vector<16xf32>
        %slice3A_1127 = vector.extract_strided_slice %get3A_874 {offsets = [6], sizes = [1], strides = [1]} : vector<16xf32> to vector<1xf32>
        %squeeze3A_1128 = vector.extract %slice3A_1127[0] : f32 from vector<1xf32>
        %mul3A_1129 = arith.constant 16 : i32
        %mul3A_1130 = arith.muli %scan3A_864, %mul3A_1129 : i32
        %add3A_1131 = arith.constant 6 : i32
        %add3A_1132 = arith.addi %mul3A_1130, %add3A_1131 : i32
        %get3A_1133 = arith.constant 0 : i32
        %get3A_1134 = arith.index_cast %get3A_1133 : i32 to index
        %get3A_1135 = arith.index_cast %add3A_1132 : i32 to index
        %get3A_1136 = arith.constant 0 : index
        %get3A_1137 = tpu.vector_load %arg10[%get3A_1134, %get3A_1135, %get3A_1136] {strides = array<i32>} : memref<2x200x64xf32, #tpu.memory_space<vmem>>, vector<1x1x16xf32>,
        %get3A_1138 = vector.shape_cast %get3A_1137 : vector<1x1x16xf32> to vector<16xf32>
        %mul3A_1139 = vector.broadcast %squeeze3A_1128 : f32 to vector<16xf32>
        %mul3A_1140 = arith.mulf %mul3A_1139, %get3A_1138 : vector<16xf32>
        %add3A_1141 = arith.addf %add3A_1099, %mul3A_1140 : vector<16xf32>
        %get3A_1142 = arith.constant 0 : i32
        %get3A_1143 = arith.index_cast %get3A_1142 : i32 to index
        %get3A_1144 = arith.index_cast %add3A_1132 : i32 to index
        %get3A_1145 = arith.constant 16 : index
        %get3A_1146 = tpu.vector_load %arg10[%get3A_1143, %get3A_1144, %get3A_1145] {strides = array<i32>} : memref<2x200x64xf32, #tpu.memory_space<vmem>>, vector<1x1x16xf32>,
        %get3A_1147 = vector.shape_cast %get3A_1146 : vector<1x1x16xf32> to vector<16xf32>
        %mul3A_1148 = vector.broadcast %squeeze3A_1128 : f32 to vector<16xf32>
        %mul3A_1149 = arith.mulf %mul3A_1148, %get3A_1147 : vector<16xf32>
        %add3A_1150 = arith.addf %add3A_1108, %mul3A_1149 : vector<16xf32>
        %get3A_1151 = arith.constant 0 : i32
        %get3A_1152 = arith.index_cast %get3A_1151 : i32 to index
        %get3A_1153 = arith.index_cast %add3A_1132 : i32 to index
        %get3A_1154 = arith.constant 32 : index
        %get3A_1155 = tpu.vector_load %arg10[%get3A_1152, %get3A_1153, %get3A_1154] {strides = array<i32>} : memref<2x200x64xf32, #tpu.memory_space<vmem>>, vector<1x1x16xf32>,
        %get3A_1156 = vector.shape_cast %get3A_1155 : vector<1x1x16xf32> to vector<16xf32>
        %mul3A_1157 = vector.broadcast %squeeze3A_1128 : f32 to vector<16xf32>
        %mul3A_1158 = arith.mulf %mul3A_1157, %get3A_1156 : vector<16xf32>
        %add3A_1159 = arith.addf %add3A_1117, %mul3A_1158 : vector<16xf32>
        %get3A_1160 = arith.constant 0 : i32
        %get3A_1161 = arith.index_cast %get3A_1160 : i32 to index
        %get3A_1162 = arith.index_cast %add3A_1132 : i32 to index
        %get3A_1163 = arith.constant 48 : index
        %get3A_1164 = tpu.vector_load %arg10[%get3A_1161, %get3A_1162, %get3A_1163] {strides = array<i32>} : memref<2x200x64xf32, #tpu.memory_space<vmem>>, vector<1x1x16xf32>,
        %get3A_1165 = vector.shape_cast %get3A_1164 : vector<1x1x16xf32> to vector<16xf32>
        %mul3A_1166 = vector.broadcast %squeeze3A_1128 : f32 to vector<16xf32>
        %mul3A_1167 = arith.mulf %mul3A_1166, %get3A_1165 : vector<16xf32>
        %add3A_1168 = arith.addf %add3A_1126, %mul3A_1167 : vector<16xf32>
        %slice3A_1169 = vector.extract_strided_slice %get3A_874 {offsets = [7], sizes = [1], strides = [1]} : vector<16xf32> to vector<1xf32>
        %squeeze3A_1170 = vector.extract %slice3A_1169[0] : f32 from vector<1xf32>
        %mul3A_1171 = arith.constant 16 : i32
        %mul3A_1172 = arith.muli %scan3A_864, %mul3A_1171 : i32
        %add3A_1173 = arith.constant 7 : i32
        %add3A_1174 = arith.addi %mul3A_1172, %add3A_1173 : i32
        %get3A_1175 = arith.constant 0 : i32
        %get3A_1176 = arith.index_cast %get3A_1175 : i32 to index
        %get3A_1177 = arith.index_cast %add3A_1174 : i32 to index
        %get3A_1178 = arith.constant 0 : index
        %get3A_1179 = tpu.vector_load %arg10[%get3A_1176, %get3A_1177, %get3A_1178] {strides = array<i32>} : memref<2x200x64xf32, #tpu.memory_space<vmem>>, vector<1x1x16xf32>,
        %get3A_1180 = vector.shape_cast %get3A_1179 : vector<1x1x16xf32> to vector<16xf32>
        %mul3A_1181 = vector.broadcast %squeeze3A_1170 : f32 to vector<16xf32>
        %mul3A_1182 = arith.mulf %mul3A_1181, %get3A_1180 : vector<16xf32>
        %add3A_1183 = arith.addf %add3A_1141, %mul3A_1182 : vector<16xf32>
        %get3A_1184 = arith.constant 0 : i32
        %get3A_1185 = arith.index_cast %get3A_1184 : i32 to index
        %get3A_1186 = arith.index_cast %add3A_1174 : i32 to index
        %get3A_1187 = arith.constant 16 : index
        %get3A_1188 = tpu.vector_load %arg10[%get3A_1185, %get3A_1186, %get3A_1187] {strides = array<i32>} : memref<2x200x64xf32, #tpu.memory_space<vmem>>, vector<1x1x16xf32>,
        %get3A_1189 = vector.shape_cast %get3A_1188 : vector<1x1x16xf32> to vector<16xf32>
        %mul3A_1190 = vector.broadcast %squeeze3A_1170 : f32 to vector<16xf32>
        %mul3A_1191 = arith.mulf %mul3A_1190, %get3A_1189 : vector<16xf32>
        %add3A_1192 = arith.addf %add3A_1150, %mul3A_1191 : vector<16xf32>
        %get3A_1193 = arith.constant 0 : i32
        %get3A_1194 = arith.index_cast %get3A_1193 : i32 to index
        %get3A_1195 = arith.index_cast %add3A_1174 : i32 to index
        %get3A_1196 = arith.constant 32 : index
        %get3A_1197 = tpu.vector_load %arg10[%get3A_1194, %get3A_1195, %get3A_1196] {strides = array<i32>} : memref<2x200x64xf32, #tpu.memory_space<vmem>>, vector<1x1x16xf32>,
        %get3A_1198 = vector.shape_cast %get3A_1197 : vector<1x1x16xf32> to vector<16xf32>
        %mul3A_1199 = vector.broadcast %squeeze3A_1170 : f32 to vector<16xf32>
        %mul3A_1200 = arith.mulf %mul3A_1199, %get3A_1198 : vector<16xf32>
        %add3A_1201 = arith.addf %add3A_1159, %mul3A_1200 : vector<16xf32>
        %get3A_1202 = arith.constant 0 : i32
        %get3A_1203 = arith.index_cast %get3A_1202 : i32 to index
        %get3A_1204 = arith.index_cast %add3A_1174 : i32 to index
        %get3A_1205 = arith.constant 48 : index
        %get3A_1206 = tpu.vector_load %arg10[%get3A_1203, %get3A_1204, %get3A_1205] {strides = array<i32>} : memref<2x200x64xf32, #tpu.memory_space<vmem>>, vector<1x1x16xf32>,
        %get3A_1207 = vector.shape_cast %get3A_1206 : vector<1x1x16xf32> to vector<16xf32>
        %mul3A_1208 = vector.broadcast %squeeze3A_1170 : f32 to vector<16xf32>
        %mul3A_1209 = arith.mulf %mul3A_1208, %get3A_1207 : vector<16xf32>
        %add3A_1210 = arith.addf %add3A_1168, %mul3A_1209 : vector<16xf32>
        %slice3A_1211 = vector.extract_strided_slice %get3A_874 {offsets = [8], sizes = [1], strides = [1]} : vector<16xf32> to vector<1xf32>
        %squeeze3A_1212 = vector.extract %slice3A_1211[0] : f32 from vector<1xf32>
        %mul3A_1213 = arith.constant 16 : i32
        %mul3A_1214 = arith.muli %scan3A_864, %mul3A_1213 : i32
        %add3A_1215 = arith.constant 8 : i32
        %add3A_1216 = arith.addi %mul3A_1214, %add3A_1215 : i32
        %get3A_1217 = arith.constant 0 : i32
        %get3A_1218 = arith.index_cast %get3A_1217 : i32 to index
        %get3A_1219 = arith.index_cast %add3A_1216 : i32 to index
        %get3A_1220 = arith.constant 0 : index
        %get3A_1221 = tpu.vector_load %arg10[%get3A_1218, %get3A_1219, %get3A_1220] {strides = array<i32>} : memref<2x200x64xf32, #tpu.memory_space<vmem>>, vector<1x1x16xf32>,
        %get3A_1222 = vector.shape_cast %get3A_1221 : vector<1x1x16xf32> to vector<16xf32>
        %mul3A_1223 = vector.broadcast %squeeze3A_1212 : f32 to vector<16xf32>
        %mul3A_1224 = arith.mulf %mul3A_1223, %get3A_1222 : vector<16xf32>
        %add3A_1225 = arith.addf %add3A_1183, %mul3A_1224 : vector<16xf32>
        %get3A_1226 = arith.constant 0 : i32
        %get3A_1227 = arith.index_cast %get3A_1226 : i32 to index
        %get3A_1228 = arith.index_cast %add3A_1216 : i32 to index
        %get3A_1229 = arith.constant 16 : index
        %get3A_1230 = tpu.vector_load %arg10[%get3A_1227, %get3A_1228, %get3A_1229] {strides = array<i32>} : memref<2x200x64xf32, #tpu.memory_space<vmem>>, vector<1x1x16xf32>,
        %get3A_1231 = vector.shape_cast %get3A_1230 : vector<1x1x16xf32> to vector<16xf32>
        %mul3A_1232 = vector.broadcast %squeeze3A_1212 : f32 to vector<16xf32>
        %mul3A_1233 = arith.mulf %mul3A_1232, %get3A_1231 : vector<16xf32>
        %add3A_1234 = arith.addf %add3A_1192, %mul3A_1233 : vector<16xf32>
        %get3A_1235 = arith.constant 0 : i32
        %get3A_1236 = arith.index_cast %get3A_1235 : i32 to index
        %get3A_1237 = arith.index_cast %add3A_1216 : i32 to index
        %get3A_1238 = arith.constant 32 : index
        %get3A_1239 = tpu.vector_load %arg10[%get3A_1236, %get3A_1237, %get3A_1238] {strides = array<i32>} : memref<2x200x64xf32, #tpu.memory_space<vmem>>, vector<1x1x16xf32>,
        %get3A_1240 = vector.shape_cast %get3A_1239 : vector<1x1x16xf32> to vector<16xf32>
        %mul3A_1241 = vector.broadcast %squeeze3A_1212 : f32 to vector<16xf32>
        %mul3A_1242 = arith.mulf %mul3A_1241, %get3A_1240 : vector<16xf32>
        %add3A_1243 = arith.addf %add3A_1201, %mul3A_1242 : vector<16xf32>
        %get3A_1244 = arith.constant 0 : i32
        %get3A_1245 = arith.index_cast %get3A_1244 : i32 to index
        %get3A_1246 = arith.index_cast %add3A_1216 : i32 to index
        %get3A_1247 = arith.constant 48 : index
        %get3A_1248 = tpu.vector_load %arg10[%get3A_1245, %get3A_1246, %get3A_1247] {strides = array<i32>} : memref<2x200x64xf32, #tpu.memory_space<vmem>>, vector<1x1x16xf32>,
        %get3A_1249 = vector.shape_cast %get3A_1248 : vector<1x1x16xf32> to vector<16xf32>
        %mul3A_1250 = vector.broadcast %squeeze3A_1212 : f32 to vector<16xf32>
        %mul3A_1251 = arith.mulf %mul3A_1250, %get3A_1249 : vector<16xf32>
        %add3A_1252 = arith.addf %add3A_1210, %mul3A_1251 : vector<16xf32>
        %slice3A_1253 = vector.extract_strided_slice %get3A_874 {offsets = [9], sizes = [1], strides = [1]} : vector<16xf32> to vector<1xf32>
        %squeeze3A_1254 = vector.extract %slice3A_1253[0] : f32 from vector<1xf32>
        %mul3A_1255 = arith.constant 16 : i32
        %mul3A_1256 = arith.muli %scan3A_864, %mul3A_1255 : i32
        %add3A_1257 = arith.constant 9 : i32
        %add3A_1258 = arith.addi %mul3A_1256, %add3A_1257 : i32
        %get3A_1259 = arith.constant 0 : i32
        %get3A_1260 = arith.index_cast %get3A_1259 : i32 to index
        %get3A_1261 = arith.index_cast %add3A_1258 : i32 to index
        %get3A_1262 = arith.constant 0 : index
        %get3A_1263 = tpu.vector_load %arg10[%get3A_1260, %get3A_1261, %get3A_1262] {strides = array<i32>} : memref<2x200x64xf32, #tpu.memory_space<vmem>>, vector<1x1x16xf32>,
        %get3A_1264 = vector.shape_cast %get3A_1263 : vector<1x1x16xf32> to vector<16xf32>
        %mul3A_1265 = vector.broadcast %squeeze3A_1254 : f32 to vector<16xf32>
        %mul3A_1266 = arith.mulf %mul3A_1265, %get3A_1264 : vector<16xf32>
        %add3A_1267 = arith.addf %add3A_1225, %mul3A_1266 : vector<16xf32>
        %get3A_1268 = arith.constant 0 : i32
        %get3A_1269 = arith.index_cast %get3A_1268 : i32 to index
        %get3A_1270 = arith.index_cast %add3A_1258 : i32 to index
        %get3A_1271 = arith.constant 16 : index
        %get3A_1272 = tpu.vector_load %arg10[%get3A_1269, %get3A_1270, %get3A_1271] {strides = array<i32>} : memref<2x200x64xf32, #tpu.memory_space<vmem>>, vector<1x1x16xf32>,
        %get3A_1273 = vector.shape_cast %get3A_1272 : vector<1x1x16xf32> to vector<16xf32>
        %mul3A_1274 = vector.broadcast %squeeze3A_1254 : f32 to vector<16xf32>
        %mul3A_1275 = arith.mulf %mul3A_1274, %get3A_1273 : vector<16xf32>
        %add3A_1276 = arith.addf %add3A_1234, %mul3A_1275 : vector<16xf32>
        %get3A_1277 = arith.constant 0 : i32
        %get3A_1278 = arith.index_cast %get3A_1277 : i32 to index
        %get3A_1279 = arith.index_cast %add3A_1258 : i32 to index
        %get3A_1280 = arith.constant 32 : index
        %get3A_1281 = tpu.vector_load %arg10[%get3A_1278, %get3A_1279, %get3A_1280] {strides = array<i32>} : memref<2x200x64xf32, #tpu.memory_space<vmem>>, vector<1x1x16xf32>,
        %get3A_1282 = vector.shape_cast %get3A_1281 : vector<1x1x16xf32> to vector<16xf32>
        %mul3A_1283 = vector.broadcast %squeeze3A_1254 : f32 to vector<16xf32>
        %mul3A_1284 = arith.mulf %mul3A_1283, %get3A_1282 : vector<16xf32>
        %add3A_1285 = arith.addf %add3A_1243, %mul3A_1284 : vector<16xf32>
        %get3A_1286 = arith.constant 0 : i32
        %get3A_1287 = arith.index_cast %get3A_1286 : i32 to index
        %get3A_1288 = arith.index_cast %add3A_1258 : i32 to index
        %get3A_1289 = arith.constant 48 : index
        %get3A_1290 = tpu.vector_load %arg10[%get3A_1287, %get3A_1288, %get3A_1289] {strides = array<i32>} : memref<2x200x64xf32, #tpu.memory_space<vmem>>, vector<1x1x16xf32>,
        %get3A_1291 = vector.shape_cast %get3A_1290 : vector<1x1x16xf32> to vector<16xf32>
        %mul3A_1292 = vector.broadcast %squeeze3A_1254 : f32 to vector<16xf32>
        %mul3A_1293 = arith.mulf %mul3A_1292, %get3A_1291 : vector<16xf32>
        %add3A_1294 = arith.addf %add3A_1252, %mul3A_1293 : vector<16xf32>
        %slice3A_1295 = vector.extract_strided_slice %get3A_874 {offsets = [10], sizes = [1], strides = [1]} : vector<16xf32> to vector<1xf32>
        %squeeze3A_1296 = vector.extract %slice3A_1295[0] : f32 from vector<1xf32>
        %mul3A_1297 = arith.constant 16 : i32
        %mul3A_1298 = arith.muli %scan3A_864, %mul3A_1297 : i32
        %add3A_1299 = arith.constant 10 : i32
        %add3A_1300 = arith.addi %mul3A_1298, %add3A_1299 : i32
        %get3A_1301 = arith.constant 0 : i32
        %get3A_1302 = arith.index_cast %get3A_1301 : i32 to index
        %get3A_1303 = arith.index_cast %add3A_1300 : i32 to index
        %get3A_1304 = arith.constant 0 : index
        %get3A_1305 = tpu.vector_load %arg10[%get3A_1302, %get3A_1303, %get3A_1304] {strides = array<i32>} : memref<2x200x64xf32, #tpu.memory_space<vmem>>, vector<1x1x16xf32>,
        %get3A_1306 = vector.shape_cast %get3A_1305 : vector<1x1x16xf32> to vector<16xf32>
        %mul3A_1307 = vector.broadcast %squeeze3A_1296 : f32 to vector<16xf32>
        %mul3A_1308 = arith.mulf %mul3A_1307, %get3A_1306 : vector<16xf32>
        %add3A_1309 = arith.addf %add3A_1267, %mul3A_1308 : vector<16xf32>
        %get3A_1310 = arith.constant 0 : i32
        %get3A_1311 = arith.index_cast %get3A_1310 : i32 to index
        %get3A_1312 = arith.index_cast %add3A_1300 : i32 to index
        %get3A_1313 = arith.constant 16 : index
        %get3A_1314 = tpu.vector_load %arg10[%get3A_1311, %get3A_1312, %get3A_1313] {strides = array<i32>} : memref<2x200x64xf32, #tpu.memory_space<vmem>>, vector<1x1x16xf32>,
        %get3A_1315 = vector.shape_cast %get3A_1314 : vector<1x1x16xf32> to vector<16xf32>
        %mul3A_1316 = vector.broadcast %squeeze3A_1296 : f32 to vector<16xf32>
        %mul3A_1317 = arith.mulf %mul3A_1316, %get3A_1315 : vector<16xf32>
        %add3A_1318 = arith.addf %add3A_1276, %mul3A_1317 : vector<16xf32>
        %get3A_1319 = arith.constant 0 : i32
        %get3A_1320 = arith.index_cast %get3A_1319 : i32 to index
        %get3A_1321 = arith.index_cast %add3A_1300 : i32 to index
        %get3A_1322 = arith.constant 32 : index
        %get3A_1323 = tpu.vector_load %arg10[%get3A_1320, %get3A_1321, %get3A_1322] {strides = array<i32>} : memref<2x200x64xf32, #tpu.memory_space<vmem>>, vector<1x1x16xf32>,
        %get3A_1324 = vector.shape_cast %get3A_1323 : vector<1x1x16xf32> to vector<16xf32>
        %mul3A_1325 = vector.broadcast %squeeze3A_1296 : f32 to vector<16xf32>
        %mul3A_1326 = arith.mulf %mul3A_1325, %get3A_1324 : vector<16xf32>
        %add3A_1327 = arith.addf %add3A_1285, %mul3A_1326 : vector<16xf32>
        %get3A_1328 = arith.constant 0 : i32
        %get3A_1329 = arith.index_cast %get3A_1328 : i32 to index
        %get3A_1330 = arith.index_cast %add3A_1300 : i32 to index
        %get3A_1331 = arith.constant 48 : index
        %get3A_1332 = tpu.vector_load %arg10[%get3A_1329, %get3A_1330, %get3A_1331] {strides = array<i32>} : memref<2x200x64xf32, #tpu.memory_space<vmem>>, vector<1x1x16xf32>,
        %get3A_1333 = vector.shape_cast %get3A_1332 : vector<1x1x16xf32> to vector<16xf32>
        %mul3A_1334 = vector.broadcast %squeeze3A_1296 : f32 to vector<16xf32>
        %mul3A_1335 = arith.mulf %mul3A_1334, %get3A_1333 : vector<16xf32>
        %add3A_1336 = arith.addf %add3A_1294, %mul3A_1335 : vector<16xf32>
        %slice3A_1337 = vector.extract_strided_slice %get3A_874 {offsets = [11], sizes = [1], strides = [1]} : vector<16xf32> to vector<1xf32>
        %squeeze3A_1338 = vector.extract %slice3A_1337[0] : f32 from vector<1xf32>
        %mul3A_1339 = arith.constant 16 : i32
        %mul3A_1340 = arith.muli %scan3A_864, %mul3A_1339 : i32
        %add3A_1341 = arith.constant 11 : i32
        %add3A_1342 = arith.addi %mul3A_1340, %add3A_1341 : i32
        %get3A_1343 = arith.constant 0 : i32
        %get3A_1344 = arith.index_cast %get3A_1343 : i32 to index
        %get3A_1345 = arith.index_cast %add3A_1342 : i32 to index
        %get3A_1346 = arith.constant 0 : index
        %get3A_1347 = tpu.vector_load %arg10[%get3A_1344, %get3A_1345, %get3A_1346] {strides = array<i32>} : memref<2x200x64xf32, #tpu.memory_space<vmem>>, vector<1x1x16xf32>,
        %get3A_1348 = vector.shape_cast %get3A_1347 : vector<1x1x16xf32> to vector<16xf32>
        %mul3A_1349 = vector.broadcast %squeeze3A_1338 : f32 to vector<16xf32>
        %mul3A_1350 = arith.mulf %mul3A_1349, %get3A_1348 : vector<16xf32>
        %add3A_1351 = arith.addf %add3A_1309, %mul3A_1350 : vector<16xf32>
        %get3A_1352 = arith.constant 0 : i32
        %get3A_1353 = arith.index_cast %get3A_1352 : i32 to index
        %get3A_1354 = arith.index_cast %add3A_1342 : i32 to index
        %get3A_1355 = arith.constant 16 : index
        %get3A_1356 = tpu.vector_load %arg10[%get3A_1353, %get3A_1354, %get3A_1355] {strides = array<i32>} : memref<2x200x64xf32, #tpu.memory_space<vmem>>, vector<1x1x16xf32>,
        %get3A_1357 = vector.shape_cast %get3A_1356 : vector<1x1x16xf32> to vector<16xf32>
        %mul3A_1358 = vector.broadcast %squeeze3A_1338 : f32 to vector<16xf32>
        %mul3A_1359 = arith.mulf %mul3A_1358, %get3A_1357 : vector<16xf32>
        %add3A_1360 = arith.addf %add3A_1318, %mul3A_1359 : vector<16xf32>
        %get3A_1361 = arith.constant 0 : i32
        %get3A_1362 = arith.index_cast %get3A_1361 : i32 to index
        %get3A_1363 = arith.index_cast %add3A_1342 : i32 to index
        %get3A_1364 = arith.constant 32 : index
        %get3A_1365 = tpu.vector_load %arg10[%get3A_1362, %get3A_1363, %get3A_1364] {strides = array<i32>} : memref<2x200x64xf32, #tpu.memory_space<vmem>>, vector<1x1x16xf32>,
        %get3A_1366 = vector.shape_cast %get3A_1365 : vector<1x1x16xf32> to vector<16xf32>
        %mul3A_1367 = vector.broadcast %squeeze3A_1338 : f32 to vector<16xf32>
        %mul3A_1368 = arith.mulf %mul3A_1367, %get3A_1366 : vector<16xf32>
        %add3A_1369 = arith.addf %add3A_1327, %mul3A_1368 : vector<16xf32>
        %get3A_1370 = arith.constant 0 : i32
        %get3A_1371 = arith.index_cast %get3A_1370 : i32 to index
        %get3A_1372 = arith.index_cast %add3A_1342 : i32 to index
        %get3A_1373 = arith.constant 48 : index
        %get3A_1374 = tpu.vector_load %arg10[%get3A_1371, %get3A_1372, %get3A_1373] {strides = array<i32>} : memref<2x200x64xf32, #tpu.memory_space<vmem>>, vector<1x1x16xf32>,
        %get3A_1375 = vector.shape_cast %get3A_1374 : vector<1x1x16xf32> to vector<16xf32>
        %mul3A_1376 = vector.broadcast %squeeze3A_1338 : f32 to vector<16xf32>
        %mul3A_1377 = arith.mulf %mul3A_1376, %get3A_1375 : vector<16xf32>
        %add3A_1378 = arith.addf %add3A_1336, %mul3A_1377 : vector<16xf32>
        %slice3A_1379 = vector.extract_strided_slice %get3A_874 {offsets = [12], sizes = [1], strides = [1]} : vector<16xf32> to vector<1xf32>
        %squeeze3A_1380 = vector.extract %slice3A_1379[0] : f32 from vector<1xf32>
        %mul3A_1381 = arith.constant 16 : i32
        %mul3A_1382 = arith.muli %scan3A_864, %mul3A_1381 : i32
        %add3A_1383 = arith.constant 12 : i32
        %add3A_1384 = arith.addi %mul3A_1382, %add3A_1383 : i32
        %get3A_1385 = arith.constant 0 : i32
        %get3A_1386 = arith.index_cast %get3A_1385 : i32 to index
        %get3A_1387 = arith.index_cast %add3A_1384 : i32 to index
        %get3A_1388 = arith.constant 0 : index
        %get3A_1389 = tpu.vector_load %arg10[%get3A_1386, %get3A_1387, %get3A_1388] {strides = array<i32>} : memref<2x200x64xf32, #tpu.memory_space<vmem>>, vector<1x1x16xf32>,
        %get3A_1390 = vector.shape_cast %get3A_1389 : vector<1x1x16xf32> to vector<16xf32>
        %mul3A_1391 = vector.broadcast %squeeze3A_1380 : f32 to vector<16xf32>
        %mul3A_1392 = arith.mulf %mul3A_1391, %get3A_1390 : vector<16xf32>
        %add3A_1393 = arith.addf %add3A_1351, %mul3A_1392 : vector<16xf32>
        %get3A_1394 = arith.constant 0 : i32
        %get3A_1395 = arith.index_cast %get3A_1394 : i32 to index
        %get3A_1396 = arith.index_cast %add3A_1384 : i32 to index
        %get3A_1397 = arith.constant 16 : index
        %get3A_1398 = tpu.vector_load %arg10[%get3A_1395, %get3A_1396, %get3A_1397] {strides = array<i32>} : memref<2x200x64xf32, #tpu.memory_space<vmem>>, vector<1x1x16xf32>,
        %get3A_1399 = vector.shape_cast %get3A_1398 : vector<1x1x16xf32> to vector<16xf32>
        %mul3A_1400 = vector.broadcast %squeeze3A_1380 : f32 to vector<16xf32>
        %mul3A_1401 = arith.mulf %mul3A_1400, %get3A_1399 : vector<16xf32>
        %add3A_1402 = arith.addf %add3A_1360, %mul3A_1401 : vector<16xf32>
        %get3A_1403 = arith.constant 0 : i32
        %get3A_1404 = arith.index_cast %get3A_1403 : i32 to index
        %get3A_1405 = arith.index_cast %add3A_1384 : i32 to index
        %get3A_1406 = arith.constant 32 : index
        %get3A_1407 = tpu.vector_load %arg10[%get3A_1404, %get3A_1405, %get3A_1406] {strides = array<i32>} : memref<2x200x64xf32, #tpu.memory_space<vmem>>, vector<1x1x16xf32>,
        %get3A_1408 = vector.shape_cast %get3A_1407 : vector<1x1x16xf32> to vector<16xf32>
        %mul3A_1409 = vector.broadcast %squeeze3A_1380 : f32 to vector<16xf32>
        %mul3A_1410 = arith.mulf %mul3A_1409, %get3A_1408 : vector<16xf32>
        %add3A_1411 = arith.addf %add3A_1369, %mul3A_1410 : vector<16xf32>
        %get3A_1412 = arith.constant 0 : i32
        %get3A_1413 = arith.index_cast %get3A_1412 : i32 to index
        %get3A_1414 = arith.index_cast %add3A_1384 : i32 to index
        %get3A_1415 = arith.constant 48 : index
        %get3A_1416 = tpu.vector_load %arg10[%get3A_1413, %get3A_1414, %get3A_1415] {strides = array<i32>} : memref<2x200x64xf32, #tpu.memory_space<vmem>>, vector<1x1x16xf32>,
        %get3A_1417 = vector.shape_cast %get3A_1416 : vector<1x1x16xf32> to vector<16xf32>
        %mul3A_1418 = vector.broadcast %squeeze3A_1380 : f32 to vector<16xf32>
        %mul3A_1419 = arith.mulf %mul3A_1418, %get3A_1417 : vector<16xf32>
        %add3A_1420 = arith.addf %add3A_1378, %mul3A_1419 : vector<16xf32>
        %slice3A_1421 = vector.extract_strided_slice %get3A_874 {offsets = [13], sizes = [1], strides = [1]} : vector<16xf32> to vector<1xf32>
        %squeeze3A_1422 = vector.extract %slice3A_1421[0] : f32 from vector<1xf32>
        %mul3A_1423 = arith.constant 16 : i32
        %mul3A_1424 = arith.muli %scan3A_864, %mul3A_1423 : i32
        %add3A_1425 = arith.constant 13 : i32
        %add3A_1426 = arith.addi %mul3A_1424, %add3A_1425 : i32
        %get3A_1427 = arith.constant 0 : i32
        %get3A_1428 = arith.index_cast %get3A_1427 : i32 to index
        %get3A_1429 = arith.index_cast %add3A_1426 : i32 to index
        %get3A_1430 = arith.constant 0 : index
        %get3A_1431 = tpu.vector_load %arg10[%get3A_1428, %get3A_1429, %get3A_1430] {strides = array<i32>} : memref<2x200x64xf32, #tpu.memory_space<vmem>>, vector<1x1x16xf32>,
        %get3A_1432 = vector.shape_cast %get3A_1431 : vector<1x1x16xf32> to vector<16xf32>
        %mul3A_1433 = vector.broadcast %squeeze3A_1422 : f32 to vector<16xf32>
        %mul3A_1434 = arith.mulf %mul3A_1433, %get3A_1432 : vector<16xf32>
        %add3A_1435 = arith.addf %add3A_1393, %mul3A_1434 : vector<16xf32>
        %get3A_1436 = arith.constant 0 : i32
        %get3A_1437 = arith.index_cast %get3A_1436 : i32 to index
        %get3A_1438 = arith.index_cast %add3A_1426 : i32 to index
        %get3A_1439 = arith.constant 16 : index
        %get3A_1440 = tpu.vector_load %arg10[%get3A_1437, %get3A_1438, %get3A_1439] {strides = array<i32>} : memref<2x200x64xf32, #tpu.memory_space<vmem>>, vector<1x1x16xf32>,
        %get3A_1441 = vector.shape_cast %get3A_1440 : vector<1x1x16xf32> to vector<16xf32>
        %mul3A_1442 = vector.broadcast %squeeze3A_1422 : f32 to vector<16xf32>
        %mul3A_1443 = arith.mulf %mul3A_1442, %get3A_1441 : vector<16xf32>
        %add3A_1444 = arith.addf %add3A_1402, %mul3A_1443 : vector<16xf32>
        %get3A_1445 = arith.constant 0 : i32
        %get3A_1446 = arith.index_cast %get3A_1445 : i32 to index
        %get3A_1447 = arith.index_cast %add3A_1426 : i32 to index
        %get3A_1448 = arith.constant 32 : index
        %get3A_1449 = tpu.vector_load %arg10[%get3A_1446, %get3A_1447, %get3A_1448] {strides = array<i32>} : memref<2x200x64xf32, #tpu.memory_space<vmem>>, vector<1x1x16xf32>,
        %get3A_1450 = vector.shape_cast %get3A_1449 : vector<1x1x16xf32> to vector<16xf32>
        %mul3A_1451 = vector.broadcast %squeeze3A_1422 : f32 to vector<16xf32>
        %mul3A_1452 = arith.mulf %mul3A_1451, %get3A_1450 : vector<16xf32>
        %add3A_1453 = arith.addf %add3A_1411, %mul3A_1452 : vector<16xf32>
        %get3A_1454 = arith.constant 0 : i32
        %get3A_1455 = arith.index_cast %get3A_1454 : i32 to index
        %get3A_1456 = arith.index_cast %add3A_1426 : i32 to index
        %get3A_1457 = arith.constant 48 : index
        %get3A_1458 = tpu.vector_load %arg10[%get3A_1455, %get3A_1456, %get3A_1457] {strides = array<i32>} : memref<2x200x64xf32, #tpu.memory_space<vmem>>, vector<1x1x16xf32>,
        %get3A_1459 = vector.shape_cast %get3A_1458 : vector<1x1x16xf32> to vector<16xf32>
        %mul3A_1460 = vector.broadcast %squeeze3A_1422 : f32 to vector<16xf32>
        %mul3A_1461 = arith.mulf %mul3A_1460, %get3A_1459 : vector<16xf32>
        %add3A_1462 = arith.addf %add3A_1420, %mul3A_1461 : vector<16xf32>
        %slice3A_1463 = vector.extract_strided_slice %get3A_874 {offsets = [14], sizes = [1], strides = [1]} : vector<16xf32> to vector<1xf32>
        %squeeze3A_1464 = vector.extract %slice3A_1463[0] : f32 from vector<1xf32>
        %mul3A_1465 = arith.constant 16 : i32
        %mul3A_1466 = arith.muli %scan3A_864, %mul3A_1465 : i32
        %add3A_1467 = arith.constant 14 : i32
        %add3A_1468 = arith.addi %mul3A_1466, %add3A_1467 : i32
        %get3A_1469 = arith.constant 0 : i32
        %get3A_1470 = arith.index_cast %get3A_1469 : i32 to index
        %get3A_1471 = arith.index_cast %add3A_1468 : i32 to index
        %get3A_1472 = arith.constant 0 : index
        %get3A_1473 = tpu.vector_load %arg10[%get3A_1470, %get3A_1471, %get3A_1472] {strides = array<i32>} : memref<2x200x64xf32, #tpu.memory_space<vmem>>, vector<1x1x16xf32>,
        %get3A_1474 = vector.shape_cast %get3A_1473 : vector<1x1x16xf32> to vector<16xf32>
        %mul3A_1475 = vector.broadcast %squeeze3A_1464 : f32 to vector<16xf32>
        %mul3A_1476 = arith.mulf %mul3A_1475, %get3A_1474 : vector<16xf32>
        %add3A_1477 = arith.addf %add3A_1435, %mul3A_1476 : vector<16xf32>
        %get3A_1478 = arith.constant 0 : i32
        %get3A_1479 = arith.index_cast %get3A_1478 : i32 to index
        %get3A_1480 = arith.index_cast %add3A_1468 : i32 to index
        %get3A_1481 = arith.constant 16 : index
        %get3A_1482 = tpu.vector_load %arg10[%get3A_1479, %get3A_1480, %get3A_1481] {strides = array<i32>} : memref<2x200x64xf32, #tpu.memory_space<vmem>>, vector<1x1x16xf32>,
        %get3A_1483 = vector.shape_cast %get3A_1482 : vector<1x1x16xf32> to vector<16xf32>
        %mul3A_1484 = vector.broadcast %squeeze3A_1464 : f32 to vector<16xf32>
        %mul3A_1485 = arith.mulf %mul3A_1484, %get3A_1483 : vector<16xf32>
        %add3A_1486 = arith.addf %add3A_1444, %mul3A_1485 : vector<16xf32>
        %get3A_1487 = arith.constant 0 : i32
        %get3A_1488 = arith.index_cast %get3A_1487 : i32 to index
        %get3A_1489 = arith.index_cast %add3A_1468 : i32 to index
        %get3A_1490 = arith.constant 32 : index
        %get3A_1491 = tpu.vector_load %arg10[%get3A_1488, %get3A_1489, %get3A_1490] {strides = array<i32>} : memref<2x200x64xf32, #tpu.memory_space<vmem>>, vector<1x1x16xf32>,
        %get3A_1492 = vector.shape_cast %get3A_1491 : vector<1x1x16xf32> to vector<16xf32>
        %mul3A_1493 = vector.broadcast %squeeze3A_1464 : f32 to vector<16xf32>
        %mul3A_1494 = arith.mulf %mul3A_1493, %get3A_1492 : vector<16xf32>
        %add3A_1495 = arith.addf %add3A_1453, %mul3A_1494 : vector<16xf32>
        %get3A_1496 = arith.constant 0 : i32
        %get3A_1497 = arith.index_cast %get3A_1496 : i32 to index
        %get3A_1498 = arith.index_cast %add3A_1468 : i32 to index
        %get3A_1499 = arith.constant 48 : index
        %get3A_1500 = tpu.vector_load %arg10[%get3A_1497, %get3A_1498, %get3A_1499] {strides = array<i32>} : memref<2x200x64xf32, #tpu.memory_space<vmem>>, vector<1x1x16xf32>,
        %get3A_1501 = vector.shape_cast %get3A_1500 : vector<1x1x16xf32> to vector<16xf32>
        %mul3A_1502 = vector.broadcast %squeeze3A_1464 : f32 to vector<16xf32>
        %mul3A_1503 = arith.mulf %mul3A_1502, %get3A_1501 : vector<16xf32>
        %add3A_1504 = arith.addf %add3A_1462, %mul3A_1503 : vector<16xf32>
        %slice3A_1505 = vector.extract_strided_slice %get3A_874 {offsets = [15], sizes = [1], strides = [1]} : vector<16xf32> to vector<1xf32>
        %squeeze3A_1506 = vector.extract %slice3A_1505[0] : f32 from vector<1xf32>
        %mul3A_1507 = arith.constant 16 : i32
        %mul3A_1508 = arith.muli %scan3A_864, %mul3A_1507 : i32
        %add3A_1509 = arith.constant 15 : i32
        %add3A_1510 = arith.addi %mul3A_1508, %add3A_1509 : i32
        %get3A_1511 = arith.constant 0 : i32
        %get3A_1512 = arith.index_cast %get3A_1511 : i32 to index
        %get3A_1513 = arith.index_cast %add3A_1510 : i32 to index
        %get3A_1514 = arith.constant 0 : index
        %get3A_1515 = tpu.vector_load %arg10[%get3A_1512, %get3A_1513, %get3A_1514] {strides = array<i32>} : memref<2x200x64xf32, #tpu.memory_space<vmem>>, vector<1x1x16xf32>,
        %get3A_1516 = vector.shape_cast %get3A_1515 : vector<1x1x16xf32> to vector<16xf32>
        %mul3A_1517 = vector.broadcast %squeeze3A_1506 : f32 to vector<16xf32>
        %mul3A_1518 = arith.mulf %mul3A_1517, %get3A_1516 : vector<16xf32>
        %add3A_1519 = arith.addf %add3A_1477, %mul3A_1518 : vector<16xf32>
        %get3A_1520 = arith.constant 0 : i32
        %get3A_1521 = arith.index_cast %get3A_1520 : i32 to index
        %get3A_1522 = arith.index_cast %add3A_1510 : i32 to index
        %get3A_1523 = arith.constant 16 : index
        %get3A_1524 = tpu.vector_load %arg10[%get3A_1521, %get3A_1522, %get3A_1523] {strides = array<i32>} : memref<2x200x64xf32, #tpu.memory_space<vmem>>, vector<1x1x16xf32>,
        %get3A_1525 = vector.shape_cast %get3A_1524 : vector<1x1x16xf32> to vector<16xf32>
        %mul3A_1526 = vector.broadcast %squeeze3A_1506 : f32 to vector<16xf32>
        %mul3A_1527 = arith.mulf %mul3A_1526, %get3A_1525 : vector<16xf32>
        %add3A_1528 = arith.addf %add3A_1486, %mul3A_1527 : vector<16xf32>
        %get3A_1529 = arith.constant 0 : i32
        %get3A_1530 = arith.index_cast %get3A_1529 : i32 to index
        %get3A_1531 = arith.index_cast %add3A_1510 : i32 to index
        %get3A_1532 = arith.constant 32 : index
        %get3A_1533 = tpu.vector_load %arg10[%get3A_1530, %get3A_1531, %get3A_1532] {strides = array<i32>} : memref<2x200x64xf32, #tpu.memory_space<vmem>>, vector<1x1x16xf32>,
        %get3A_1534 = vector.shape_cast %get3A_1533 : vector<1x1x16xf32> to vector<16xf32>
        %mul3A_1535 = vector.broadcast %squeeze3A_1506 : f32 to vector<16xf32>
        %mul3A_1536 = arith.mulf %mul3A_1535, %get3A_1534 : vector<16xf32>
        %add3A_1537 = arith.addf %add3A_1495, %mul3A_1536 : vector<16xf32>
        %get3A_1538 = arith.constant 0 : i32
        %get3A_1539 = arith.index_cast %get3A_1538 : i32 to index
        %get3A_1540 = arith.index_cast %add3A_1510 : i32 to index
        %get3A_1541 = arith.constant 48 : index
        %get3A_1542 = tpu.vector_load %arg10[%get3A_1539, %get3A_1540, %get3A_1541] {strides = array<i32>} : memref<2x200x64xf32, #tpu.memory_space<vmem>>, vector<1x1x16xf32>,
        %get3A_1543 = vector.shape_cast %get3A_1542 : vector<1x1x16xf32> to vector<16xf32>
        %mul3A_1544 = vector.broadcast %squeeze3A_1506 : f32 to vector<16xf32>
        %mul3A_1545 = arith.mulf %mul3A_1544, %get3A_1543 : vector<16xf32>
        %add3A_1546 = arith.addf %add3A_1504, %mul3A_1545 : vector<16xf32>
        scf.yield %add3A_1519, %add3A_1528, %add3A_1537, %add3A_1546 : vector<16xf32>, vector<16xf32>, vector<16xf32>, vector<16xf32>
      }
      %scan3A_104 = arith.constant 12 : i32
      %add3A_105 = arith.constant 192 : i32
      %add3A_106 = arith.addi %mul3A_97, %add3A_105 : i32
      %get3A = arith.index_cast %add3A_106 : i32 to index
      %get3A_107 = tpu.vector_load %arg8[%get3A] {strides = array<i32>} : memref<25616xf32, #tpu.memory_space<vmem>>, vector<16xf32>,
      %get3A_108 = vector.shape_cast %get3A_107 : vector<16xf32> to vector<16xf32>
      %slice3A = vector.extract_strided_slice %get3A_108 {offsets = [0], sizes = [1], strides = [1]} : vector<16xf32> to vector<1xf32>
      %squeeze3A = vector.extract %slice3A[0] : f32 from vector<1xf32>
      %get3A_109 = arith.constant 0 : i32
      %get3A_110 = arith.constant 192 : i32
      %get3A_111 = arith.index_cast %get3A_109 : i32 to index
      %get3A_112 = arith.index_cast %get3A_110 : i32 to index
      %get3A_113 = arith.constant 0 : index
      %get3A_114 = tpu.vector_load %arg10[%get3A_111, %get3A_112, %get3A_113] {strides = array<i32>} : memref<2x200x64xf32, #tpu.memory_space<vmem>>, vector<1x1x16xf32>,
      %get3A_115 = vector.shape_cast %get3A_114 : vector<1x1x16xf32> to vector<16xf32>
      %mul3A_116 = vector.broadcast %squeeze3A : f32 to vector<16xf32>
      %mul3A_117 = arith.mulf %mul3A_116, %get3A_115 : vector<16xf32>
      %add3A_118 = arith.addf %scan3A_103#0, %mul3A_117 : vector<16xf32>
      %get3A_119 = arith.constant 0 : i32
      %get3A_120 = arith.constant 192 : i32
      %get3A_121 = arith.index_cast %get3A_119 : i32 to index
      %get3A_122 = arith.index_cast %get3A_120 : i32 to index
      %get3A_123 = arith.constant 16 : index
      %get3A_124 = tpu.vector_load %arg10[%get3A_121, %get3A_122, %get3A_123] {strides = array<i32>} : memref<2x200x64xf32, #tpu.memory_space<vmem>>, vector<1x1x16xf32>,
      %get3A_125 = vector.shape_cast %get3A_124 : vector<1x1x16xf32> to vector<16xf32>
      %mul3A_126 = vector.broadcast %squeeze3A : f32 to vector<16xf32>
      %mul3A_127 = arith.mulf %mul3A_126, %get3A_125 : vector<16xf32>
      %add3A_128 = arith.addf %scan3A_103#1, %mul3A_127 : vector<16xf32>
      %get3A_129 = arith.constant 0 : i32
      %get3A_130 = arith.constant 192 : i32
      %get3A_131 = arith.index_cast %get3A_129 : i32 to index
      %get3A_132 = arith.index_cast %get3A_130 : i32 to index
      %get3A_133 = arith.constant 32 : index
      %get3A_134 = tpu.vector_load %arg10[%get3A_131, %get3A_132, %get3A_133] {strides = array<i32>} : memref<2x200x64xf32, #tpu.memory_space<vmem>>, vector<1x1x16xf32>,
      %get3A_135 = vector.shape_cast %get3A_134 : vector<1x1x16xf32> to vector<16xf32>
      %mul3A_136 = vector.broadcast %squeeze3A : f32 to vector<16xf32>
      %mul3A_137 = arith.mulf %mul3A_136, %get3A_135 : vector<16xf32>
      %add3A_138 = arith.addf %scan3A_103#2, %mul3A_137 : vector<16xf32>
      %get3A_139 = arith.constant 0 : i32
      %get3A_140 = arith.constant 192 : i32
      %get3A_141 = arith.index_cast %get3A_139 : i32 to index
      %get3A_142 = arith.index_cast %get3A_140 : i32 to index
      %get3A_143 = arith.constant 48 : index
      %get3A_144 = tpu.vector_load %arg10[%get3A_141, %get3A_142, %get3A_143] {strides = array<i32>} : memref<2x200x64xf32, #tpu.memory_space<vmem>>, vector<1x1x16xf32>,
      %get3A_145 = vector.shape_cast %get3A_144 : vector<1x1x16xf32> to vector<16xf32>
      %mul3A_146 = vector.broadcast %squeeze3A : f32 to vector<16xf32>
      %mul3A_147 = arith.mulf %mul3A_146, %get3A_145 : vector<16xf32>
      %add3A_148 = arith.addf %scan3A_103#3, %mul3A_147 : vector<16xf32>
      %slice3A_149 = vector.extract_strided_slice %get3A_108 {offsets = [1], sizes = [1], strides = [1]} : vector<16xf32> to vector<1xf32>
      %squeeze3A_150 = vector.extract %slice3A_149[0] : f32 from vector<1xf32>
      %get3A_151 = arith.constant 0 : i32
      %get3A_152 = arith.constant 193 : i32
      %get3A_153 = arith.index_cast %get3A_151 : i32 to index
      %get3A_154 = arith.index_cast %get3A_152 : i32 to index
      %get3A_155 = arith.constant 0 : index
      %get3A_156 = tpu.vector_load %arg10[%get3A_153, %get3A_154, %get3A_155] {strides = array<i32>} : memref<2x200x64xf32, #tpu.memory_space<vmem>>, vector<1x1x16xf32>,
      %get3A_157 = vector.shape_cast %get3A_156 : vector<1x1x16xf32> to vector<16xf32>
      %mul3A_158 = vector.broadcast %squeeze3A_150 : f32 to vector<16xf32>
      %mul3A_159 = arith.mulf %mul3A_158, %get3A_157 : vector<16xf32>
      %add3A_160 = arith.addf %add3A_118, %mul3A_159 : vector<16xf32>
      %get3A_161 = arith.constant 0 : i32
      %get3A_162 = arith.constant 193 : i32
      %get3A_163 = arith.index_cast %get3A_161 : i32 to index
      %get3A_164 = arith.index_cast %get3A_162 : i32 to index
      %get3A_165 = arith.constant 16 : index
      %get3A_166 = tpu.vector_load %arg10[%get3A_163, %get3A_164, %get3A_165] {strides = array<i32>} : memref<2x200x64xf32, #tpu.memory_space<vmem>>, vector<1x1x16xf32>,
      %get3A_167 = vector.shape_cast %get3A_166 : vector<1x1x16xf32> to vector<16xf32>
      %mul3A_168 = vector.broadcast %squeeze3A_150 : f32 to vector<16xf32>
      %mul3A_169 = arith.mulf %mul3A_168, %get3A_167 : vector<16xf32>
      %add3A_170 = arith.addf %add3A_128, %mul3A_169 : vector<16xf32>
      %get3A_171 = arith.constant 0 : i32
      %get3A_172 = arith.constant 193 : i32
      %get3A_173 = arith.index_cast %get3A_171 : i32 to index
      %get3A_174 = arith.index_cast %get3A_172 : i32 to index
      %get3A_175 = arith.constant 32 : index
      %get3A_176 = tpu.vector_load %arg10[%get3A_173, %get3A_174, %get3A_175] {strides = array<i32>} : memref<2x200x64xf32, #tpu.memory_space<vmem>>, vector<1x1x16xf32>,
      %get3A_177 = vector.shape_cast %get3A_176 : vector<1x1x16xf32> to vector<16xf32>
      %mul3A_178 = vector.broadcast %squeeze3A_150 : f32 to vector<16xf32>
      %mul3A_179 = arith.mulf %mul3A_178, %get3A_177 : vector<16xf32>
      %add3A_180 = arith.addf %add3A_138, %mul3A_179 : vector<16xf32>
      %get3A_181 = arith.constant 0 : i32
      %get3A_182 = arith.constant 193 : i32
      %get3A_183 = arith.index_cast %get3A_181 : i32 to index
      %get3A_184 = arith.index_cast %get3A_182 : i32 to index
      %get3A_185 = arith.constant 48 : index
      %get3A_186 = tpu.vector_load %arg10[%get3A_183, %get3A_184, %get3A_185] {strides = array<i32>} : memref<2x200x64xf32, #tpu.memory_space<vmem>>, vector<1x1x16xf32>,
      %get3A_187 = vector.shape_cast %get3A_186 : vector<1x1x16xf32> to vector<16xf32>
      %mul3A_188 = vector.broadcast %squeeze3A_150 : f32 to vector<16xf32>
      %mul3A_189 = arith.mulf %mul3A_188, %get3A_187 : vector<16xf32>
      %add3A_190 = arith.addf %add3A_148, %mul3A_189 : vector<16xf32>
      %slice3A_191 = vector.extract_strided_slice %get3A_108 {offsets = [2], sizes = [1], strides = [1]} : vector<16xf32> to vector<1xf32>
      %squeeze3A_192 = vector.extract %slice3A_191[0] : f32 from vector<1xf32>
      %get3A_193 = arith.constant 0 : i32
      %get3A_194 = arith.constant 194 : i32
      %get3A_195 = arith.index_cast %get3A_193 : i32 to index
      %get3A_196 = arith.index_cast %get3A_194 : i32 to index
      %get3A_197 = arith.constant 0 : index
      %get3A_198 = tpu.vector_load %arg10[%get3A_195, %get3A_196, %get3A_197] {strides = array<i32>} : memref<2x200x64xf32, #tpu.memory_space<vmem>>, vector<1x1x16xf32>,
      %get3A_199 = vector.shape_cast %get3A_198 : vector<1x1x16xf32> to vector<16xf32>
      %mul3A_200 = vector.broadcast %squeeze3A_192 : f32 to vector<16xf32>
      %mul3A_201 = arith.mulf %mul3A_200, %get3A_199 : vector<16xf32>
      %add3A_202 = arith.addf %add3A_160, %mul3A_201 : vector<16xf32>
      %get3A_203 = arith.constant 0 : i32
      %get3A_204 = arith.constant 194 : i32
      %get3A_205 = arith.index_cast %get3A_203 : i32 to index
      %get3A_206 = arith.index_cast %get3A_204 : i32 to index
      %get3A_207 = arith.constant 16 : index
      %get3A_208 = tpu.vector_load %arg10[%get3A_205, %get3A_206, %get3A_207] {strides = array<i32>} : memref<2x200x64xf32, #tpu.memory_space<vmem>>, vector<1x1x16xf32>,
      %get3A_209 = vector.shape_cast %get3A_208 : vector<1x1x16xf32> to vector<16xf32>
      %mul3A_210 = vector.broadcast %squeeze3A_192 : f32 to vector<16xf32>
      %mul3A_211 = arith.mulf %mul3A_210, %get3A_209 : vector<16xf32>
      %add3A_212 = arith.addf %add3A_170, %mul3A_211 : vector<16xf32>
      %get3A_213 = arith.constant 0 : i32
      %get3A_214 = arith.constant 194 : i32
      %get3A_215 = arith.index_cast %get3A_213 : i32 to index
      %get3A_216 = arith.index_cast %get3A_214 : i32 to index
      %get3A_217 = arith.constant 32 : index
      %get3A_218 = tpu.vector_load %arg10[%get3A_215, %get3A_216, %get3A_217] {strides = array<i32>} : memref<2x200x64xf32, #tpu.memory_space<vmem>>, vector<1x1x16xf32>,
      %get3A_219 = vector.shape_cast %get3A_218 : vector<1x1x16xf32> to vector<16xf32>
      %mul3A_220 = vector.broadcast %squeeze3A_192 : f32 to vector<16xf32>
      %mul3A_221 = arith.mulf %mul3A_220, %get3A_219 : vector<16xf32>
      %add3A_222 = arith.addf %add3A_180, %mul3A_221 : vector<16xf32>
      %get3A_223 = arith.constant 0 : i32
      %get3A_224 = arith.constant 194 : i32
      %get3A_225 = arith.index_cast %get3A_223 : i32 to index
      %get3A_226 = arith.index_cast %get3A_224 : i32 to index
      %get3A_227 = arith.constant 48 : index
      %get3A_228 = tpu.vector_load %arg10[%get3A_225, %get3A_226, %get3A_227] {strides = array<i32>} : memref<2x200x64xf32, #tpu.memory_space<vmem>>, vector<1x1x16xf32>,
      %get3A_229 = vector.shape_cast %get3A_228 : vector<1x1x16xf32> to vector<16xf32>
      %mul3A_230 = vector.broadcast %squeeze3A_192 : f32 to vector<16xf32>
      %mul3A_231 = arith.mulf %mul3A_230, %get3A_229 : vector<16xf32>
      %add3A_232 = arith.addf %add3A_190, %mul3A_231 : vector<16xf32>
      %slice3A_233 = vector.extract_strided_slice %get3A_108 {offsets = [3], sizes = [1], strides = [1]} : vector<16xf32> to vector<1xf32>
      %squeeze3A_234 = vector.extract %slice3A_233[0] : f32 from vector<1xf32>
      %get3A_235 = arith.constant 0 : i32
      %get3A_236 = arith.constant 195 : i32
      %get3A_237 = arith.index_cast %get3A_235 : i32 to index
      %get3A_238 = arith.index_cast %get3A_236 : i32 to index
      %get3A_239 = arith.constant 0 : index
      %get3A_240 = tpu.vector_load %arg10[%get3A_237, %get3A_238, %get3A_239] {strides = array<i32>} : memref<2x200x64xf32, #tpu.memory_space<vmem>>, vector<1x1x16xf32>,
      %get3A_241 = vector.shape_cast %get3A_240 : vector<1x1x16xf32> to vector<16xf32>
      %mul3A_242 = vector.broadcast %squeeze3A_234 : f32 to vector<16xf32>
      %mul3A_243 = arith.mulf %mul3A_242, %get3A_241 : vector<16xf32>
      %add3A_244 = arith.addf %add3A_202, %mul3A_243 : vector<16xf32>
      %get3A_245 = arith.constant 0 : i32
      %get3A_246 = arith.constant 195 : i32
      %get3A_247 = arith.index_cast %get3A_245 : i32 to index
      %get3A_248 = arith.index_cast %get3A_246 : i32 to index
      %get3A_249 = arith.constant 16 : index
      %get3A_250 = tpu.vector_load %arg10[%get3A_247, %get3A_248, %get3A_249] {strides = array<i32>} : memref<2x200x64xf32, #tpu.memory_space<vmem>>, vector<1x1x16xf32>,
      %get3A_251 = vector.shape_cast %get3A_250 : vector<1x1x16xf32> to vector<16xf32>
      %mul3A_252 = vector.broadcast %squeeze3A_234 : f32 to vector<16xf32>
      %mul3A_253 = arith.mulf %mul3A_252, %get3A_251 : vector<16xf32>
      %add3A_254 = arith.addf %add3A_212, %mul3A_253 : vector<16xf32>
      %get3A_255 = arith.constant 0 : i32
      %get3A_256 = arith.constant 195 : i32
      %get3A_257 = arith.index_cast %get3A_255 : i32 to index
      %get3A_258 = arith.index_cast %get3A_256 : i32 to index
      %get3A_259 = arith.constant 32 : index
      %get3A_260 = tpu.vector_load %arg10[%get3A_257, %get3A_258, %get3A_259] {strides = array<i32>} : memref<2x200x64xf32, #tpu.memory_space<vmem>>, vector<1x1x16xf32>,
      %get3A_261 = vector.shape_cast %get3A_260 : vector<1x1x16xf32> to vector<16xf32>
      %mul3A_262 = vector.broadcast %squeeze3A_234 : f32 to vector<16xf32>
      %mul3A_263 = arith.mulf %mul3A_262, %get3A_261 : vector<16xf32>
      %add3A_264 = arith.addf %add3A_222, %mul3A_263 : vector<16xf32>
      %get3A_265 = arith.constant 0 : i32
      %get3A_266 = arith.constant 195 : i32
      %get3A_267 = arith.index_cast %get3A_265 : i32 to index
      %get3A_268 = arith.index_cast %get3A_266 : i32 to index
      %get3A_269 = arith.constant 48 : index
      %get3A_270 = tpu.vector_load %arg10[%get3A_267, %get3A_268, %get3A_269] {strides = array<i32>} : memref<2x200x64xf32, #tpu.memory_space<vmem>>, vector<1x1x16xf32>,
      %get3A_271 = vector.shape_cast %get3A_270 : vector<1x1x16xf32> to vector<16xf32>
      %mul3A_272 = vector.broadcast %squeeze3A_234 : f32 to vector<16xf32>
      %mul3A_273 = arith.mulf %mul3A_272, %get3A_271 : vector<16xf32>
      %add3A_274 = arith.addf %add3A_232, %mul3A_273 : vector<16xf32>
      %slice3A_275 = vector.extract_strided_slice %get3A_108 {offsets = [4], sizes = [1], strides = [1]} : vector<16xf32> to vector<1xf32>
      %squeeze3A_276 = vector.extract %slice3A_275[0] : f32 from vector<1xf32>
      %get3A_277 = arith.constant 0 : i32
      %get3A_278 = arith.constant 196 : i32
      %get3A_279 = arith.index_cast %get3A_277 : i32 to index
      %get3A_280 = arith.index_cast %get3A_278 : i32 to index
      %get3A_281 = arith.constant 0 : index
      %get3A_282 = tpu.vector_load %arg10[%get3A_279, %get3A_280, %get3A_281] {strides = array<i32>} : memref<2x200x64xf32, #tpu.memory_space<vmem>>, vector<1x1x16xf32>,
      %get3A_283 = vector.shape_cast %get3A_282 : vector<1x1x16xf32> to vector<16xf32>
      %mul3A_284 = vector.broadcast %squeeze3A_276 : f32 to vector<16xf32>
      %mul3A_285 = arith.mulf %mul3A_284, %get3A_283 : vector<16xf32>
      %add3A_286 = arith.addf %add3A_244, %mul3A_285 : vector<16xf32>
      %get3A_287 = arith.constant 0 : i32
      %get3A_288 = arith.constant 196 : i32
      %get3A_289 = arith.index_cast %get3A_287 : i32 to index
      %get3A_290 = arith.index_cast %get3A_288 : i32 to index
      %get3A_291 = arith.constant 16 : index
      %get3A_292 = tpu.vector_load %arg10[%get3A_289, %get3A_290, %get3A_291] {strides = array<i32>} : memref<2x200x64xf32, #tpu.memory_space<vmem>>, vector<1x1x16xf32>,
      %get3A_293 = vector.shape_cast %get3A_292 : vector<1x1x16xf32> to vector<16xf32>
      %mul3A_294 = vector.broadcast %squeeze3A_276 : f32 to vector<16xf32>
      %mul3A_295 = arith.mulf %mul3A_294, %get3A_293 : vector<16xf32>
      %add3A_296 = arith.addf %add3A_254, %mul3A_295 : vector<16xf32>
      %get3A_297 = arith.constant 0 : i32
      %get3A_298 = arith.constant 196 : i32
      %get3A_299 = arith.index_cast %get3A_297 : i32 to index
      %get3A_300 = arith.index_cast %get3A_298 : i32 to index
      %get3A_301 = arith.constant 32 : index
      %get3A_302 = tpu.vector_load %arg10[%get3A_299, %get3A_300, %get3A_301] {strides = array<i32>} : memref<2x200x64xf32, #tpu.memory_space<vmem>>, vector<1x1x16xf32>,
      %get3A_303 = vector.shape_cast %get3A_302 : vector<1x1x16xf32> to vector<16xf32>
      %mul3A_304 = vector.broadcast %squeeze3A_276 : f32 to vector<16xf32>
      %mul3A_305 = arith.mulf %mul3A_304, %get3A_303 : vector<16xf32>
      %add3A_306 = arith.addf %add3A_264, %mul3A_305 : vector<16xf32>
      %get3A_307 = arith.constant 0 : i32
      %get3A_308 = arith.constant 196 : i32
      %get3A_309 = arith.index_cast %get3A_307 : i32 to index
      %get3A_310 = arith.index_cast %get3A_308 : i32 to index
      %get3A_311 = arith.constant 48 : index
      %get3A_312 = tpu.vector_load %arg10[%get3A_309, %get3A_310, %get3A_311] {strides = array<i32>} : memref<2x200x64xf32, #tpu.memory_space<vmem>>, vector<1x1x16xf32>,
      %get3A_313 = vector.shape_cast %get3A_312 : vector<1x1x16xf32> to vector<16xf32>
      %mul3A_314 = vector.broadcast %squeeze3A_276 : f32 to vector<16xf32>
      %mul3A_315 = arith.mulf %mul3A_314, %get3A_313 : vector<16xf32>
      %add3A_316 = arith.addf %add3A_274, %mul3A_315 : vector<16xf32>
      %slice3A_317 = vector.extract_strided_slice %get3A_108 {offsets = [5], sizes = [1], strides = [1]} : vector<16xf32> to vector<1xf32>
      %squeeze3A_318 = vector.extract %slice3A_317[0] : f32 from vector<1xf32>
      %get3A_319 = arith.constant 0 : i32
      %get3A_320 = arith.constant 197 : i32
      %get3A_321 = arith.index_cast %get3A_319 : i32 to index
      %get3A_322 = arith.index_cast %get3A_320 : i32 to index
      %get3A_323 = arith.constant 0 : index
      %get3A_324 = tpu.vector_load %arg10[%get3A_321, %get3A_322, %get3A_323] {strides = array<i32>} : memref<2x200x64xf32, #tpu.memory_space<vmem>>, vector<1x1x16xf32>,
      %get3A_325 = vector.shape_cast %get3A_324 : vector<1x1x16xf32> to vector<16xf32>
      %mul3A_326 = vector.broadcast %squeeze3A_318 : f32 to vector<16xf32>
      %mul3A_327 = arith.mulf %mul3A_326, %get3A_325 : vector<16xf32>
      %add3A_328 = arith.addf %add3A_286, %mul3A_327 : vector<16xf32>
      %get3A_329 = arith.constant 0 : i32
      %get3A_330 = arith.constant 197 : i32
      %get3A_331 = arith.index_cast %get3A_329 : i32 to index
      %get3A_332 = arith.index_cast %get3A_330 : i32 to index
      %get3A_333 = arith.constant 16 : index
      %get3A_334 = tpu.vector_load %arg10[%get3A_331, %get3A_332, %get3A_333] {strides = array<i32>} : memref<2x200x64xf32, #tpu.memory_space<vmem>>, vector<1x1x16xf32>,
      %get3A_335 = vector.shape_cast %get3A_334 : vector<1x1x16xf32> to vector<16xf32>
      %mul3A_336 = vector.broadcast %squeeze3A_318 : f32 to vector<16xf32>
      %mul3A_337 = arith.mulf %mul3A_336, %get3A_335 : vector<16xf32>
      %add3A_338 = arith.addf %add3A_296, %mul3A_337 : vector<16xf32>
      %get3A_339 = arith.constant 0 : i32
      %get3A_340 = arith.constant 197 : i32
      %get3A_341 = arith.index_cast %get3A_339 : i32 to index
      %get3A_342 = arith.index_cast %get3A_340 : i32 to index
      %get3A_343 = arith.constant 32 : index
      %get3A_344 = tpu.vector_load %arg10[%get3A_341, %get3A_342, %get3A_343] {strides = array<i32>} : memref<2x200x64xf32, #tpu.memory_space<vmem>>, vector<1x1x16xf32>,
      %get3A_345 = vector.shape_cast %get3A_344 : vector<1x1x16xf32> to vector<16xf32>
      %mul3A_346 = vector.broadcast %squeeze3A_318 : f32 to vector<16xf32>
      %mul3A_347 = arith.mulf %mul3A_346, %get3A_345 : vector<16xf32>
      %add3A_348 = arith.addf %add3A_306, %mul3A_347 : vector<16xf32>
      %get3A_349 = arith.constant 0 : i32
      %get3A_350 = arith.constant 197 : i32
      %get3A_351 = arith.index_cast %get3A_349 : i32 to index
      %get3A_352 = arith.index_cast %get3A_350 : i32 to index
      %get3A_353 = arith.constant 48 : index
      %get3A_354 = tpu.vector_load %arg10[%get3A_351, %get3A_352, %get3A_353] {strides = array<i32>} : memref<2x200x64xf32, #tpu.memory_space<vmem>>, vector<1x1x16xf32>,
      %get3A_355 = vector.shape_cast %get3A_354 : vector<1x1x16xf32> to vector<16xf32>
      %mul3A_356 = vector.broadcast %squeeze3A_318 : f32 to vector<16xf32>
      %mul3A_357 = arith.mulf %mul3A_356, %get3A_355 : vector<16xf32>
      %add3A_358 = arith.addf %add3A_316, %mul3A_357 : vector<16xf32>
      %slice3A_359 = vector.extract_strided_slice %get3A_108 {offsets = [6], sizes = [1], strides = [1]} : vector<16xf32> to vector<1xf32>
      %squeeze3A_360 = vector.extract %slice3A_359[0] : f32 from vector<1xf32>
      %get3A_361 = arith.constant 0 : i32
      %get3A_362 = arith.constant 198 : i32
      %get3A_363 = arith.index_cast %get3A_361 : i32 to index
      %get3A_364 = arith.index_cast %get3A_362 : i32 to index
      %get3A_365 = arith.constant 0 : index
      %get3A_366 = tpu.vector_load %arg10[%get3A_363, %get3A_364, %get3A_365] {strides = array<i32>} : memref<2x200x64xf32, #tpu.memory_space<vmem>>, vector<1x1x16xf32>,
      %get3A_367 = vector.shape_cast %get3A_366 : vector<1x1x16xf32> to vector<16xf32>
      %mul3A_368 = vector.broadcast %squeeze3A_360 : f32 to vector<16xf32>
      %mul3A_369 = arith.mulf %mul3A_368, %get3A_367 : vector<16xf32>
      %add3A_370 = arith.addf %add3A_328, %mul3A_369 : vector<16xf32>
      %get3A_371 = arith.constant 0 : i32
      %get3A_372 = arith.constant 198 : i32
      %get3A_373 = arith.index_cast %get3A_371 : i32 to index
      %get3A_374 = arith.index_cast %get3A_372 : i32 to index
      %get3A_375 = arith.constant 16 : index
      %get3A_376 = tpu.vector_load %arg10[%get3A_373, %get3A_374, %get3A_375] {strides = array<i32>} : memref<2x200x64xf32, #tpu.memory_space<vmem>>, vector<1x1x16xf32>,
      %get3A_377 = vector.shape_cast %get3A_376 : vector<1x1x16xf32> to vector<16xf32>
      %mul3A_378 = vector.broadcast %squeeze3A_360 : f32 to vector<16xf32>
      %mul3A_379 = arith.mulf %mul3A_378, %get3A_377 : vector<16xf32>
      %add3A_380 = arith.addf %add3A_338, %mul3A_379 : vector<16xf32>
      %get3A_381 = arith.constant 0 : i32
      %get3A_382 = arith.constant 198 : i32
      %get3A_383 = arith.index_cast %get3A_381 : i32 to index
      %get3A_384 = arith.index_cast %get3A_382 : i32 to index
      %get3A_385 = arith.constant 32 : index
      %get3A_386 = tpu.vector_load %arg10[%get3A_383, %get3A_384, %get3A_385] {strides = array<i32>} : memref<2x200x64xf32, #tpu.memory_space<vmem>>, vector<1x1x16xf32>,
      %get3A_387 = vector.shape_cast %get3A_386 : vector<1x1x16xf32> to vector<16xf32>
      %mul3A_388 = vector.broadcast %squeeze3A_360 : f32 to vector<16xf32>
      %mul3A_389 = arith.mulf %mul3A_388, %get3A_387 : vector<16xf32>
      %add3A_390 = arith.addf %add3A_348, %mul3A_389 : vector<16xf32>
      %get3A_391 = arith.constant 0 : i32
      %get3A_392 = arith.constant 198 : i32
      %get3A_393 = arith.index_cast %get3A_391 : i32 to index
      %get3A_394 = arith.index_cast %get3A_392 : i32 to index
      %get3A_395 = arith.constant 48 : index
      %get3A_396 = tpu.vector_load %arg10[%get3A_393, %get3A_394, %get3A_395] {strides = array<i32>} : memref<2x200x64xf32, #tpu.memory_space<vmem>>, vector<1x1x16xf32>,
      %get3A_397 = vector.shape_cast %get3A_396 : vector<1x1x16xf32> to vector<16xf32>
      %mul3A_398 = vector.broadcast %squeeze3A_360 : f32 to vector<16xf32>
      %mul3A_399 = arith.mulf %mul3A_398, %get3A_397 : vector<16xf32>
      %add3A_400 = arith.addf %add3A_358, %mul3A_399 : vector<16xf32>
      %slice3A_401 = vector.extract_strided_slice %get3A_108 {offsets = [7], sizes = [1], strides = [1]} : vector<16xf32> to vector<1xf32>
      %squeeze3A_402 = vector.extract %slice3A_401[0] : f32 from vector<1xf32>
      %get3A_403 = arith.constant 0 : i32
      %get3A_404 = arith.constant 199 : i32
      %get3A_405 = arith.index_cast %get3A_403 : i32 to index
      %get3A_406 = arith.index_cast %get3A_404 : i32 to index
      %get3A_407 = arith.constant 0 : index
      %get3A_408 = tpu.vector_load %arg10[%get3A_405, %get3A_406, %get3A_407] {strides = array<i32>} : memref<2x200x64xf32, #tpu.memory_space<vmem>>, vector<1x1x16xf32>,
      %get3A_409 = vector.shape_cast %get3A_408 : vector<1x1x16xf32> to vector<16xf32>
      %mul3A_410 = vector.broadcast %squeeze3A_402 : f32 to vector<16xf32>
      %mul3A_411 = arith.mulf %mul3A_410, %get3A_409 : vector<16xf32>
      %add3A_412 = arith.addf %add3A_370, %mul3A_411 : vector<16xf32>
      %get3A_413 = arith.constant 0 : i32
      %get3A_414 = arith.constant 199 : i32
      %get3A_415 = arith.index_cast %get3A_413 : i32 to index
      %get3A_416 = arith.index_cast %get3A_414 : i32 to index
      %get3A_417 = arith.constant 16 : index
      %get3A_418 = tpu.vector_load %arg10[%get3A_415, %get3A_416, %get3A_417] {strides = array<i32>} : memref<2x200x64xf32, #tpu.memory_space<vmem>>, vector<1x1x16xf32>,
      %get3A_419 = vector.shape_cast %get3A_418 : vector<1x1x16xf32> to vector<16xf32>
      %mul3A_420 = vector.broadcast %squeeze3A_402 : f32 to vector<16xf32>
      %mul3A_421 = arith.mulf %mul3A_420, %get3A_419 : vector<16xf32>
      %add3A_422 = arith.addf %add3A_380, %mul3A_421 : vector<16xf32>
      %get3A_423 = arith.constant 0 : i32
      %get3A_424 = arith.constant 199 : i32
      %get3A_425 = arith.index_cast %get3A_423 : i32 to index
      %get3A_426 = arith.index_cast %get3A_424 : i32 to index
      %get3A_427 = arith.constant 32 : index
      %get3A_428 = tpu.vector_load %arg10[%get3A_425, %get3A_426, %get3A_427] {strides = array<i32>} : memref<2x200x64xf32, #tpu.memory_space<vmem>>, vector<1x1x16xf32>,
      %get3A_429 = vector.shape_cast %get3A_428 : vector<1x1x16xf32> to vector<16xf32>
      %mul3A_430 = vector.broadcast %squeeze3A_402 : f32 to vector<16xf32>
      %mul3A_431 = arith.mulf %mul3A_430, %get3A_429 : vector<16xf32>
      %add3A_432 = arith.addf %add3A_390, %mul3A_431 : vector<16xf32>
      %get3A_433 = arith.constant 0 : i32
      %get3A_434 = arith.constant 199 : i32
      %get3A_435 = arith.index_cast %get3A_433 : i32 to index
      %get3A_436 = arith.index_cast %get3A_434 : i32 to index
      %get3A_437 = arith.constant 48 : index
      %get3A_438 = tpu.vector_load %arg10[%get3A_435, %get3A_436, %get3A_437] {strides = array<i32>} : memref<2x200x64xf32, #tpu.memory_space<vmem>>, vector<1x1x16xf32>,
      %get3A_439 = vector.shape_cast %get3A_438 : vector<1x1x16xf32> to vector<16xf32>
      %mul3A_440 = vector.broadcast %squeeze3A_402 : f32 to vector<16xf32>
      %mul3A_441 = arith.mulf %mul3A_440, %get3A_439 : vector<16xf32>
      %add3A_442 = arith.addf %add3A_400, %mul3A_441 : vector<16xf32>
      %swap3A = arith.index_cast %add3A_80 : i32 to index
      %swap3A_443 = arith.constant 0 : index
      %swap3A_444 = tpu.vector_load %arg11[%swap3A, %swap3A_443] {strides = array<i32>} : memref<128x64xf32, #tpu.memory_space<vmem>>, vector<1x16xf32>,
      %swap3A_445 = vector.shape_cast %swap3A_444 : vector<1x16xf32> to vector<16xf32>
      %swap3A_446 = vector.shape_cast %add3A_412 : vector<16xf32> to vector<1x16xf32>
      tpu.vector_store %arg11[%swap3A, %swap3A_443], %swap3A_446 {strides = array<i32>} : memref<128x64xf32, #tpu.memory_space<vmem>>, vector<1x16xf32>,
      %swap3A_447 = arith.index_cast %add3A_80 : i32 to index
      %swap3A_448 = arith.constant 16 : index
      %swap3A_449 = tpu.vector_load %arg11[%swap3A_447, %swap3A_448] {strides = array<i32>} : memref<128x64xf32, #tpu.memory_space<vmem>>, vector<1x16xf32>,
      %swap3A_450 = vector.shape_cast %swap3A_449 : vector<1x16xf32> to vector<16xf32>
      %swap3A_451 = vector.shape_cast %add3A_422 : vector<16xf32> to vector<1x16xf32>
      tpu.vector_store %arg11[%swap3A_447, %swap3A_448], %swap3A_451 {strides = array<i32>} : memref<128x64xf32, #tpu.memory_space<vmem>>, vector<1x16xf32>,
      %swap3A_452 = arith.index_cast %add3A_80 : i32 to index
      %swap3A_453 = arith.constant 32 : index
      %swap3A_454 = tpu.vector_load %arg11[%swap3A_452, %swap3A_453] {strides = array<i32>} : memref<128x64xf32, #tpu.memory_space<vmem>>, vector<1x16xf32>,
      %swap3A_455 = vector.shape_cast %swap3A_454 : vector<1x16xf32> to vector<16xf32>
      %swap3A_456 = vector.shape_cast %add3A_432 : vector<16xf32> to vector<1x16xf32>
      tpu.vector_store %arg11[%swap3A_452, %swap3A_453], %swap3A_456 {strides = array<i32>} : memref<128x64xf32, #tpu.memory_space<vmem>>, vector<1x16xf32>,
      %swap3A_457 = arith.index_cast %add3A_80 : i32 to index
      %swap3A_458 = arith.constant 48 : index
      %swap3A_459 = tpu.vector_load %arg11[%swap3A_457, %swap3A_458] {strides = array<i32>} : memref<128x64xf32, #tpu.memory_space<vmem>>, vector<1x16xf32>,
      %swap3A_460 = vector.shape_cast %swap3A_459 : vector<1x16xf32> to vector<16xf32>
      %swap3A_461 = vector.shape_cast %add3A_442 : vector<16xf32> to vector<1x16xf32>
      tpu.vector_store %arg11[%swap3A_457, %swap3A_458], %swap3A_461 {strides = array<i32>} : memref<128x64xf32, #tpu.memory_space<vmem>>, vector<1x16xf32>,
      %add3A_462 = arith.constant 2 : i32
      %add3A_463 = arith.addi %add3A_80, %add3A_462 : i32
      %lt3A = arith.constant 128 : i32
      %lt3A_464 = arith.cmpi slt, %add3A_463, %lt3A : i32
      %convert_element_type3A = arith.extui %lt3A_464 : i1 to i32
      %cond3A = arith.constant 0 : i32
      %cond3A_465 = arith.cmpi ne, %convert_element_type3A, %cond3A : i32
      scf.if %cond3A_465 {
        %add3A_864 = arith.constant 2 : i32
        %add3A_865 = arith.addi %add3A_80, %add3A_864 : i32
        %mul3A_866 = arith.constant 200 : i32
        %mul3A_867 = arith.muli %add3A_865, %mul3A_866 : i32
        %dma_start3A_868 = arith.constant 0 : i32
        %dma_start3A_869 = arith.constant 0 : i32
        %dma_start3A_870 = arith.constant 0 : i32
        %dma_start3A_871 = tpu.memref_slice %arg10[%dma_start3A_868, %dma_start3A_869, %dma_start3A_870] : memref<2x200x64xf32, #tpu.memory_space<vmem>> -> memref<1x104x64xf32, #tpu.memory_space<vmem>>
        %dma_start3A_872 = tpu.memref_squeeze %dma_start3A_871 : memref<1x104x64xf32, #tpu.memory_space<vmem>> -> memref<104x64xf32, #tpu.memory_space<vmem>>
        %dma_start3A_873 = tpu.memref_slice %arg9[%mul3A_867] : memref<25600xi32, #tpu.memory_space<vmem>> -> memref<104xi32, #tpu.memory_space<vmem>>
        %dma_start3A_874 = arith.constant 0 : i32
        %dma_start3A_875 = arith.constant 0 : i32
        %dma_start3A_876 = tpu.memref_slice %arg3[%dma_start3A_874, %dma_start3A_875] : memref<1000000x64xf32, #tpu.memory_space<hbm>> -> memref<1000000x64xf32, #tpu.memory_space<hbm>>
        tpu.enqueue_indirect_dma source(%dma_start3A_876 : memref<1000000x64xf32, #tpu.memory_space<hbm>>) target(%dma_start3A_872 : memref<104x64xf32, #tpu.memory_space<vmem>>) offsets(%dma_start3A_873 : memref<104xi32, #tpu.memory_space<vmem>>) semaphore(%arg14 : memref<!tpu.dma_semaphore, #tpu.memory_space<semaphore_mem>>)
        %add3A_877 = arith.constant 104 : i32
        %add3A_878 = arith.addi %mul3A_867, %add3A_877 : i32
        %dma_start3A_879 = arith.constant 0 : i32
        %dma_start3A_880 = arith.constant 104 : i32
        %dma_start3A_881 = arith.constant 0 : i32
        %dma_start3A_882 = tpu.memref_slice %arg10[%dma_start3A_879, %dma_start3A_880, %dma_start3A_881] : memref<2x200x64xf32, #tpu.memory_space<vmem>> -> memref<1x96x64xf32, #tpu.memory_space<vmem>>
        %dma_start3A_883 = tpu.memref_squeeze %dma_start3A_882 : memref<1x96x64xf32, #tpu.memory_space<vmem>> -> memref<96x64xf32, #tpu.memory_space<vmem>>
        %dma_start3A_884 = tpu.memref_slice %arg9[%add3A_878] : memref<25600xi32, #tpu.memory_space<vmem>> -> memref<96xi32, #tpu.memory_space<vmem>>
        %dma_start3A_885 = arith.constant 0 : i32
        %dma_start3A_886 = arith.constant 0 : i32
        %dma_start3A_887 = tpu.memref_slice %arg3[%dma_start3A_885, %dma_start3A_886] : memref<1000000x64xf32, #tpu.memory_space<hbm>> -> memref<1000000x64xf32, #tpu.memory_space<hbm>>
        tpu.enqueue_indirect_dma source(%dma_start3A_887 : memref<1000000x64xf32, #tpu.memory_space<hbm>>) target(%dma_start3A_883 : memref<96x64xf32, #tpu.memory_space<vmem>>) offsets(%dma_start3A_884 : memref<96xi32, #tpu.memory_space<vmem>>) semaphore(%arg14 : memref<!tpu.dma_semaphore, #tpu.memory_space<semaphore_mem>>)
      } else {
      }
      %mul3A_466 = arith.constant 2 : i32
      %mul3A_467 = arith.muli %scan3A_75, %mul3A_466 : i32
      %add3A_468 = arith.constant 1 : i32
      %add3A_469 = arith.addi %mul3A_467, %add3A_468 : i32
      %dma_wait3A_470 = arith.constant 1 : i32
      %dma_wait3A_471 = arith.constant 0 : i32
      %dma_wait3A_472 = arith.constant 0 : i32
      %dma_wait3A_473 = tpu.memref_slice %arg10[%dma_wait3A_470, %dma_wait3A_471, %dma_wait3A_472] : memref<2x200x64xf32, #tpu.memory_space<vmem>> -> memref<1x200x64xf32, #tpu.memory_space<vmem>>
      %dma_wait3A_474 = tpu.memref_squeeze %dma_wait3A_473 : memref<1x200x64xf32, #tpu.memory_space<vmem>> -> memref<200x64xf32, #tpu.memory_space<vmem>>
      %dma_wait3A_475 = arith.constant 0 : i32
      %dma_wait3A_476 = arith.constant 0 : i32
      %dma_wait3A_477 = tpu.memref_slice %arg3[%dma_wait3A_475, %dma_wait3A_476] : memref<1000000x64xf32, #tpu.memory_space<hbm>> -> memref<200x64xf32, #tpu.memory_space<hbm>>
      %dma_wait3A_478 = arith.constant 0 : i32
      %dma_wait3A_479 = arith.constant 0 : i32
      %dma_wait3A_480 = tpu.memref_slice %arg10[%dma_wait3A_470, %dma_wait3A_478, %dma_wait3A_479] : memref<2x200x64xf32, #tpu.memory_space<vmem>> -> memref<1x200x64xf32, #tpu.memory_space<vmem>>
      %dma_wait3A_481 = tpu.memref_squeeze %dma_wait3A_480 : memref<1x200x64xf32, #tpu.memory_space<vmem>> -> memref<200x64xf32, #tpu.memory_space<vmem>>
      %dma_wait3A_482 = arith.constant 0 : i32
      %dma_wait3A_483 = arith.constant 0 : i32
      %dma_wait3A_484 = tpu.memref_slice %arg3[%dma_wait3A_482, %dma_wait3A_483] : memref<1000000x64xf32, #tpu.memory_space<hbm>> -> memref<200x64xf32, #tpu.memory_space<hbm>>
      tpu.wait_dma2 semaphore(%arg15 : memref<!tpu.dma_semaphore, #tpu.memory_space<semaphore_mem>>) src(%dma_wait3A_484 : memref<200x64xf32, #tpu.memory_space<hbm>>) dst(%dma_wait3A_481 : memref<200x64xf32, #tpu.memory_space<vmem>>)
      %mul3A_485 = arith.constant 200 : i32
      %mul3A_486 = arith.muli %add3A_469, %mul3A_485 : i32
      %broadcast_in_dim3A_487 = arith.constant 0.000000e+00 : f32
      %broadcast_in_dim3A_488 = vector.broadcast %broadcast_in_dim3A_487 : f32 to vector<16xf32>
      %scan3A_489 = arith.constant 0 : i32
      %scan3A_490 = arith.constant 12 : i32
      %scan3A_491 = arith.addi %scan3A_489, %scan3A_490 : i32
      %scan3A_492 = arith.constant 1 : i32
      %scan3A_493:4 = scf.for %scan3A_864 = %scan3A_489 to %scan3A_491 step %scan3A_492 iter_args(%scan3A_865 = %broadcast_in_dim3A_488, %scan3A_866 = %broadcast_in_dim3A_488, %scan3A_867 = %broadcast_in_dim3A_488, %scan3A_868 = %broadcast_in_dim3A_488) -> (vector<16xf32>, vector<16xf32>, vector<16xf32>, vector<16xf32>)  : i32 {
        %mul3A_869 = arith.constant 16 : i32
        %mul3A_870 = arith.muli %scan3A_864, %mul3A_869 : i32
        %add3A_871 = arith.addi %mul3A_486, %mul3A_870 : i32
        %get3A_872 = arith.index_cast %add3A_871 : i32 to index
        %get3A_873 = tpu.vector_load %arg8[%get3A_872] {strides = array<i32>} : memref<25616xf32, #tpu.memory_space<vmem>>, vector<16xf32>,
        %get3A_874 = vector.shape_cast %get3A_873 : vector<16xf32> to vector<16xf32>
        %slice3A_875 = vector.extract_strided_slice %get3A_874 {offsets = [0], sizes = [1], strides = [1]} : vector<16xf32> to vector<1xf32>
        %squeeze3A_876 = vector.extract %slice3A_875[0] : f32 from vector<1xf32>
        %mul3A_877 = arith.constant 16 : i32
        %mul3A_878 = arith.muli %scan3A_864, %mul3A_877 : i32
        %add3A_879 = arith.constant 0 : i32
        %add3A_880 = arith.addi %mul3A_878, %add3A_879 : i32
        %get3A_881 = arith.constant 1 : i32
        %get3A_882 = arith.index_cast %get3A_881 : i32 to index
        %get3A_883 = arith.index_cast %add3A_880 : i32 to index
        %get3A_884 = arith.constant 0 : index
        %get3A_885 = tpu.vector_load %arg10[%get3A_882, %get3A_883, %get3A_884] {strides = array<i32>} : memref<2x200x64xf32, #tpu.memory_space<vmem>>, vector<1x1x16xf32>,
        %get3A_886 = vector.shape_cast %get3A_885 : vector<1x1x16xf32> to vector<16xf32>
        %mul3A_887 = vector.broadcast %squeeze3A_876 : f32 to vector<16xf32>
        %mul3A_888 = arith.mulf %mul3A_887, %get3A_886 : vector<16xf32>
        %add3A_889 = arith.addf %scan3A_865, %mul3A_888 : vector<16xf32>
        %get3A_890 = arith.constant 1 : i32
        %get3A_891 = arith.index_cast %get3A_890 : i32 to index
        %get3A_892 = arith.index_cast %add3A_880 : i32 to index
        %get3A_893 = arith.constant 16 : index
        %get3A_894 = tpu.vector_load %arg10[%get3A_891, %get3A_892, %get3A_893] {strides = array<i32>} : memref<2x200x64xf32, #tpu.memory_space<vmem>>, vector<1x1x16xf32>,
        %get3A_895 = vector.shape_cast %get3A_894 : vector<1x1x16xf32> to vector<16xf32>
        %mul3A_896 = vector.broadcast %squeeze3A_876 : f32 to vector<16xf32>
        %mul3A_897 = arith.mulf %mul3A_896, %get3A_895 : vector<16xf32>
        %add3A_898 = arith.addf %scan3A_866, %mul3A_897 : vector<16xf32>
        %get3A_899 = arith.constant 1 : i32
        %get3A_900 = arith.index_cast %get3A_899 : i32 to index
        %get3A_901 = arith.index_cast %add3A_880 : i32 to index
        %get3A_902 = arith.constant 32 : index
        %get3A_903 = tpu.vector_load %arg10[%get3A_900, %get3A_901, %get3A_902] {strides = array<i32>} : memref<2x200x64xf32, #tpu.memory_space<vmem>>, vector<1x1x16xf32>,
        %get3A_904 = vector.shape_cast %get3A_903 : vector<1x1x16xf32> to vector<16xf32>
        %mul3A_905 = vector.broadcast %squeeze3A_876 : f32 to vector<16xf32>
        %mul3A_906 = arith.mulf %mul3A_905, %get3A_904 : vector<16xf32>
        %add3A_907 = arith.addf %scan3A_867, %mul3A_906 : vector<16xf32>
        %get3A_908 = arith.constant 1 : i32
        %get3A_909 = arith.index_cast %get3A_908 : i32 to index
        %get3A_910 = arith.index_cast %add3A_880 : i32 to index
        %get3A_911 = arith.constant 48 : index
        %get3A_912 = tpu.vector_load %arg10[%get3A_909, %get3A_910, %get3A_911] {strides = array<i32>} : memref<2x200x64xf32, #tpu.memory_space<vmem>>, vector<1x1x16xf32>,
        %get3A_913 = vector.shape_cast %get3A_912 : vector<1x1x16xf32> to vector<16xf32>
        %mul3A_914 = vector.broadcast %squeeze3A_876 : f32 to vector<16xf32>
        %mul3A_915 = arith.mulf %mul3A_914, %get3A_913 : vector<16xf32>
        %add3A_916 = arith.addf %scan3A_868, %mul3A_915 : vector<16xf32>
        %slice3A_917 = vector.extract_strided_slice %get3A_874 {offsets = [1], sizes = [1], strides = [1]} : vector<16xf32> to vector<1xf32>
        %squeeze3A_918 = vector.extract %slice3A_917[0] : f32 from vector<1xf32>
        %mul3A_919 = arith.constant 16 : i32
        %mul3A_920 = arith.muli %scan3A_864, %mul3A_919 : i32
        %add3A_921 = arith.constant 1 : i32
        %add3A_922 = arith.addi %mul3A_920, %add3A_921 : i32
        %get3A_923 = arith.constant 1 : i32
        %get3A_924 = arith.index_cast %get3A_923 : i32 to index
        %get3A_925 = arith.index_cast %add3A_922 : i32 to index
        %get3A_926 = arith.constant 0 : index
        %get3A_927 = tpu.vector_load %arg10[%get3A_924, %get3A_925, %get3A_926] {strides = array<i32>} : memref<2x200x64xf32, #tpu.memory_space<vmem>>, vector<1x1x16xf32>,
        %get3A_928 = vector.shape_cast %get3A_927 : vector<1x1x16xf32> to vector<16xf32>
        %mul3A_929 = vector.broadcast %squeeze3A_918 : f32 to vector<16xf32>
        %mul3A_930 = arith.mulf %mul3A_929, %get3A_928 : vector<16xf32>
        %add3A_931 = arith.addf %add3A_889, %mul3A_930 : vector<16xf32>
        %get3A_932 = arith.constant 1 : i32
        %get3A_933 = arith.index_cast %get3A_932 : i32 to index
        %get3A_934 = arith.index_cast %add3A_922 : i32 to index
        %get3A_935 = arith.constant 16 : index
        %get3A_936 = tpu.vector_load %arg10[%get3A_933, %get3A_934, %get3A_935] {strides = array<i32>} : memref<2x200x64xf32, #tpu.memory_space<vmem>>, vector<1x1x16xf32>,
        %get3A_937 = vector.shape_cast %get3A_936 : vector<1x1x16xf32> to vector<16xf32>
        %mul3A_938 = vector.broadcast %squeeze3A_918 : f32 to vector<16xf32>
        %mul3A_939 = arith.mulf %mul3A_938, %get3A_937 : vector<16xf32>
        %add3A_940 = arith.addf %add3A_898, %mul3A_939 : vector<16xf32>
        %get3A_941 = arith.constant 1 : i32
        %get3A_942 = arith.index_cast %get3A_941 : i32 to index
        %get3A_943 = arith.index_cast %add3A_922 : i32 to index
        %get3A_944 = arith.constant 32 : index
        %get3A_945 = tpu.vector_load %arg10[%get3A_942, %get3A_943, %get3A_944] {strides = array<i32>} : memref<2x200x64xf32, #tpu.memory_space<vmem>>, vector<1x1x16xf32>,
        %get3A_946 = vector.shape_cast %get3A_945 : vector<1x1x16xf32> to vector<16xf32>
        %mul3A_947 = vector.broadcast %squeeze3A_918 : f32 to vector<16xf32>
        %mul3A_948 = arith.mulf %mul3A_947, %get3A_946 : vector<16xf32>
        %add3A_949 = arith.addf %add3A_907, %mul3A_948 : vector<16xf32>
        %get3A_950 = arith.constant 1 : i32
        %get3A_951 = arith.index_cast %get3A_950 : i32 to index
        %get3A_952 = arith.index_cast %add3A_922 : i32 to index
        %get3A_953 = arith.constant 48 : index
        %get3A_954 = tpu.vector_load %arg10[%get3A_951, %get3A_952, %get3A_953] {strides = array<i32>} : memref<2x200x64xf32, #tpu.memory_space<vmem>>, vector<1x1x16xf32>,
        %get3A_955 = vector.shape_cast %get3A_954 : vector<1x1x16xf32> to vector<16xf32>
        %mul3A_956 = vector.broadcast %squeeze3A_918 : f32 to vector<16xf32>
        %mul3A_957 = arith.mulf %mul3A_956, %get3A_955 : vector<16xf32>
        %add3A_958 = arith.addf %add3A_916, %mul3A_957 : vector<16xf32>
        %slice3A_959 = vector.extract_strided_slice %get3A_874 {offsets = [2], sizes = [1], strides = [1]} : vector<16xf32> to vector<1xf32>
        %squeeze3A_960 = vector.extract %slice3A_959[0] : f32 from vector<1xf32>
        %mul3A_961 = arith.constant 16 : i32
        %mul3A_962 = arith.muli %scan3A_864, %mul3A_961 : i32
        %add3A_963 = arith.constant 2 : i32
        %add3A_964 = arith.addi %mul3A_962, %add3A_963 : i32
        %get3A_965 = arith.constant 1 : i32
        %get3A_966 = arith.index_cast %get3A_965 : i32 to index
        %get3A_967 = arith.index_cast %add3A_964 : i32 to index
        %get3A_968 = arith.constant 0 : index
        %get3A_969 = tpu.vector_load %arg10[%get3A_966, %get3A_967, %get3A_968] {strides = array<i32>} : memref<2x200x64xf32, #tpu.memory_space<vmem>>, vector<1x1x16xf32>,
        %get3A_970 = vector.shape_cast %get3A_969 : vector<1x1x16xf32> to vector<16xf32>
        %mul3A_971 = vector.broadcast %squeeze3A_960 : f32 to vector<16xf32>
        %mul3A_972 = arith.mulf %mul3A_971, %get3A_970 : vector<16xf32>
        %add3A_973 = arith.addf %add3A_931, %mul3A_972 : vector<16xf32>
        %get3A_974 = arith.constant 1 : i32
        %get3A_975 = arith.index_cast %get3A_974 : i32 to index
        %get3A_976 = arith.index_cast %add3A_964 : i32 to index
        %get3A_977 = arith.constant 16 : index
        %get3A_978 = tpu.vector_load %arg10[%get3A_975, %get3A_976, %get3A_977] {strides = array<i32>} : memref<2x200x64xf32, #tpu.memory_space<vmem>>, vector<1x1x16xf32>,
        %get3A_979 = vector.shape_cast %get3A_978 : vector<1x1x16xf32> to vector<16xf32>
        %mul3A_980 = vector.broadcast %squeeze3A_960 : f32 to vector<16xf32>
        %mul3A_981 = arith.mulf %mul3A_980, %get3A_979 : vector<16xf32>
        %add3A_982 = arith.addf %add3A_940, %mul3A_981 : vector<16xf32>
        %get3A_983 = arith.constant 1 : i32
        %get3A_984 = arith.index_cast %get3A_983 : i32 to index
        %get3A_985 = arith.index_cast %add3A_964 : i32 to index
        %get3A_986 = arith.constant 32 : index
        %get3A_987 = tpu.vector_load %arg10[%get3A_984, %get3A_985, %get3A_986] {strides = array<i32>} : memref<2x200x64xf32, #tpu.memory_space<vmem>>, vector<1x1x16xf32>,
        %get3A_988 = vector.shape_cast %get3A_987 : vector<1x1x16xf32> to vector<16xf32>
        %mul3A_989 = vector.broadcast %squeeze3A_960 : f32 to vector<16xf32>
        %mul3A_990 = arith.mulf %mul3A_989, %get3A_988 : vector<16xf32>
        %add3A_991 = arith.addf %add3A_949, %mul3A_990 : vector<16xf32>
        %get3A_992 = arith.constant 1 : i32
        %get3A_993 = arith.index_cast %get3A_992 : i32 to index
        %get3A_994 = arith.index_cast %add3A_964 : i32 to index
        %get3A_995 = arith.constant 48 : index
        %get3A_996 = tpu.vector_load %arg10[%get3A_993, %get3A_994, %get3A_995] {strides = array<i32>} : memref<2x200x64xf32, #tpu.memory_space<vmem>>, vector<1x1x16xf32>,
        %get3A_997 = vector.shape_cast %get3A_996 : vector<1x1x16xf32> to vector<16xf32>
        %mul3A_998 = vector.broadcast %squeeze3A_960 : f32 to vector<16xf32>
        %mul3A_999 = arith.mulf %mul3A_998, %get3A_997 : vector<16xf32>
        %add3A_1000 = arith.addf %add3A_958, %mul3A_999 : vector<16xf32>
        %slice3A_1001 = vector.extract_strided_slice %get3A_874 {offsets = [3], sizes = [1], strides = [1]} : vector<16xf32> to vector<1xf32>
        %squeeze3A_1002 = vector.extract %slice3A_1001[0] : f32 from vector<1xf32>
        %mul3A_1003 = arith.constant 16 : i32
        %mul3A_1004 = arith.muli %scan3A_864, %mul3A_1003 : i32
        %add3A_1005 = arith.constant 3 : i32
        %add3A_1006 = arith.addi %mul3A_1004, %add3A_1005 : i32
        %get3A_1007 = arith.constant 1 : i32
        %get3A_1008 = arith.index_cast %get3A_1007 : i32 to index
        %get3A_1009 = arith.index_cast %add3A_1006 : i32 to index
        %get3A_1010 = arith.constant 0 : index
        %get3A_1011 = tpu.vector_load %arg10[%get3A_1008, %get3A_1009, %get3A_1010] {strides = array<i32>} : memref<2x200x64xf32, #tpu.memory_space<vmem>>, vector<1x1x16xf32>,
        %get3A_1012 = vector.shape_cast %get3A_1011 : vector<1x1x16xf32> to vector<16xf32>
        %mul3A_1013 = vector.broadcast %squeeze3A_1002 : f32 to vector<16xf32>
        %mul3A_1014 = arith.mulf %mul3A_1013, %get3A_1012 : vector<16xf32>
        %add3A_1015 = arith.addf %add3A_973, %mul3A_1014 : vector<16xf32>
        %get3A_1016 = arith.constant 1 : i32
        %get3A_1017 = arith.index_cast %get3A_1016 : i32 to index
        %get3A_1018 = arith.index_cast %add3A_1006 : i32 to index
        %get3A_1019 = arith.constant 16 : index
        %get3A_1020 = tpu.vector_load %arg10[%get3A_1017, %get3A_1018, %get3A_1019] {strides = array<i32>} : memref<2x200x64xf32, #tpu.memory_space<vmem>>, vector<1x1x16xf32>,
        %get3A_1021 = vector.shape_cast %get3A_1020 : vector<1x1x16xf32> to vector<16xf32>
        %mul3A_1022 = vector.broadcast %squeeze3A_1002 : f32 to vector<16xf32>
        %mul3A_1023 = arith.mulf %mul3A_1022, %get3A_1021 : vector<16xf32>
        %add3A_1024 = arith.addf %add3A_982, %mul3A_1023 : vector<16xf32>
        %get3A_1025 = arith.constant 1 : i32
        %get3A_1026 = arith.index_cast %get3A_1025 : i32 to index
        %get3A_1027 = arith.index_cast %add3A_1006 : i32 to index
        %get3A_1028 = arith.constant 32 : index
        %get3A_1029 = tpu.vector_load %arg10[%get3A_1026, %get3A_1027, %get3A_1028] {strides = array<i32>} : memref<2x200x64xf32, #tpu.memory_space<vmem>>, vector<1x1x16xf32>,
        %get3A_1030 = vector.shape_cast %get3A_1029 : vector<1x1x16xf32> to vector<16xf32>
        %mul3A_1031 = vector.broadcast %squeeze3A_1002 : f32 to vector<16xf32>
        %mul3A_1032 = arith.mulf %mul3A_1031, %get3A_1030 : vector<16xf32>
        %add3A_1033 = arith.addf %add3A_991, %mul3A_1032 : vector<16xf32>
        %get3A_1034 = arith.constant 1 : i32
        %get3A_1035 = arith.index_cast %get3A_1034 : i32 to index
        %get3A_1036 = arith.index_cast %add3A_1006 : i32 to index
        %get3A_1037 = arith.constant 48 : index
        %get3A_1038 = tpu.vector_load %arg10[%get3A_1035, %get3A_1036, %get3A_1037] {strides = array<i32>} : memref<2x200x64xf32, #tpu.memory_space<vmem>>, vector<1x1x16xf32>,
        %get3A_1039 = vector.shape_cast %get3A_1038 : vector<1x1x16xf32> to vector<16xf32>
        %mul3A_1040 = vector.broadcast %squeeze3A_1002 : f32 to vector<16xf32>
        %mul3A_1041 = arith.mulf %mul3A_1040, %get3A_1039 : vector<16xf32>
        %add3A_1042 = arith.addf %add3A_1000, %mul3A_1041 : vector<16xf32>
        %slice3A_1043 = vector.extract_strided_slice %get3A_874 {offsets = [4], sizes = [1], strides = [1]} : vector<16xf32> to vector<1xf32>
        %squeeze3A_1044 = vector.extract %slice3A_1043[0] : f32 from vector<1xf32>
        %mul3A_1045 = arith.constant 16 : i32
        %mul3A_1046 = arith.muli %scan3A_864, %mul3A_1045 : i32
        %add3A_1047 = arith.constant 4 : i32
        %add3A_1048 = arith.addi %mul3A_1046, %add3A_1047 : i32
        %get3A_1049 = arith.constant 1 : i32
        %get3A_1050 = arith.index_cast %get3A_1049 : i32 to index
        %get3A_1051 = arith.index_cast %add3A_1048 : i32 to index
        %get3A_1052 = arith.constant 0 : index
        %get3A_1053 = tpu.vector_load %arg10[%get3A_1050, %get3A_1051, %get3A_1052] {strides = array<i32>} : memref<2x200x64xf32, #tpu.memory_space<vmem>>, vector<1x1x16xf32>,
        %get3A_1054 = vector.shape_cast %get3A_1053 : vector<1x1x16xf32> to vector<16xf32>
        %mul3A_1055 = vector.broadcast %squeeze3A_1044 : f32 to vector<16xf32>
        %mul3A_1056 = arith.mulf %mul3A_1055, %get3A_1054 : vector<16xf32>
        %add3A_1057 = arith.addf %add3A_1015, %mul3A_1056 : vector<16xf32>
        %get3A_1058 = arith.constant 1 : i32
        %get3A_1059 = arith.index_cast %get3A_1058 : i32 to index
        %get3A_1060 = arith.index_cast %add3A_1048 : i32 to index
        %get3A_1061 = arith.constant 16 : index
        %get3A_1062 = tpu.vector_load %arg10[%get3A_1059, %get3A_1060, %get3A_1061] {strides = array<i32>} : memref<2x200x64xf32, #tpu.memory_space<vmem>>, vector<1x1x16xf32>,
        %get3A_1063 = vector.shape_cast %get3A_1062 : vector<1x1x16xf32> to vector<16xf32>
        %mul3A_1064 = vector.broadcast %squeeze3A_1044 : f32 to vector<16xf32>
        %mul3A_1065 = arith.mulf %mul3A_1064, %get3A_1063 : vector<16xf32>
        %add3A_1066 = arith.addf %add3A_1024, %mul3A_1065 : vector<16xf32>
        %get3A_1067 = arith.constant 1 : i32
        %get3A_1068 = arith.index_cast %get3A_1067 : i32 to index
        %get3A_1069 = arith.index_cast %add3A_1048 : i32 to index
        %get3A_1070 = arith.constant 32 : index
        %get3A_1071 = tpu.vector_load %arg10[%get3A_1068, %get3A_1069, %get3A_1070] {strides = array<i32>} : memref<2x200x64xf32, #tpu.memory_space<vmem>>, vector<1x1x16xf32>,
        %get3A_1072 = vector.shape_cast %get3A_1071 : vector<1x1x16xf32> to vector<16xf32>
        %mul3A_1073 = vector.broadcast %squeeze3A_1044 : f32 to vector<16xf32>
        %mul3A_1074 = arith.mulf %mul3A_1073, %get3A_1072 : vector<16xf32>
        %add3A_1075 = arith.addf %add3A_1033, %mul3A_1074 : vector<16xf32>
        %get3A_1076 = arith.constant 1 : i32
        %get3A_1077 = arith.index_cast %get3A_1076 : i32 to index
        %get3A_1078 = arith.index_cast %add3A_1048 : i32 to index
        %get3A_1079 = arith.constant 48 : index
        %get3A_1080 = tpu.vector_load %arg10[%get3A_1077, %get3A_1078, %get3A_1079] {strides = array<i32>} : memref<2x200x64xf32, #tpu.memory_space<vmem>>, vector<1x1x16xf32>,
        %get3A_1081 = vector.shape_cast %get3A_1080 : vector<1x1x16xf32> to vector<16xf32>
        %mul3A_1082 = vector.broadcast %squeeze3A_1044 : f32 to vector<16xf32>
        %mul3A_1083 = arith.mulf %mul3A_1082, %get3A_1081 : vector<16xf32>
        %add3A_1084 = arith.addf %add3A_1042, %mul3A_1083 : vector<16xf32>
        %slice3A_1085 = vector.extract_strided_slice %get3A_874 {offsets = [5], sizes = [1], strides = [1]} : vector<16xf32> to vector<1xf32>
        %squeeze3A_1086 = vector.extract %slice3A_1085[0] : f32 from vector<1xf32>
        %mul3A_1087 = arith.constant 16 : i32
        %mul3A_1088 = arith.muli %scan3A_864, %mul3A_1087 : i32
        %add3A_1089 = arith.constant 5 : i32
        %add3A_1090 = arith.addi %mul3A_1088, %add3A_1089 : i32
        %get3A_1091 = arith.constant 1 : i32
        %get3A_1092 = arith.index_cast %get3A_1091 : i32 to index
        %get3A_1093 = arith.index_cast %add3A_1090 : i32 to index
        %get3A_1094 = arith.constant 0 : index
        %get3A_1095 = tpu.vector_load %arg10[%get3A_1092, %get3A_1093, %get3A_1094] {strides = array<i32>} : memref<2x200x64xf32, #tpu.memory_space<vmem>>, vector<1x1x16xf32>,
        %get3A_1096 = vector.shape_cast %get3A_1095 : vector<1x1x16xf32> to vector<16xf32>
        %mul3A_1097 = vector.broadcast %squeeze3A_1086 : f32 to vector<16xf32>
        %mul3A_1098 = arith.mulf %mul3A_1097, %get3A_1096 : vector<16xf32>
        %add3A_1099 = arith.addf %add3A_1057, %mul3A_1098 : vector<16xf32>
        %get3A_1100 = arith.constant 1 : i32
        %get3A_1101 = arith.index_cast %get3A_1100 : i32 to index
        %get3A_1102 = arith.index_cast %add3A_1090 : i32 to index
        %get3A_1103 = arith.constant 16 : index
        %get3A_1104 = tpu.vector_load %arg10[%get3A_1101, %get3A_1102, %get3A_1103] {strides = array<i32>} : memref<2x200x64xf32, #tpu.memory_space<vmem>>, vector<1x1x16xf32>,
        %get3A_1105 = vector.shape_cast %get3A_1104 : vector<1x1x16xf32> to vector<16xf32>
        %mul3A_1106 = vector.broadcast %squeeze3A_1086 : f32 to vector<16xf32>
        %mul3A_1107 = arith.mulf %mul3A_1106, %get3A_1105 : vector<16xf32>
        %add3A_1108 = arith.addf %add3A_1066, %mul3A_1107 : vector<16xf32>
        %get3A_1109 = arith.constant 1 : i32
        %get3A_1110 = arith.index_cast %get3A_1109 : i32 to index
        %get3A_1111 = arith.index_cast %add3A_1090 : i32 to index
        %get3A_1112 = arith.constant 32 : index
        %get3A_1113 = tpu.vector_load %arg10[%get3A_1110, %get3A_1111, %get3A_1112] {strides = array<i32>} : memref<2x200x64xf32, #tpu.memory_space<vmem>>, vector<1x1x16xf32>,
        %get3A_1114 = vector.shape_cast %get3A_1113 : vector<1x1x16xf32> to vector<16xf32>
        %mul3A_1115 = vector.broadcast %squeeze3A_1086 : f32 to vector<16xf32>
        %mul3A_1116 = arith.mulf %mul3A_1115, %get3A_1114 : vector<16xf32>
        %add3A_1117 = arith.addf %add3A_1075, %mul3A_1116 : vector<16xf32>
        %get3A_1118 = arith.constant 1 : i32
        %get3A_1119 = arith.index_cast %get3A_1118 : i32 to index
        %get3A_1120 = arith.index_cast %add3A_1090 : i32 to index
        %get3A_1121 = arith.constant 48 : index
        %get3A_1122 = tpu.vector_load %arg10[%get3A_1119, %get3A_1120, %get3A_1121] {strides = array<i32>} : memref<2x200x64xf32, #tpu.memory_space<vmem>>, vector<1x1x16xf32>,
        %get3A_1123 = vector.shape_cast %get3A_1122 : vector<1x1x16xf32> to vector<16xf32>
        %mul3A_1124 = vector.broadcast %squeeze3A_1086 : f32 to vector<16xf32>
        %mul3A_1125 = arith.mulf %mul3A_1124, %get3A_1123 : vector<16xf32>
        %add3A_1126 = arith.addf %add3A_1084, %mul3A_1125 : vector<16xf32>
        %slice3A_1127 = vector.extract_strided_slice %get3A_874 {offsets = [6], sizes = [1], strides = [1]} : vector<16xf32> to vector<1xf32>
        %squeeze3A_1128 = vector.extract %slice3A_1127[0] : f32 from vector<1xf32>
        %mul3A_1129 = arith.constant 16 : i32
        %mul3A_1130 = arith.muli %scan3A_864, %mul3A_1129 : i32
        %add3A_1131 = arith.constant 6 : i32
        %add3A_1132 = arith.addi %mul3A_1130, %add3A_1131 : i32
        %get3A_1133 = arith.constant 1 : i32
        %get3A_1134 = arith.index_cast %get3A_1133 : i32 to index
        %get3A_1135 = arith.index_cast %add3A_1132 : i32 to index
        %get3A_1136 = arith.constant 0 : index
        %get3A_1137 = tpu.vector_load %arg10[%get3A_1134, %get3A_1135, %get3A_1136] {strides = array<i32>} : memref<2x200x64xf32, #tpu.memory_space<vmem>>, vector<1x1x16xf32>,
        %get3A_1138 = vector.shape_cast %get3A_1137 : vector<1x1x16xf32> to vector<16xf32>
        %mul3A_1139 = vector.broadcast %squeeze3A_1128 : f32 to vector<16xf32>
        %mul3A_1140 = arith.mulf %mul3A_1139, %get3A_1138 : vector<16xf32>
        %add3A_1141 = arith.addf %add3A_1099, %mul3A_1140 : vector<16xf32>
        %get3A_1142 = arith.constant 1 : i32
        %get3A_1143 = arith.index_cast %get3A_1142 : i32 to index
        %get3A_1144 = arith.index_cast %add3A_1132 : i32 to index
        %get3A_1145 = arith.constant 16 : index
        %get3A_1146 = tpu.vector_load %arg10[%get3A_1143, %get3A_1144, %get3A_1145] {strides = array<i32>} : memref<2x200x64xf32, #tpu.memory_space<vmem>>, vector<1x1x16xf32>,
        %get3A_1147 = vector.shape_cast %get3A_1146 : vector<1x1x16xf32> to vector<16xf32>
        %mul3A_1148 = vector.broadcast %squeeze3A_1128 : f32 to vector<16xf32>
        %mul3A_1149 = arith.mulf %mul3A_1148, %get3A_1147 : vector<16xf32>
        %add3A_1150 = arith.addf %add3A_1108, %mul3A_1149 : vector<16xf32>
        %get3A_1151 = arith.constant 1 : i32
        %get3A_1152 = arith.index_cast %get3A_1151 : i32 to index
        %get3A_1153 = arith.index_cast %add3A_1132 : i32 to index
        %get3A_1154 = arith.constant 32 : index
        %get3A_1155 = tpu.vector_load %arg10[%get3A_1152, %get3A_1153, %get3A_1154] {strides = array<i32>} : memref<2x200x64xf32, #tpu.memory_space<vmem>>, vector<1x1x16xf32>,
        %get3A_1156 = vector.shape_cast %get3A_1155 : vector<1x1x16xf32> to vector<16xf32>
        %mul3A_1157 = vector.broadcast %squeeze3A_1128 : f32 to vector<16xf32>
        %mul3A_1158 = arith.mulf %mul3A_1157, %get3A_1156 : vector<16xf32>
        %add3A_1159 = arith.addf %add3A_1117, %mul3A_1158 : vector<16xf32>
        %get3A_1160 = arith.constant 1 : i32
        %get3A_1161 = arith.index_cast %get3A_1160 : i32 to index
        %get3A_1162 = arith.index_cast %add3A_1132 : i32 to index
        %get3A_1163 = arith.constant 48 : index
        %get3A_1164 = tpu.vector_load %arg10[%get3A_1161, %get3A_1162, %get3A_1163] {strides = array<i32>} : memref<2x200x64xf32, #tpu.memory_space<vmem>>, vector<1x1x16xf32>,
        %get3A_1165 = vector.shape_cast %get3A_1164 : vector<1x1x16xf32> to vector<16xf32>
        %mul3A_1166 = vector.broadcast %squeeze3A_1128 : f32 to vector<16xf32>
        %mul3A_1167 = arith.mulf %mul3A_1166, %get3A_1165 : vector<16xf32>
        %add3A_1168 = arith.addf %add3A_1126, %mul3A_1167 : vector<16xf32>
        %slice3A_1169 = vector.extract_strided_slice %get3A_874 {offsets = [7], sizes = [1], strides = [1]} : vector<16xf32> to vector<1xf32>
        %squeeze3A_1170 = vector.extract %slice3A_1169[0] : f32 from vector<1xf32>
        %mul3A_1171 = arith.constant 16 : i32
        %mul3A_1172 = arith.muli %scan3A_864, %mul3A_1171 : i32
        %add3A_1173 = arith.constant 7 : i32
        %add3A_1174 = arith.addi %mul3A_1172, %add3A_1173 : i32
        %get3A_1175 = arith.constant 1 : i32
        %get3A_1176 = arith.index_cast %get3A_1175 : i32 to index
        %get3A_1177 = arith.index_cast %add3A_1174 : i32 to index
        %get3A_1178 = arith.constant 0 : index
        %get3A_1179 = tpu.vector_load %arg10[%get3A_1176, %get3A_1177, %get3A_1178] {strides = array<i32>} : memref<2x200x64xf32, #tpu.memory_space<vmem>>, vector<1x1x16xf32>,
        %get3A_1180 = vector.shape_cast %get3A_1179 : vector<1x1x16xf32> to vector<16xf32>
        %mul3A_1181 = vector.broadcast %squeeze3A_1170 : f32 to vector<16xf32>
        %mul3A_1182 = arith.mulf %mul3A_1181, %get3A_1180 : vector<16xf32>
        %add3A_1183 = arith.addf %add3A_1141, %mul3A_1182 : vector<16xf32>
        %get3A_1184 = arith.constant 1 : i32
        %get3A_1185 = arith.index_cast %get3A_1184 : i32 to index
        %get3A_1186 = arith.index_cast %add3A_1174 : i32 to index
        %get3A_1187 = arith.constant 16 : index
        %get3A_1188 = tpu.vector_load %arg10[%get3A_1185, %get3A_1186, %get3A_1187] {strides = array<i32>} : memref<2x200x64xf32, #tpu.memory_space<vmem>>, vector<1x1x16xf32>,
        %get3A_1189 = vector.shape_cast %get3A_1188 : vector<1x1x16xf32> to vector<16xf32>
        %mul3A_1190 = vector.broadcast %squeeze3A_1170 : f32 to vector<16xf32>
        %mul3A_1191 = arith.mulf %mul3A_1190, %get3A_1189 : vector<16xf32>
        %add3A_1192 = arith.addf %add3A_1150, %mul3A_1191 : vector<16xf32>
        %get3A_1193 = arith.constant 1 : i32
        %get3A_1194 = arith.index_cast %get3A_1193 : i32 to index
        %get3A_1195 = arith.index_cast %add3A_1174 : i32 to index
        %get3A_1196 = arith.constant 32 : index
        %get3A_1197 = tpu.vector_load %arg10[%get3A_1194, %get3A_1195, %get3A_1196] {strides = array<i32>} : memref<2x200x64xf32, #tpu.memory_space<vmem>>, vector<1x1x16xf32>,
        %get3A_1198 = vector.shape_cast %get3A_1197 : vector<1x1x16xf32> to vector<16xf32>
        %mul3A_1199 = vector.broadcast %squeeze3A_1170 : f32 to vector<16xf32>
        %mul3A_1200 = arith.mulf %mul3A_1199, %get3A_1198 : vector<16xf32>
        %add3A_1201 = arith.addf %add3A_1159, %mul3A_1200 : vector<16xf32>
        %get3A_1202 = arith.constant 1 : i32
        %get3A_1203 = arith.index_cast %get3A_1202 : i32 to index
        %get3A_1204 = arith.index_cast %add3A_1174 : i32 to index
        %get3A_1205 = arith.constant 48 : index
        %get3A_1206 = tpu.vector_load %arg10[%get3A_1203, %get3A_1204, %get3A_1205] {strides = array<i32>} : memref<2x200x64xf32, #tpu.memory_space<vmem>>, vector<1x1x16xf32>,
        %get3A_1207 = vector.shape_cast %get3A_1206 : vector<1x1x16xf32> to vector<16xf32>
        %mul3A_1208 = vector.broadcast %squeeze3A_1170 : f32 to vector<16xf32>
        %mul3A_1209 = arith.mulf %mul3A_1208, %get3A_1207 : vector<16xf32>
        %add3A_1210 = arith.addf %add3A_1168, %mul3A_1209 : vector<16xf32>
        %slice3A_1211 = vector.extract_strided_slice %get3A_874 {offsets = [8], sizes = [1], strides = [1]} : vector<16xf32> to vector<1xf32>
        %squeeze3A_1212 = vector.extract %slice3A_1211[0] : f32 from vector<1xf32>
        %mul3A_1213 = arith.constant 16 : i32
        %mul3A_1214 = arith.muli %scan3A_864, %mul3A_1213 : i32
        %add3A_1215 = arith.constant 8 : i32
        %add3A_1216 = arith.addi %mul3A_1214, %add3A_1215 : i32
        %get3A_1217 = arith.constant 1 : i32
        %get3A_1218 = arith.index_cast %get3A_1217 : i32 to index
        %get3A_1219 = arith.index_cast %add3A_1216 : i32 to index
        %get3A_1220 = arith.constant 0 : index
        %get3A_1221 = tpu.vector_load %arg10[%get3A_1218, %get3A_1219, %get3A_1220] {strides = array<i32>} : memref<2x200x64xf32, #tpu.memory_space<vmem>>, vector<1x1x16xf32>,
        %get3A_1222 = vector.shape_cast %get3A_1221 : vector<1x1x16xf32> to vector<16xf32>
        %mul3A_1223 = vector.broadcast %squeeze3A_1212 : f32 to vector<16xf32>
        %mul3A_1224 = arith.mulf %mul3A_1223, %get3A_1222 : vector<16xf32>
        %add3A_1225 = arith.addf %add3A_1183, %mul3A_1224 : vector<16xf32>
        %get3A_1226 = arith.constant 1 : i32
        %get3A_1227 = arith.index_cast %get3A_1226 : i32 to index
        %get3A_1228 = arith.index_cast %add3A_1216 : i32 to index
        %get3A_1229 = arith.constant 16 : index
        %get3A_1230 = tpu.vector_load %arg10[%get3A_1227, %get3A_1228, %get3A_1229] {strides = array<i32>} : memref<2x200x64xf32, #tpu.memory_space<vmem>>, vector<1x1x16xf32>,
        %get3A_1231 = vector.shape_cast %get3A_1230 : vector<1x1x16xf32> to vector<16xf32>
        %mul3A_1232 = vector.broadcast %squeeze3A_1212 : f32 to vector<16xf32>
        %mul3A_1233 = arith.mulf %mul3A_1232, %get3A_1231 : vector<16xf32>
        %add3A_1234 = arith.addf %add3A_1192, %mul3A_1233 : vector<16xf32>
        %get3A_1235 = arith.constant 1 : i32
        %get3A_1236 = arith.index_cast %get3A_1235 : i32 to index
        %get3A_1237 = arith.index_cast %add3A_1216 : i32 to index
        %get3A_1238 = arith.constant 32 : index
        %get3A_1239 = tpu.vector_load %arg10[%get3A_1236, %get3A_1237, %get3A_1238] {strides = array<i32>} : memref<2x200x64xf32, #tpu.memory_space<vmem>>, vector<1x1x16xf32>,
        %get3A_1240 = vector.shape_cast %get3A_1239 : vector<1x1x16xf32> to vector<16xf32>
        %mul3A_1241 = vector.broadcast %squeeze3A_1212 : f32 to vector<16xf32>
        %mul3A_1242 = arith.mulf %mul3A_1241, %get3A_1240 : vector<16xf32>
        %add3A_1243 = arith.addf %add3A_1201, %mul3A_1242 : vector<16xf32>
        %get3A_1244 = arith.constant 1 : i32
        %get3A_1245 = arith.index_cast %get3A_1244 : i32 to index
        %get3A_1246 = arith.index_cast %add3A_1216 : i32 to index
        %get3A_1247 = arith.constant 48 : index
        %get3A_1248 = tpu.vector_load %arg10[%get3A_1245, %get3A_1246, %get3A_1247] {strides = array<i32>} : memref<2x200x64xf32, #tpu.memory_space<vmem>>, vector<1x1x16xf32>,
        %get3A_1249 = vector.shape_cast %get3A_1248 : vector<1x1x16xf32> to vector<16xf32>
        %mul3A_1250 = vector.broadcast %squeeze3A_1212 : f32 to vector<16xf32>
        %mul3A_1251 = arith.mulf %mul3A_1250, %get3A_1249 : vector<16xf32>
        %add3A_1252 = arith.addf %add3A_1210, %mul3A_1251 : vector<16xf32>
        %slice3A_1253 = vector.extract_strided_slice %get3A_874 {offsets = [9], sizes = [1], strides = [1]} : vector<16xf32> to vector<1xf32>
        %squeeze3A_1254 = vector.extract %slice3A_1253[0] : f32 from vector<1xf32>
        %mul3A_1255 = arith.constant 16 : i32
        %mul3A_1256 = arith.muli %scan3A_864, %mul3A_1255 : i32
        %add3A_1257 = arith.constant 9 : i32
        %add3A_1258 = arith.addi %mul3A_1256, %add3A_1257 : i32
        %get3A_1259 = arith.constant 1 : i32
        %get3A_1260 = arith.index_cast %get3A_1259 : i32 to index
        %get3A_1261 = arith.index_cast %add3A_1258 : i32 to index
        %get3A_1262 = arith.constant 0 : index
        %get3A_1263 = tpu.vector_load %arg10[%get3A_1260, %get3A_1261, %get3A_1262] {strides = array<i32>} : memref<2x200x64xf32, #tpu.memory_space<vmem>>, vector<1x1x16xf32>,
        %get3A_1264 = vector.shape_cast %get3A_1263 : vector<1x1x16xf32> to vector<16xf32>
        %mul3A_1265 = vector.broadcast %squeeze3A_1254 : f32 to vector<16xf32>
        %mul3A_1266 = arith.mulf %mul3A_1265, %get3A_1264 : vector<16xf32>
        %add3A_1267 = arith.addf %add3A_1225, %mul3A_1266 : vector<16xf32>
        %get3A_1268 = arith.constant 1 : i32
        %get3A_1269 = arith.index_cast %get3A_1268 : i32 to index
        %get3A_1270 = arith.index_cast %add3A_1258 : i32 to index
        %get3A_1271 = arith.constant 16 : index
        %get3A_1272 = tpu.vector_load %arg10[%get3A_1269, %get3A_1270, %get3A_1271] {strides = array<i32>} : memref<2x200x64xf32, #tpu.memory_space<vmem>>, vector<1x1x16xf32>,
        %get3A_1273 = vector.shape_cast %get3A_1272 : vector<1x1x16xf32> to vector<16xf32>
        %mul3A_1274 = vector.broadcast %squeeze3A_1254 : f32 to vector<16xf32>
        %mul3A_1275 = arith.mulf %mul3A_1274, %get3A_1273 : vector<16xf32>
        %add3A_1276 = arith.addf %add3A_1234, %mul3A_1275 : vector<16xf32>
        %get3A_1277 = arith.constant 1 : i32
        %get3A_1278 = arith.index_cast %get3A_1277 : i32 to index
        %get3A_1279 = arith.index_cast %add3A_1258 : i32 to index
        %get3A_1280 = arith.constant 32 : index
        %get3A_1281 = tpu.vector_load %arg10[%get3A_1278, %get3A_1279, %get3A_1280] {strides = array<i32>} : memref<2x200x64xf32, #tpu.memory_space<vmem>>, vector<1x1x16xf32>,
        %get3A_1282 = vector.shape_cast %get3A_1281 : vector<1x1x16xf32> to vector<16xf32>
        %mul3A_1283 = vector.broadcast %squeeze3A_1254 : f32 to vector<16xf32>
        %mul3A_1284 = arith.mulf %mul3A_1283, %get3A_1282 : vector<16xf32>
        %add3A_1285 = arith.addf %add3A_1243, %mul3A_1284 : vector<16xf32>
        %get3A_1286 = arith.constant 1 : i32
        %get3A_1287 = arith.index_cast %get3A_1286 : i32 to index
        %get3A_1288 = arith.index_cast %add3A_1258 : i32 to index
        %get3A_1289 = arith.constant 48 : index
        %get3A_1290 = tpu.vector_load %arg10[%get3A_1287, %get3A_1288, %get3A_1289] {strides = array<i32>} : memref<2x200x64xf32, #tpu.memory_space<vmem>>, vector<1x1x16xf32>,
        %get3A_1291 = vector.shape_cast %get3A_1290 : vector<1x1x16xf32> to vector<16xf32>
        %mul3A_1292 = vector.broadcast %squeeze3A_1254 : f32 to vector<16xf32>
        %mul3A_1293 = arith.mulf %mul3A_1292, %get3A_1291 : vector<16xf32>
        %add3A_1294 = arith.addf %add3A_1252, %mul3A_1293 : vector<16xf32>
        %slice3A_1295 = vector.extract_strided_slice %get3A_874 {offsets = [10], sizes = [1], strides = [1]} : vector<16xf32> to vector<1xf32>
        %squeeze3A_1296 = vector.extract %slice3A_1295[0] : f32 from vector<1xf32>
        %mul3A_1297 = arith.constant 16 : i32
        %mul3A_1298 = arith.muli %scan3A_864, %mul3A_1297 : i32
        %add3A_1299 = arith.constant 10 : i32
        %add3A_1300 = arith.addi %mul3A_1298, %add3A_1299 : i32
        %get3A_1301 = arith.constant 1 : i32
        %get3A_1302 = arith.index_cast %get3A_1301 : i32 to index
        %get3A_1303 = arith.index_cast %add3A_1300 : i32 to index
        %get3A_1304 = arith.constant 0 : index
        %get3A_1305 = tpu.vector_load %arg10[%get3A_1302, %get3A_1303, %get3A_1304] {strides = array<i32>} : memref<2x200x64xf32, #tpu.memory_space<vmem>>, vector<1x1x16xf32>,
        %get3A_1306 = vector.shape_cast %get3A_1305 : vector<1x1x16xf32> to vector<16xf32>
        %mul3A_1307 = vector.broadcast %squeeze3A_1296 : f32 to vector<16xf32>
        %mul3A_1308 = arith.mulf %mul3A_1307, %get3A_1306 : vector<16xf32>
        %add3A_1309 = arith.addf %add3A_1267, %mul3A_1308 : vector<16xf32>
        %get3A_1310 = arith.constant 1 : i32
        %get3A_1311 = arith.index_cast %get3A_1310 : i32 to index
        %get3A_1312 = arith.index_cast %add3A_1300 : i32 to index
        %get3A_1313 = arith.constant 16 : index
        %get3A_1314 = tpu.vector_load %arg10[%get3A_1311, %get3A_1312, %get3A_1313] {strides = array<i32>} : memref<2x200x64xf32, #tpu.memory_space<vmem>>, vector<1x1x16xf32>,
        %get3A_1315 = vector.shape_cast %get3A_1314 : vector<1x1x16xf32> to vector<16xf32>
        %mul3A_1316 = vector.broadcast %squeeze3A_1296 : f32 to vector<16xf32>
        %mul3A_1317 = arith.mulf %mul3A_1316, %get3A_1315 : vector<16xf32>
        %add3A_1318 = arith.addf %add3A_1276, %mul3A_1317 : vector<16xf32>
        %get3A_1319 = arith.constant 1 : i32
        %get3A_1320 = arith.index_cast %get3A_1319 : i32 to index
        %get3A_1321 = arith.index_cast %add3A_1300 : i32 to index
        %get3A_1322 = arith.constant 32 : index
        %get3A_1323 = tpu.vector_load %arg10[%get3A_1320, %get3A_1321, %get3A_1322] {strides = array<i32>} : memref<2x200x64xf32, #tpu.memory_space<vmem>>, vector<1x1x16xf32>,
        %get3A_1324 = vector.shape_cast %get3A_1323 : vector<1x1x16xf32> to vector<16xf32>
        %mul3A_1325 = vector.broadcast %squeeze3A_1296 : f32 to vector<16xf32>
        %mul3A_1326 = arith.mulf %mul3A_1325, %get3A_1324 : vector<16xf32>
        %add3A_1327 = arith.addf %add3A_1285, %mul3A_1326 : vector<16xf32>
        %get3A_1328 = arith.constant 1 : i32
        %get3A_1329 = arith.index_cast %get3A_1328 : i32 to index
        %get3A_1330 = arith.index_cast %add3A_1300 : i32 to index
        %get3A_1331 = arith.constant 48 : index
        %get3A_1332 = tpu.vector_load %arg10[%get3A_1329, %get3A_1330, %get3A_1331] {strides = array<i32>} : memref<2x200x64xf32, #tpu.memory_space<vmem>>, vector<1x1x16xf32>,
        %get3A_1333 = vector.shape_cast %get3A_1332 : vector<1x1x16xf32> to vector<16xf32>
        %mul3A_1334 = vector.broadcast %squeeze3A_1296 : f32 to vector<16xf32>
        %mul3A_1335 = arith.mulf %mul3A_1334, %get3A_1333 : vector<16xf32>
        %add3A_1336 = arith.addf %add3A_1294, %mul3A_1335 : vector<16xf32>
        %slice3A_1337 = vector.extract_strided_slice %get3A_874 {offsets = [11], sizes = [1], strides = [1]} : vector<16xf32> to vector<1xf32>
        %squeeze3A_1338 = vector.extract %slice3A_1337[0] : f32 from vector<1xf32>
        %mul3A_1339 = arith.constant 16 : i32
        %mul3A_1340 = arith.muli %scan3A_864, %mul3A_1339 : i32
        %add3A_1341 = arith.constant 11 : i32
        %add3A_1342 = arith.addi %mul3A_1340, %add3A_1341 : i32
        %get3A_1343 = arith.constant 1 : i32
        %get3A_1344 = arith.index_cast %get3A_1343 : i32 to index
        %get3A_1345 = arith.index_cast %add3A_1342 : i32 to index
        %get3A_1346 = arith.constant 0 : index
        %get3A_1347 = tpu.vector_load %arg10[%get3A_1344, %get3A_1345, %get3A_1346] {strides = array<i32>} : memref<2x200x64xf32, #tpu.memory_space<vmem>>, vector<1x1x16xf32>,
        %get3A_1348 = vector.shape_cast %get3A_1347 : vector<1x1x16xf32> to vector<16xf32>
        %mul3A_1349 = vector.broadcast %squeeze3A_1338 : f32 to vector<16xf32>
        %mul3A_1350 = arith.mulf %mul3A_1349, %get3A_1348 : vector<16xf32>
        %add3A_1351 = arith.addf %add3A_1309, %mul3A_1350 : vector<16xf32>
        %get3A_1352 = arith.constant 1 : i32
        %get3A_1353 = arith.index_cast %get3A_1352 : i32 to index
        %get3A_1354 = arith.index_cast %add3A_1342 : i32 to index
        %get3A_1355 = arith.constant 16 : index
        %get3A_1356 = tpu.vector_load %arg10[%get3A_1353, %get3A_1354, %get3A_1355] {strides = array<i32>} : memref<2x200x64xf32, #tpu.memory_space<vmem>>, vector<1x1x16xf32>,
        %get3A_1357 = vector.shape_cast %get3A_1356 : vector<1x1x16xf32> to vector<16xf32>
        %mul3A_1358 = vector.broadcast %squeeze3A_1338 : f32 to vector<16xf32>
        %mul3A_1359 = arith.mulf %mul3A_1358, %get3A_1357 : vector<16xf32>
        %add3A_1360 = arith.addf %add3A_1318, %mul3A_1359 : vector<16xf32>
        %get3A_1361 = arith.constant 1 : i32
        %get3A_1362 = arith.index_cast %get3A_1361 : i32 to index
        %get3A_1363 = arith.index_cast %add3A_1342 : i32 to index
        %get3A_1364 = arith.constant 32 : index
        %get3A_1365 = tpu.vector_load %arg10[%get3A_1362, %get3A_1363, %get3A_1364] {strides = array<i32>} : memref<2x200x64xf32, #tpu.memory_space<vmem>>, vector<1x1x16xf32>,
        %get3A_1366 = vector.shape_cast %get3A_1365 : vector<1x1x16xf32> to vector<16xf32>
        %mul3A_1367 = vector.broadcast %squeeze3A_1338 : f32 to vector<16xf32>
        %mul3A_1368 = arith.mulf %mul3A_1367, %get3A_1366 : vector<16xf32>
        %add3A_1369 = arith.addf %add3A_1327, %mul3A_1368 : vector<16xf32>
        %get3A_1370 = arith.constant 1 : i32
        %get3A_1371 = arith.index_cast %get3A_1370 : i32 to index
        %get3A_1372 = arith.index_cast %add3A_1342 : i32 to index
        %get3A_1373 = arith.constant 48 : index
        %get3A_1374 = tpu.vector_load %arg10[%get3A_1371, %get3A_1372, %get3A_1373] {strides = array<i32>} : memref<2x200x64xf32, #tpu.memory_space<vmem>>, vector<1x1x16xf32>,
        %get3A_1375 = vector.shape_cast %get3A_1374 : vector<1x1x16xf32> to vector<16xf32>
        %mul3A_1376 = vector.broadcast %squeeze3A_1338 : f32 to vector<16xf32>
        %mul3A_1377 = arith.mulf %mul3A_1376, %get3A_1375 : vector<16xf32>
        %add3A_1378 = arith.addf %add3A_1336, %mul3A_1377 : vector<16xf32>
        %slice3A_1379 = vector.extract_strided_slice %get3A_874 {offsets = [12], sizes = [1], strides = [1]} : vector<16xf32> to vector<1xf32>
        %squeeze3A_1380 = vector.extract %slice3A_1379[0] : f32 from vector<1xf32>
        %mul3A_1381 = arith.constant 16 : i32
        %mul3A_1382 = arith.muli %scan3A_864, %mul3A_1381 : i32
        %add3A_1383 = arith.constant 12 : i32
        %add3A_1384 = arith.addi %mul3A_1382, %add3A_1383 : i32
        %get3A_1385 = arith.constant 1 : i32
        %get3A_1386 = arith.index_cast %get3A_1385 : i32 to index
        %get3A_1387 = arith.index_cast %add3A_1384 : i32 to index
        %get3A_1388 = arith.constant 0 : index
        %get3A_1389 = tpu.vector_load %arg10[%get3A_1386, %get3A_1387, %get3A_1388] {strides = array<i32>} : memref<2x200x64xf32, #tpu.memory_space<vmem>>, vector<1x1x16xf32>,
        %get3A_1390 = vector.shape_cast %get3A_1389 : vector<1x1x16xf32> to vector<16xf32>
        %mul3A_1391 = vector.broadcast %squeeze3A_1380 : f32 to vector<16xf32>
        %mul3A_1392 = arith.mulf %mul3A_1391, %get3A_1390 : vector<16xf32>
        %add3A_1393 = arith.addf %add3A_1351, %mul3A_1392 : vector<16xf32>
        %get3A_1394 = arith.constant 1 : i32
        %get3A_1395 = arith.index_cast %get3A_1394 : i32 to index
        %get3A_1396 = arith.index_cast %add3A_1384 : i32 to index
        %get3A_1397 = arith.constant 16 : index
        %get3A_1398 = tpu.vector_load %arg10[%get3A_1395, %get3A_1396, %get3A_1397] {strides = array<i32>} : memref<2x200x64xf32, #tpu.memory_space<vmem>>, vector<1x1x16xf32>,
        %get3A_1399 = vector.shape_cast %get3A_1398 : vector<1x1x16xf32> to vector<16xf32>
        %mul3A_1400 = vector.broadcast %squeeze3A_1380 : f32 to vector<16xf32>
        %mul3A_1401 = arith.mulf %mul3A_1400, %get3A_1399 : vector<16xf32>
        %add3A_1402 = arith.addf %add3A_1360, %mul3A_1401 : vector<16xf32>
        %get3A_1403 = arith.constant 1 : i32
        %get3A_1404 = arith.index_cast %get3A_1403 : i32 to index
        %get3A_1405 = arith.index_cast %add3A_1384 : i32 to index
        %get3A_1406 = arith.constant 32 : index
        %get3A_1407 = tpu.vector_load %arg10[%get3A_1404, %get3A_1405, %get3A_1406] {strides = array<i32>} : memref<2x200x64xf32, #tpu.memory_space<vmem>>, vector<1x1x16xf32>,
        %get3A_1408 = vector.shape_cast %get3A_1407 : vector<1x1x16xf32> to vector<16xf32>
        %mul3A_1409 = vector.broadcast %squeeze3A_1380 : f32 to vector<16xf32>
        %mul3A_1410 = arith.mulf %mul3A_1409, %get3A_1408 : vector<16xf32>
        %add3A_1411 = arith.addf %add3A_1369, %mul3A_1410 : vector<16xf32>
        %get3A_1412 = arith.constant 1 : i32
        %get3A_1413 = arith.index_cast %get3A_1412 : i32 to index
        %get3A_1414 = arith.index_cast %add3A_1384 : i32 to index
        %get3A_1415 = arith.constant 48 : index
        %get3A_1416 = tpu.vector_load %arg10[%get3A_1413, %get3A_1414, %get3A_1415] {strides = array<i32>} : memref<2x200x64xf32, #tpu.memory_space<vmem>>, vector<1x1x16xf32>,
        %get3A_1417 = vector.shape_cast %get3A_1416 : vector<1x1x16xf32> to vector<16xf32>
        %mul3A_1418 = vector.broadcast %squeeze3A_1380 : f32 to vector<16xf32>
        %mul3A_1419 = arith.mulf %mul3A_1418, %get3A_1417 : vector<16xf32>
        %add3A_1420 = arith.addf %add3A_1378, %mul3A_1419 : vector<16xf32>
        %slice3A_1421 = vector.extract_strided_slice %get3A_874 {offsets = [13], sizes = [1], strides = [1]} : vector<16xf32> to vector<1xf32>
        %squeeze3A_1422 = vector.extract %slice3A_1421[0] : f32 from vector<1xf32>
        %mul3A_1423 = arith.constant 16 : i32
        %mul3A_1424 = arith.muli %scan3A_864, %mul3A_1423 : i32
        %add3A_1425 = arith.constant 13 : i32
        %add3A_1426 = arith.addi %mul3A_1424, %add3A_1425 : i32
        %get3A_1427 = arith.constant 1 : i32
        %get3A_1428 = arith.index_cast %get3A_1427 : i32 to index
        %get3A_1429 = arith.index_cast %add3A_1426 : i32 to index
        %get3A_1430 = arith.constant 0 : index
        %get3A_1431 = tpu.vector_load %arg10[%get3A_1428, %get3A_1429, %get3A_1430] {strides = array<i32>} : memref<2x200x64xf32, #tpu.memory_space<vmem>>, vector<1x1x16xf32>,
        %get3A_1432 = vector.shape_cast %get3A_1431 : vector<1x1x16xf32> to vector<16xf32>
        %mul3A_1433 = vector.broadcast %squeeze3A_1422 : f32 to vector<16xf32>
        %mul3A_1434 = arith.mulf %mul3A_1433, %get3A_1432 : vector<16xf32>
        %add3A_1435 = arith.addf %add3A_1393, %mul3A_1434 : vector<16xf32>
        %get3A_1436 = arith.constant 1 : i32
        %get3A_1437 = arith.index_cast %get3A_1436 : i32 to index
        %get3A_1438 = arith.index_cast %add3A_1426 : i32 to index
        %get3A_1439 = arith.constant 16 : index
        %get3A_1440 = tpu.vector_load %arg10[%get3A_1437, %get3A_1438, %get3A_1439] {strides = array<i32>} : memref<2x200x64xf32, #tpu.memory_space<vmem>>, vector<1x1x16xf32>,
        %get3A_1441 = vector.shape_cast %get3A_1440 : vector<1x1x16xf32> to vector<16xf32>
        %mul3A_1442 = vector.broadcast %squeeze3A_1422 : f32 to vector<16xf32>
        %mul3A_1443 = arith.mulf %mul3A_1442, %get3A_1441 : vector<16xf32>
        %add3A_1444 = arith.addf %add3A_1402, %mul3A_1443 : vector<16xf32>
        %get3A_1445 = arith.constant 1 : i32
        %get3A_1446 = arith.index_cast %get3A_1445 : i32 to index
        %get3A_1447 = arith.index_cast %add3A_1426 : i32 to index
        %get3A_1448 = arith.constant 32 : index
        %get3A_1449 = tpu.vector_load %arg10[%get3A_1446, %get3A_1447, %get3A_1448] {strides = array<i32>} : memref<2x200x64xf32, #tpu.memory_space<vmem>>, vector<1x1x16xf32>,
        %get3A_1450 = vector.shape_cast %get3A_1449 : vector<1x1x16xf32> to vector<16xf32>
        %mul3A_1451 = vector.broadcast %squeeze3A_1422 : f32 to vector<16xf32>
        %mul3A_1452 = arith.mulf %mul3A_1451, %get3A_1450 : vector<16xf32>
        %add3A_1453 = arith.addf %add3A_1411, %mul3A_1452 : vector<16xf32>
        %get3A_1454 = arith.constant 1 : i32
        %get3A_1455 = arith.index_cast %get3A_1454 : i32 to index
        %get3A_1456 = arith.index_cast %add3A_1426 : i32 to index
        %get3A_1457 = arith.constant 48 : index
        %get3A_1458 = tpu.vector_load %arg10[%get3A_1455, %get3A_1456, %get3A_1457] {strides = array<i32>} : memref<2x200x64xf32, #tpu.memory_space<vmem>>, vector<1x1x16xf32>,
        %get3A_1459 = vector.shape_cast %get3A_1458 : vector<1x1x16xf32> to vector<16xf32>
        %mul3A_1460 = vector.broadcast %squeeze3A_1422 : f32 to vector<16xf32>
        %mul3A_1461 = arith.mulf %mul3A_1460, %get3A_1459 : vector<16xf32>
        %add3A_1462 = arith.addf %add3A_1420, %mul3A_1461 : vector<16xf32>
        %slice3A_1463 = vector.extract_strided_slice %get3A_874 {offsets = [14], sizes = [1], strides = [1]} : vector<16xf32> to vector<1xf32>
        %squeeze3A_1464 = vector.extract %slice3A_1463[0] : f32 from vector<1xf32>
        %mul3A_1465 = arith.constant 16 : i32
        %mul3A_1466 = arith.muli %scan3A_864, %mul3A_1465 : i32
        %add3A_1467 = arith.constant 14 : i32
        %add3A_1468 = arith.addi %mul3A_1466, %add3A_1467 : i32
        %get3A_1469 = arith.constant 1 : i32
        %get3A_1470 = arith.index_cast %get3A_1469 : i32 to index
        %get3A_1471 = arith.index_cast %add3A_1468 : i32 to index
        %get3A_1472 = arith.constant 0 : index
        %get3A_1473 = tpu.vector_load %arg10[%get3A_1470, %get3A_1471, %get3A_1472] {strides = array<i32>} : memref<2x200x64xf32, #tpu.memory_space<vmem>>, vector<1x1x16xf32>,
        %get3A_1474 = vector.shape_cast %get3A_1473 : vector<1x1x16xf32> to vector<16xf32>
        %mul3A_1475 = vector.broadcast %squeeze3A_1464 : f32 to vector<16xf32>
        %mul3A_1476 = arith.mulf %mul3A_1475, %get3A_1474 : vector<16xf32>
        %add3A_1477 = arith.addf %add3A_1435, %mul3A_1476 : vector<16xf32>
        %get3A_1478 = arith.constant 1 : i32
        %get3A_1479 = arith.index_cast %get3A_1478 : i32 to index
        %get3A_1480 = arith.index_cast %add3A_1468 : i32 to index
        %get3A_1481 = arith.constant 16 : index
        %get3A_1482 = tpu.vector_load %arg10[%get3A_1479, %get3A_1480, %get3A_1481] {strides = array<i32>} : memref<2x200x64xf32, #tpu.memory_space<vmem>>, vector<1x1x16xf32>,
        %get3A_1483 = vector.shape_cast %get3A_1482 : vector<1x1x16xf32> to vector<16xf32>
        %mul3A_1484 = vector.broadcast %squeeze3A_1464 : f32 to vector<16xf32>
        %mul3A_1485 = arith.mulf %mul3A_1484, %get3A_1483 : vector<16xf32>
        %add3A_1486 = arith.addf %add3A_1444, %mul3A_1485 : vector<16xf32>
        %get3A_1487 = arith.constant 1 : i32
        %get3A_1488 = arith.index_cast %get3A_1487 : i32 to index
        %get3A_1489 = arith.index_cast %add3A_1468 : i32 to index
        %get3A_1490 = arith.constant 32 : index
        %get3A_1491 = tpu.vector_load %arg10[%get3A_1488, %get3A_1489, %get3A_1490] {strides = array<i32>} : memref<2x200x64xf32, #tpu.memory_space<vmem>>, vector<1x1x16xf32>,
        %get3A_1492 = vector.shape_cast %get3A_1491 : vector<1x1x16xf32> to vector<16xf32>
        %mul3A_1493 = vector.broadcast %squeeze3A_1464 : f32 to vector<16xf32>
        %mul3A_1494 = arith.mulf %mul3A_1493, %get3A_1492 : vector<16xf32>
        %add3A_1495 = arith.addf %add3A_1453, %mul3A_1494 : vector<16xf32>
        %get3A_1496 = arith.constant 1 : i32
        %get3A_1497 = arith.index_cast %get3A_1496 : i32 to index
        %get3A_1498 = arith.index_cast %add3A_1468 : i32 to index
        %get3A_1499 = arith.constant 48 : index
        %get3A_1500 = tpu.vector_load %arg10[%get3A_1497, %get3A_1498, %get3A_1499] {strides = array<i32>} : memref<2x200x64xf32, #tpu.memory_space<vmem>>, vector<1x1x16xf32>,
        %get3A_1501 = vector.shape_cast %get3A_1500 : vector<1x1x16xf32> to vector<16xf32>
        %mul3A_1502 = vector.broadcast %squeeze3A_1464 : f32 to vector<16xf32>
        %mul3A_1503 = arith.mulf %mul3A_1502, %get3A_1501 : vector<16xf32>
        %add3A_1504 = arith.addf %add3A_1462, %mul3A_1503 : vector<16xf32>
        %slice3A_1505 = vector.extract_strided_slice %get3A_874 {offsets = [15], sizes = [1], strides = [1]} : vector<16xf32> to vector<1xf32>
        %squeeze3A_1506 = vector.extract %slice3A_1505[0] : f32 from vector<1xf32>
        %mul3A_1507 = arith.constant 16 : i32
        %mul3A_1508 = arith.muli %scan3A_864, %mul3A_1507 : i32
        %add3A_1509 = arith.constant 15 : i32
        %add3A_1510 = arith.addi %mul3A_1508, %add3A_1509 : i32
        %get3A_1511 = arith.constant 1 : i32
        %get3A_1512 = arith.index_cast %get3A_1511 : i32 to index
        %get3A_1513 = arith.index_cast %add3A_1510 : i32 to index
        %get3A_1514 = arith.constant 0 : index
        %get3A_1515 = tpu.vector_load %arg10[%get3A_1512, %get3A_1513, %get3A_1514] {strides = array<i32>} : memref<2x200x64xf32, #tpu.memory_space<vmem>>, vector<1x1x16xf32>,
        %get3A_1516 = vector.shape_cast %get3A_1515 : vector<1x1x16xf32> to vector<16xf32>
        %mul3A_1517 = vector.broadcast %squeeze3A_1506 : f32 to vector<16xf32>
        %mul3A_1518 = arith.mulf %mul3A_1517, %get3A_1516 : vector<16xf32>
        %add3A_1519 = arith.addf %add3A_1477, %mul3A_1518 : vector<16xf32>
        %get3A_1520 = arith.constant 1 : i32
        %get3A_1521 = arith.index_cast %get3A_1520 : i32 to index
        %get3A_1522 = arith.index_cast %add3A_1510 : i32 to index
        %get3A_1523 = arith.constant 16 : index
        %get3A_1524 = tpu.vector_load %arg10[%get3A_1521, %get3A_1522, %get3A_1523] {strides = array<i32>} : memref<2x200x64xf32, #tpu.memory_space<vmem>>, vector<1x1x16xf32>,
        %get3A_1525 = vector.shape_cast %get3A_1524 : vector<1x1x16xf32> to vector<16xf32>
        %mul3A_1526 = vector.broadcast %squeeze3A_1506 : f32 to vector<16xf32>
        %mul3A_1527 = arith.mulf %mul3A_1526, %get3A_1525 : vector<16xf32>
        %add3A_1528 = arith.addf %add3A_1486, %mul3A_1527 : vector<16xf32>
        %get3A_1529 = arith.constant 1 : i32
        %get3A_1530 = arith.index_cast %get3A_1529 : i32 to index
        %get3A_1531 = arith.index_cast %add3A_1510 : i32 to index
        %get3A_1532 = arith.constant 32 : index
        %get3A_1533 = tpu.vector_load %arg10[%get3A_1530, %get3A_1531, %get3A_1532] {strides = array<i32>} : memref<2x200x64xf32, #tpu.memory_space<vmem>>, vector<1x1x16xf32>,
        %get3A_1534 = vector.shape_cast %get3A_1533 : vector<1x1x16xf32> to vector<16xf32>
        %mul3A_1535 = vector.broadcast %squeeze3A_1506 : f32 to vector<16xf32>
        %mul3A_1536 = arith.mulf %mul3A_1535, %get3A_1534 : vector<16xf32>
        %add3A_1537 = arith.addf %add3A_1495, %mul3A_1536 : vector<16xf32>
        %get3A_1538 = arith.constant 1 : i32
        %get3A_1539 = arith.index_cast %get3A_1538 : i32 to index
        %get3A_1540 = arith.index_cast %add3A_1510 : i32 to index
        %get3A_1541 = arith.constant 48 : index
        %get3A_1542 = tpu.vector_load %arg10[%get3A_1539, %get3A_1540, %get3A_1541] {strides = array<i32>} : memref<2x200x64xf32, #tpu.memory_space<vmem>>, vector<1x1x16xf32>,
        %get3A_1543 = vector.shape_cast %get3A_1542 : vector<1x1x16xf32> to vector<16xf32>
        %mul3A_1544 = vector.broadcast %squeeze3A_1506 : f32 to vector<16xf32>
        %mul3A_1545 = arith.mulf %mul3A_1544, %get3A_1543 : vector<16xf32>
        %add3A_1546 = arith.addf %add3A_1504, %mul3A_1545 : vector<16xf32>
        scf.yield %add3A_1519, %add3A_1528, %add3A_1537, %add3A_1546 : vector<16xf32>, vector<16xf32>, vector<16xf32>, vector<16xf32>
      }
      %scan3A_494 = arith.constant 12 : i32
      %add3A_495 = arith.constant 192 : i32
      %add3A_496 = arith.addi %mul3A_486, %add3A_495 : i32
      %get3A_497 = arith.index_cast %add3A_496 : i32 to index
      %get3A_498 = tpu.vector_load %arg8[%get3A_497] {strides = array<i32>} : memref<25616xf32, #tpu.memory_space<vmem>>, vector<16xf32>,
      %get3A_499 = vector.shape_cast %get3A_498 : vector<16xf32> to vector<16xf32>
      %slice3A_500 = vector.extract_strided_slice %get3A_499 {offsets = [0], sizes = [1], strides = [1]} : vector<16xf32> to vector<1xf32>
      %squeeze3A_501 = vector.extract %slice3A_500[0] : f32 from vector<1xf32>
      %get3A_502 = arith.constant 1 : i32
      %get3A_503 = arith.constant 192 : i32
      %get3A_504 = arith.index_cast %get3A_502 : i32 to index
      %get3A_505 = arith.index_cast %get3A_503 : i32 to index
      %get3A_506 = arith.constant 0 : index
      %get3A_507 = tpu.vector_load %arg10[%get3A_504, %get3A_505, %get3A_506] {strides = array<i32>} : memref<2x200x64xf32, #tpu.memory_space<vmem>>, vector<1x1x16xf32>,
      %get3A_508 = vector.shape_cast %get3A_507 : vector<1x1x16xf32> to vector<16xf32>
      %mul3A_509 = vector.broadcast %squeeze3A_501 : f32 to vector<16xf32>
      %mul3A_510 = arith.mulf %mul3A_509, %get3A_508 : vector<16xf32>
      %add3A_511 = arith.addf %scan3A_493#0, %mul3A_510 : vector<16xf32>
      %get3A_512 = arith.constant 1 : i32
      %get3A_513 = arith.constant 192 : i32
      %get3A_514 = arith.index_cast %get3A_512 : i32 to index
      %get3A_515 = arith.index_cast %get3A_513 : i32 to index
      %get3A_516 = arith.constant 16 : index
      %get3A_517 = tpu.vector_load %arg10[%get3A_514, %get3A_515, %get3A_516] {strides = array<i32>} : memref<2x200x64xf32, #tpu.memory_space<vmem>>, vector<1x1x16xf32>,
      %get3A_518 = vector.shape_cast %get3A_517 : vector<1x1x16xf32> to vector<16xf32>
      %mul3A_519 = vector.broadcast %squeeze3A_501 : f32 to vector<16xf32>
      %mul3A_520 = arith.mulf %mul3A_519, %get3A_518 : vector<16xf32>
      %add3A_521 = arith.addf %scan3A_493#1, %mul3A_520 : vector<16xf32>
      %get3A_522 = arith.constant 1 : i32
      %get3A_523 = arith.constant 192 : i32
      %get3A_524 = arith.index_cast %get3A_522 : i32 to index
      %get3A_525 = arith.index_cast %get3A_523 : i32 to index
      %get3A_526 = arith.constant 32 : index
      %get3A_527 = tpu.vector_load %arg10[%get3A_524, %get3A_525, %get3A_526] {strides = array<i32>} : memref<2x200x64xf32, #tpu.memory_space<vmem>>, vector<1x1x16xf32>,
      %get3A_528 = vector.shape_cast %get3A_527 : vector<1x1x16xf32> to vector<16xf32>
      %mul3A_529 = vector.broadcast %squeeze3A_501 : f32 to vector<16xf32>
      %mul3A_530 = arith.mulf %mul3A_529, %get3A_528 : vector<16xf32>
      %add3A_531 = arith.addf %scan3A_493#2, %mul3A_530 : vector<16xf32>
      %get3A_532 = arith.constant 1 : i32
      %get3A_533 = arith.constant 192 : i32
      %get3A_534 = arith.index_cast %get3A_532 : i32 to index
      %get3A_535 = arith.index_cast %get3A_533 : i32 to index
      %get3A_536 = arith.constant 48 : index
      %get3A_537 = tpu.vector_load %arg10[%get3A_534, %get3A_535, %get3A_536] {strides = array<i32>} : memref<2x200x64xf32, #tpu.memory_space<vmem>>, vector<1x1x16xf32>,
      %get3A_538 = vector.shape_cast %get3A_537 : vector<1x1x16xf32> to vector<16xf32>
      %mul3A_539 = vector.broadcast %squeeze3A_501 : f32 to vector<16xf32>
      %mul3A_540 = arith.mulf %mul3A_539, %get3A_538 : vector<16xf32>
      %add3A_541 = arith.addf %scan3A_493#3, %mul3A_540 : vector<16xf32>
      %slice3A_542 = vector.extract_strided_slice %get3A_499 {offsets = [1], sizes = [1], strides = [1]} : vector<16xf32> to vector<1xf32>
      %squeeze3A_543 = vector.extract %slice3A_542[0] : f32 from vector<1xf32>
      %get3A_544 = arith.constant 1 : i32
      %get3A_545 = arith.constant 193 : i32
      %get3A_546 = arith.index_cast %get3A_544 : i32 to index
      %get3A_547 = arith.index_cast %get3A_545 : i32 to index
      %get3A_548 = arith.constant 0 : index
      %get3A_549 = tpu.vector_load %arg10[%get3A_546, %get3A_547, %get3A_548] {strides = array<i32>} : memref<2x200x64xf32, #tpu.memory_space<vmem>>, vector<1x1x16xf32>,
      %get3A_550 = vector.shape_cast %get3A_549 : vector<1x1x16xf32> to vector<16xf32>
      %mul3A_551 = vector.broadcast %squeeze3A_543 : f32 to vector<16xf32>
      %mul3A_552 = arith.mulf %mul3A_551, %get3A_550 : vector<16xf32>
      %add3A_553 = arith.addf %add3A_511, %mul3A_552 : vector<16xf32>
      %get3A_554 = arith.constant 1 : i32
      %get3A_555 = arith.constant 193 : i32
      %get3A_556 = arith.index_cast %get3A_554 : i32 to index
      %get3A_557 = arith.index_cast %get3A_555 : i32 to index
      %get3A_558 = arith.constant 16 : index
      %get3A_559 = tpu.vector_load %arg10[%get3A_556, %get3A_557, %get3A_558] {strides = array<i32>} : memref<2x200x64xf32, #tpu.memory_space<vmem>>, vector<1x1x16xf32>,
      %get3A_560 = vector.shape_cast %get3A_559 : vector<1x1x16xf32> to vector<16xf32>
      %mul3A_561 = vector.broadcast %squeeze3A_543 : f32 to vector<16xf32>
      %mul3A_562 = arith.mulf %mul3A_561, %get3A_560 : vector<16xf32>
      %add3A_563 = arith.addf %add3A_521, %mul3A_562 : vector<16xf32>
      %get3A_564 = arith.constant 1 : i32
      %get3A_565 = arith.constant 193 : i32
      %get3A_566 = arith.index_cast %get3A_564 : i32 to index
      %get3A_567 = arith.index_cast %get3A_565 : i32 to index
      %get3A_568 = arith.constant 32 : index
      %get3A_569 = tpu.vector_load %arg10[%get3A_566, %get3A_567, %get3A_568] {strides = array<i32>} : memref<2x200x64xf32, #tpu.memory_space<vmem>>, vector<1x1x16xf32>,
      %get3A_570 = vector.shape_cast %get3A_569 : vector<1x1x16xf32> to vector<16xf32>
      %mul3A_571 = vector.broadcast %squeeze3A_543 : f32 to vector<16xf32>
      %mul3A_572 = arith.mulf %mul3A_571, %get3A_570 : vector<16xf32>
      %add3A_573 = arith.addf %add3A_531, %mul3A_572 : vector<16xf32>
      %get3A_574 = arith.constant 1 : i32
      %get3A_575 = arith.constant 193 : i32
      %get3A_576 = arith.index_cast %get3A_574 : i32 to index
      %get3A_577 = arith.index_cast %get3A_575 : i32 to index
      %get3A_578 = arith.constant 48 : index
      %get3A_579 = tpu.vector_load %arg10[%get3A_576, %get3A_577, %get3A_578] {strides = array<i32>} : memref<2x200x64xf32, #tpu.memory_space<vmem>>, vector<1x1x16xf32>,
      %get3A_580 = vector.shape_cast %get3A_579 : vector<1x1x16xf32> to vector<16xf32>
      %mul3A_581 = vector.broadcast %squeeze3A_543 : f32 to vector<16xf32>
      %mul3A_582 = arith.mulf %mul3A_581, %get3A_580 : vector<16xf32>
      %add3A_583 = arith.addf %add3A_541, %mul3A_582 : vector<16xf32>
      %slice3A_584 = vector.extract_strided_slice %get3A_499 {offsets = [2], sizes = [1], strides = [1]} : vector<16xf32> to vector<1xf32>
      %squeeze3A_585 = vector.extract %slice3A_584[0] : f32 from vector<1xf32>
      %get3A_586 = arith.constant 1 : i32
      %get3A_587 = arith.constant 194 : i32
      %get3A_588 = arith.index_cast %get3A_586 : i32 to index
      %get3A_589 = arith.index_cast %get3A_587 : i32 to index
      %get3A_590 = arith.constant 0 : index
      %get3A_591 = tpu.vector_load %arg10[%get3A_588, %get3A_589, %get3A_590] {strides = array<i32>} : memref<2x200x64xf32, #tpu.memory_space<vmem>>, vector<1x1x16xf32>,
      %get3A_592 = vector.shape_cast %get3A_591 : vector<1x1x16xf32> to vector<16xf32>
      %mul3A_593 = vector.broadcast %squeeze3A_585 : f32 to vector<16xf32>
      %mul3A_594 = arith.mulf %mul3A_593, %get3A_592 : vector<16xf32>
      %add3A_595 = arith.addf %add3A_553, %mul3A_594 : vector<16xf32>
      %get3A_596 = arith.constant 1 : i32
      %get3A_597 = arith.constant 194 : i32
      %get3A_598 = arith.index_cast %get3A_596 : i32 to index
      %get3A_599 = arith.index_cast %get3A_597 : i32 to index
      %get3A_600 = arith.constant 16 : index
      %get3A_601 = tpu.vector_load %arg10[%get3A_598, %get3A_599, %get3A_600] {strides = array<i32>} : memref<2x200x64xf32, #tpu.memory_space<vmem>>, vector<1x1x16xf32>,
      %get3A_602 = vector.shape_cast %get3A_601 : vector<1x1x16xf32> to vector<16xf32>
      %mul3A_603 = vector.broadcast %squeeze3A_585 : f32 to vector<16xf32>
      %mul3A_604 = arith.mulf %mul3A_603, %get3A_602 : vector<16xf32>
      %add3A_605 = arith.addf %add3A_563, %mul3A_604 : vector<16xf32>
      %get3A_606 = arith.constant 1 : i32
      %get3A_607 = arith.constant 194 : i32
      %get3A_608 = arith.index_cast %get3A_606 : i32 to index
      %get3A_609 = arith.index_cast %get3A_607 : i32 to index
      %get3A_610 = arith.constant 32 : index
      %get3A_611 = tpu.vector_load %arg10[%get3A_608, %get3A_609, %get3A_610] {strides = array<i32>} : memref<2x200x64xf32, #tpu.memory_space<vmem>>, vector<1x1x16xf32>,
      %get3A_612 = vector.shape_cast %get3A_611 : vector<1x1x16xf32> to vector<16xf32>
      %mul3A_613 = vector.broadcast %squeeze3A_585 : f32 to vector<16xf32>
      %mul3A_614 = arith.mulf %mul3A_613, %get3A_612 : vector<16xf32>
      %add3A_615 = arith.addf %add3A_573, %mul3A_614 : vector<16xf32>
      %get3A_616 = arith.constant 1 : i32
      %get3A_617 = arith.constant 194 : i32
      %get3A_618 = arith.index_cast %get3A_616 : i32 to index
      %get3A_619 = arith.index_cast %get3A_617 : i32 to index
      %get3A_620 = arith.constant 48 : index
      %get3A_621 = tpu.vector_load %arg10[%get3A_618, %get3A_619, %get3A_620] {strides = array<i32>} : memref<2x200x64xf32, #tpu.memory_space<vmem>>, vector<1x1x16xf32>,
      %get3A_622 = vector.shape_cast %get3A_621 : vector<1x1x16xf32> to vector<16xf32>
      %mul3A_623 = vector.broadcast %squeeze3A_585 : f32 to vector<16xf32>
      %mul3A_624 = arith.mulf %mul3A_623, %get3A_622 : vector<16xf32>
      %add3A_625 = arith.addf %add3A_583, %mul3A_624 : vector<16xf32>
      %slice3A_626 = vector.extract_strided_slice %get3A_499 {offsets = [3], sizes = [1], strides = [1]} : vector<16xf32> to vector<1xf32>
      %squeeze3A_627 = vector.extract %slice3A_626[0] : f32 from vector<1xf32>
      %get3A_628 = arith.constant 1 : i32
      %get3A_629 = arith.constant 195 : i32
      %get3A_630 = arith.index_cast %get3A_628 : i32 to index
      %get3A_631 = arith.index_cast %get3A_629 : i32 to index
      %get3A_632 = arith.constant 0 : index
      %get3A_633 = tpu.vector_load %arg10[%get3A_630, %get3A_631, %get3A_632] {strides = array<i32>} : memref<2x200x64xf32, #tpu.memory_space<vmem>>, vector<1x1x16xf32>,
      %get3A_634 = vector.shape_cast %get3A_633 : vector<1x1x16xf32> to vector<16xf32>
      %mul3A_635 = vector.broadcast %squeeze3A_627 : f32 to vector<16xf32>
      %mul3A_636 = arith.mulf %mul3A_635, %get3A_634 : vector<16xf32>
      %add3A_637 = arith.addf %add3A_595, %mul3A_636 : vector<16xf32>
      %get3A_638 = arith.constant 1 : i32
      %get3A_639 = arith.constant 195 : i32
      %get3A_640 = arith.index_cast %get3A_638 : i32 to index
      %get3A_641 = arith.index_cast %get3A_639 : i32 to index
      %get3A_642 = arith.constant 16 : index
      %get3A_643 = tpu.vector_load %arg10[%get3A_640, %get3A_641, %get3A_642] {strides = array<i32>} : memref<2x200x64xf32, #tpu.memory_space<vmem>>, vector<1x1x16xf32>,
      %get3A_644 = vector.shape_cast %get3A_643 : vector<1x1x16xf32> to vector<16xf32>
      %mul3A_645 = vector.broadcast %squeeze3A_627 : f32 to vector<16xf32>
      %mul3A_646 = arith.mulf %mul3A_645, %get3A_644 : vector<16xf32>
      %add3A_647 = arith.addf %add3A_605, %mul3A_646 : vector<16xf32>
      %get3A_648 = arith.constant 1 : i32
      %get3A_649 = arith.constant 195 : i32
      %get3A_650 = arith.index_cast %get3A_648 : i32 to index
      %get3A_651 = arith.index_cast %get3A_649 : i32 to index
      %get3A_652 = arith.constant 32 : index
      %get3A_653 = tpu.vector_load %arg10[%get3A_650, %get3A_651, %get3A_652] {strides = array<i32>} : memref<2x200x64xf32, #tpu.memory_space<vmem>>, vector<1x1x16xf32>,
      %get3A_654 = vector.shape_cast %get3A_653 : vector<1x1x16xf32> to vector<16xf32>
      %mul3A_655 = vector.broadcast %squeeze3A_627 : f32 to vector<16xf32>
      %mul3A_656 = arith.mulf %mul3A_655, %get3A_654 : vector<16xf32>
      %add3A_657 = arith.addf %add3A_615, %mul3A_656 : vector<16xf32>
      %get3A_658 = arith.constant 1 : i32
      %get3A_659 = arith.constant 195 : i32
      %get3A_660 = arith.index_cast %get3A_658 : i32 to index
      %get3A_661 = arith.index_cast %get3A_659 : i32 to index
      %get3A_662 = arith.constant 48 : index
      %get3A_663 = tpu.vector_load %arg10[%get3A_660, %get3A_661, %get3A_662] {strides = array<i32>} : memref<2x200x64xf32, #tpu.memory_space<vmem>>, vector<1x1x16xf32>,
      %get3A_664 = vector.shape_cast %get3A_663 : vector<1x1x16xf32> to vector<16xf32>
      %mul3A_665 = vector.broadcast %squeeze3A_627 : f32 to vector<16xf32>
      %mul3A_666 = arith.mulf %mul3A_665, %get3A_664 : vector<16xf32>
      %add3A_667 = arith.addf %add3A_625, %mul3A_666 : vector<16xf32>
      %slice3A_668 = vector.extract_strided_slice %get3A_499 {offsets = [4], sizes = [1], strides = [1]} : vector<16xf32> to vector<1xf32>
      %squeeze3A_669 = vector.extract %slice3A_668[0] : f32 from vector<1xf32>
      %get3A_670 = arith.constant 1 : i32
      %get3A_671 = arith.constant 196 : i32
      %get3A_672 = arith.index_cast %get3A_670 : i32 to index
      %get3A_673 = arith.index_cast %get3A_671 : i32 to index
      %get3A_674 = arith.constant 0 : index
      %get3A_675 = tpu.vector_load %arg10[%get3A_672, %get3A_673, %get3A_674] {strides = array<i32>} : memref<2x200x64xf32, #tpu.memory_space<vmem>>, vector<1x1x16xf32>,
      %get3A_676 = vector.shape_cast %get3A_675 : vector<1x1x16xf32> to vector<16xf32>
      %mul3A_677 = vector.broadcast %squeeze3A_669 : f32 to vector<16xf32>
      %mul3A_678 = arith.mulf %mul3A_677, %get3A_676 : vector<16xf32>
      %add3A_679 = arith.addf %add3A_637, %mul3A_678 : vector<16xf32>
      %get3A_680 = arith.constant 1 : i32
      %get3A_681 = arith.constant 196 : i32
      %get3A_682 = arith.index_cast %get3A_680 : i32 to index
      %get3A_683 = arith.index_cast %get3A_681 : i32 to index
      %get3A_684 = arith.constant 16 : index
      %get3A_685 = tpu.vector_load %arg10[%get3A_682, %get3A_683, %get3A_684] {strides = array<i32>} : memref<2x200x64xf32, #tpu.memory_space<vmem>>, vector<1x1x16xf32>,
      %get3A_686 = vector.shape_cast %get3A_685 : vector<1x1x16xf32> to vector<16xf32>
      %mul3A_687 = vector.broadcast %squeeze3A_669 : f32 to vector<16xf32>
      %mul3A_688 = arith.mulf %mul3A_687, %get3A_686 : vector<16xf32>
      %add3A_689 = arith.addf %add3A_647, %mul3A_688 : vector<16xf32>
      %get3A_690 = arith.constant 1 : i32
      %get3A_691 = arith.constant 196 : i32
      %get3A_692 = arith.index_cast %get3A_690 : i32 to index
      %get3A_693 = arith.index_cast %get3A_691 : i32 to index
      %get3A_694 = arith.constant 32 : index
      %get3A_695 = tpu.vector_load %arg10[%get3A_692, %get3A_693, %get3A_694] {strides = array<i32>} : memref<2x200x64xf32, #tpu.memory_space<vmem>>, vector<1x1x16xf32>,
      %get3A_696 = vector.shape_cast %get3A_695 : vector<1x1x16xf32> to vector<16xf32>
      %mul3A_697 = vector.broadcast %squeeze3A_669 : f32 to vector<16xf32>
      %mul3A_698 = arith.mulf %mul3A_697, %get3A_696 : vector<16xf32>
      %add3A_699 = arith.addf %add3A_657, %mul3A_698 : vector<16xf32>
      %get3A_700 = arith.constant 1 : i32
      %get3A_701 = arith.constant 196 : i32
      %get3A_702 = arith.index_cast %get3A_700 : i32 to index
      %get3A_703 = arith.index_cast %get3A_701 : i32 to index
      %get3A_704 = arith.constant 48 : index
      %get3A_705 = tpu.vector_load %arg10[%get3A_702, %get3A_703, %get3A_704] {strides = array<i32>} : memref<2x200x64xf32, #tpu.memory_space<vmem>>, vector<1x1x16xf32>,
      %get3A_706 = vector.shape_cast %get3A_705 : vector<1x1x16xf32> to vector<16xf32>
      %mul3A_707 = vector.broadcast %squeeze3A_669 : f32 to vector<16xf32>
      %mul3A_708 = arith.mulf %mul3A_707, %get3A_706 : vector<16xf32>
      %add3A_709 = arith.addf %add3A_667, %mul3A_708 : vector<16xf32>
      %slice3A_710 = vector.extract_strided_slice %get3A_499 {offsets = [5], sizes = [1], strides = [1]} : vector<16xf32> to vector<1xf32>
      %squeeze3A_711 = vector.extract %slice3A_710[0] : f32 from vector<1xf32>
      %get3A_712 = arith.constant 1 : i32
      %get3A_713 = arith.constant 197 : i32
      %get3A_714 = arith.index_cast %get3A_712 : i32 to index
      %get3A_715 = arith.index_cast %get3A_713 : i32 to index
      %get3A_716 = arith.constant 0 : index
      %get3A_717 = tpu.vector_load %arg10[%get3A_714, %get3A_715, %get3A_716] {strides = array<i32>} : memref<2x200x64xf32, #tpu.memory_space<vmem>>, vector<1x1x16xf32>,
      %get3A_718 = vector.shape_cast %get3A_717 : vector<1x1x16xf32> to vector<16xf32>
      %mul3A_719 = vector.broadcast %squeeze3A_711 : f32 to vector<16xf32>
      %mul3A_720 = arith.mulf %mul3A_719, %get3A_718 : vector<16xf32>
      %add3A_721 = arith.addf %add3A_679, %mul3A_720 : vector<16xf32>
      %get3A_722 = arith.constant 1 : i32
      %get3A_723 = arith.constant 197 : i32
      %get3A_724 = arith.index_cast %get3A_722 : i32 to index
      %get3A_725 = arith.index_cast %get3A_723 : i32 to index
      %get3A_726 = arith.constant 16 : index
      %get3A_727 = tpu.vector_load %arg10[%get3A_724, %get3A_725, %get3A_726] {strides = array<i32>} : memref<2x200x64xf32, #tpu.memory_space<vmem>>, vector<1x1x16xf32>,
      %get3A_728 = vector.shape_cast %get3A_727 : vector<1x1x16xf32> to vector<16xf32>
      %mul3A_729 = vector.broadcast %squeeze3A_711 : f32 to vector<16xf32>
      %mul3A_730 = arith.mulf %mul3A_729, %get3A_728 : vector<16xf32>
      %add3A_731 = arith.addf %add3A_689, %mul3A_730 : vector<16xf32>
      %get3A_732 = arith.constant 1 : i32
      %get3A_733 = arith.constant 197 : i32
      %get3A_734 = arith.index_cast %get3A_732 : i32 to index
      %get3A_735 = arith.index_cast %get3A_733 : i32 to index
      %get3A_736 = arith.constant 32 : index
      %get3A_737 = tpu.vector_load %arg10[%get3A_734, %get3A_735, %get3A_736] {strides = array<i32>} : memref<2x200x64xf32, #tpu.memory_space<vmem>>, vector<1x1x16xf32>,
      %get3A_738 = vector.shape_cast %get3A_737 : vector<1x1x16xf32> to vector<16xf32>
      %mul3A_739 = vector.broadcast %squeeze3A_711 : f32 to vector<16xf32>
      %mul3A_740 = arith.mulf %mul3A_739, %get3A_738 : vector<16xf32>
      %add3A_741 = arith.addf %add3A_699, %mul3A_740 : vector<16xf32>
      %get3A_742 = arith.constant 1 : i32
      %get3A_743 = arith.constant 197 : i32
      %get3A_744 = arith.index_cast %get3A_742 : i32 to index
      %get3A_745 = arith.index_cast %get3A_743 : i32 to index
      %get3A_746 = arith.constant 48 : index
      %get3A_747 = tpu.vector_load %arg10[%get3A_744, %get3A_745, %get3A_746] {strides = array<i32>} : memref<2x200x64xf32, #tpu.memory_space<vmem>>, vector<1x1x16xf32>,
      %get3A_748 = vector.shape_cast %get3A_747 : vector<1x1x16xf32> to vector<16xf32>
      %mul3A_749 = vector.broadcast %squeeze3A_711 : f32 to vector<16xf32>
      %mul3A_750 = arith.mulf %mul3A_749, %get3A_748 : vector<16xf32>
      %add3A_751 = arith.addf %add3A_709, %mul3A_750 : vector<16xf32>
      %slice3A_752 = vector.extract_strided_slice %get3A_499 {offsets = [6], sizes = [1], strides = [1]} : vector<16xf32> to vector<1xf32>
      %squeeze3A_753 = vector.extract %slice3A_752[0] : f32 from vector<1xf32>
      %get3A_754 = arith.constant 1 : i32
      %get3A_755 = arith.constant 198 : i32
      %get3A_756 = arith.index_cast %get3A_754 : i32 to index
      %get3A_757 = arith.index_cast %get3A_755 : i32 to index
      %get3A_758 = arith.constant 0 : index
      %get3A_759 = tpu.vector_load %arg10[%get3A_756, %get3A_757, %get3A_758] {strides = array<i32>} : memref<2x200x64xf32, #tpu.memory_space<vmem>>, vector<1x1x16xf32>,
      %get3A_760 = vector.shape_cast %get3A_759 : vector<1x1x16xf32> to vector<16xf32>
      %mul3A_761 = vector.broadcast %squeeze3A_753 : f32 to vector<16xf32>
      %mul3A_762 = arith.mulf %mul3A_761, %get3A_760 : vector<16xf32>
      %add3A_763 = arith.addf %add3A_721, %mul3A_762 : vector<16xf32>
      %get3A_764 = arith.constant 1 : i32
      %get3A_765 = arith.constant 198 : i32
      %get3A_766 = arith.index_cast %get3A_764 : i32 to index
      %get3A_767 = arith.index_cast %get3A_765 : i32 to index
      %get3A_768 = arith.constant 16 : index
      %get3A_769 = tpu.vector_load %arg10[%get3A_766, %get3A_767, %get3A_768] {strides = array<i32>} : memref<2x200x64xf32, #tpu.memory_space<vmem>>, vector<1x1x16xf32>,
      %get3A_770 = vector.shape_cast %get3A_769 : vector<1x1x16xf32> to vector<16xf32>
      %mul3A_771 = vector.broadcast %squeeze3A_753 : f32 to vector<16xf32>
      %mul3A_772 = arith.mulf %mul3A_771, %get3A_770 : vector<16xf32>
      %add3A_773 = arith.addf %add3A_731, %mul3A_772 : vector<16xf32>
      %get3A_774 = arith.constant 1 : i32
      %get3A_775 = arith.constant 198 : i32
      %get3A_776 = arith.index_cast %get3A_774 : i32 to index
      %get3A_777 = arith.index_cast %get3A_775 : i32 to index
      %get3A_778 = arith.constant 32 : index
      %get3A_779 = tpu.vector_load %arg10[%get3A_776, %get3A_777, %get3A_778] {strides = array<i32>} : memref<2x200x64xf32, #tpu.memory_space<vmem>>, vector<1x1x16xf32>,
      %get3A_780 = vector.shape_cast %get3A_779 : vector<1x1x16xf32> to vector<16xf32>
      %mul3A_781 = vector.broadcast %squeeze3A_753 : f32 to vector<16xf32>
      %mul3A_782 = arith.mulf %mul3A_781, %get3A_780 : vector<16xf32>
      %add3A_783 = arith.addf %add3A_741, %mul3A_782 : vector<16xf32>
      %get3A_784 = arith.constant 1 : i32
      %get3A_785 = arith.constant 198 : i32
      %get3A_786 = arith.index_cast %get3A_784 : i32 to index
      %get3A_787 = arith.index_cast %get3A_785 : i32 to index
      %get3A_788 = arith.constant 48 : index
      %get3A_789 = tpu.vector_load %arg10[%get3A_786, %get3A_787, %get3A_788] {strides = array<i32>} : memref<2x200x64xf32, #tpu.memory_space<vmem>>, vector<1x1x16xf32>,
      %get3A_790 = vector.shape_cast %get3A_789 : vector<1x1x16xf32> to vector<16xf32>
      %mul3A_791 = vector.broadcast %squeeze3A_753 : f32 to vector<16xf32>
      %mul3A_792 = arith.mulf %mul3A_791, %get3A_790 : vector<16xf32>
      %add3A_793 = arith.addf %add3A_751, %mul3A_792 : vector<16xf32>
      %slice3A_794 = vector.extract_strided_slice %get3A_499 {offsets = [7], sizes = [1], strides = [1]} : vector<16xf32> to vector<1xf32>
      %squeeze3A_795 = vector.extract %slice3A_794[0] : f32 from vector<1xf32>
      %get3A_796 = arith.constant 1 : i32
      %get3A_797 = arith.constant 199 : i32
      %get3A_798 = arith.index_cast %get3A_796 : i32 to index
      %get3A_799 = arith.index_cast %get3A_797 : i32 to index
      %get3A_800 = arith.constant 0 : index
      %get3A_801 = tpu.vector_load %arg10[%get3A_798, %get3A_799, %get3A_800] {strides = array<i32>} : memref<2x200x64xf32, #tpu.memory_space<vmem>>, vector<1x1x16xf32>,
      %get3A_802 = vector.shape_cast %get3A_801 : vector<1x1x16xf32> to vector<16xf32>
      %mul3A_803 = vector.broadcast %squeeze3A_795 : f32 to vector<16xf32>
      %mul3A_804 = arith.mulf %mul3A_803, %get3A_802 : vector<16xf32>
      %add3A_805 = arith.addf %add3A_763, %mul3A_804 : vector<16xf32>
      %get3A_806 = arith.constant 1 : i32
      %get3A_807 = arith.constant 199 : i32
      %get3A_808 = arith.index_cast %get3A_806 : i32 to index
      %get3A_809 = arith.index_cast %get3A_807 : i32 to index
      %get3A_810 = arith.constant 16 : index
      %get3A_811 = tpu.vector_load %arg10[%get3A_808, %get3A_809, %get3A_810] {strides = array<i32>} : memref<2x200x64xf32, #tpu.memory_space<vmem>>, vector<1x1x16xf32>,
      %get3A_812 = vector.shape_cast %get3A_811 : vector<1x1x16xf32> to vector<16xf32>
      %mul3A_813 = vector.broadcast %squeeze3A_795 : f32 to vector<16xf32>
      %mul3A_814 = arith.mulf %mul3A_813, %get3A_812 : vector<16xf32>
      %add3A_815 = arith.addf %add3A_773, %mul3A_814 : vector<16xf32>
      %get3A_816 = arith.constant 1 : i32
      %get3A_817 = arith.constant 199 : i32
      %get3A_818 = arith.index_cast %get3A_816 : i32 to index
      %get3A_819 = arith.index_cast %get3A_817 : i32 to index
      %get3A_820 = arith.constant 32 : index
      %get3A_821 = tpu.vector_load %arg10[%get3A_818, %get3A_819, %get3A_820] {strides = array<i32>} : memref<2x200x64xf32, #tpu.memory_space<vmem>>, vector<1x1x16xf32>,
      %get3A_822 = vector.shape_cast %get3A_821 : vector<1x1x16xf32> to vector<16xf32>
      %mul3A_823 = vector.broadcast %squeeze3A_795 : f32 to vector<16xf32>
      %mul3A_824 = arith.mulf %mul3A_823, %get3A_822 : vector<16xf32>
      %add3A_825 = arith.addf %add3A_783, %mul3A_824 : vector<16xf32>
      %get3A_826 = arith.constant 1 : i32
      %get3A_827 = arith.constant 199 : i32
      %get3A_828 = arith.index_cast %get3A_826 : i32 to index
      %get3A_829 = arith.index_cast %get3A_827 : i32 to index
      %get3A_830 = arith.constant 48 : index
      %get3A_831 = tpu.vector_load %arg10[%get3A_828, %get3A_829, %get3A_830] {strides = array<i32>} : memref<2x200x64xf32, #tpu.memory_space<vmem>>, vector<1x1x16xf32>,
      %get3A_832 = vector.shape_cast %get3A_831 : vector<1x1x16xf32> to vector<16xf32>
      %mul3A_833 = vector.broadcast %squeeze3A_795 : f32 to vector<16xf32>
      %mul3A_834 = arith.mulf %mul3A_833, %get3A_832 : vector<16xf32>
      %add3A_835 = arith.addf %add3A_793, %mul3A_834 : vector<16xf32>
      %swap3A_836 = arith.index_cast %add3A_469 : i32 to index
      %swap3A_837 = arith.constant 0 : index
      %swap3A_838 = tpu.vector_load %arg11[%swap3A_836, %swap3A_837] {strides = array<i32>} : memref<128x64xf32, #tpu.memory_space<vmem>>, vector<1x16xf32>,
      %swap3A_839 = vector.shape_cast %swap3A_838 : vector<1x16xf32> to vector<16xf32>
      %swap3A_840 = vector.shape_cast %add3A_805 : vector<16xf32> to vector<1x16xf32>
      tpu.vector_store %arg11[%swap3A_836, %swap3A_837], %swap3A_840 {strides = array<i32>} : memref<128x64xf32, #tpu.memory_space<vmem>>, vector<1x16xf32>,
      %swap3A_841 = arith.index_cast %add3A_469 : i32 to index
      %swap3A_842 = arith.constant 16 : index
      %swap3A_843 = tpu.vector_load %arg11[%swap3A_841, %swap3A_842] {strides = array<i32>} : memref<128x64xf32, #tpu.memory_space<vmem>>, vector<1x16xf32>,
      %swap3A_844 = vector.shape_cast %swap3A_843 : vector<1x16xf32> to vector<16xf32>
      %swap3A_845 = vector.shape_cast %add3A_815 : vector<16xf32> to vector<1x16xf32>
      tpu.vector_store %arg11[%swap3A_841, %swap3A_842], %swap3A_845 {strides = array<i32>} : memref<128x64xf32, #tpu.memory_space<vmem>>, vector<1x16xf32>,
      %swap3A_846 = arith.index_cast %add3A_469 : i32 to index
      %swap3A_847 = arith.constant 32 : index
      %swap3A_848 = tpu.vector_load %arg11[%swap3A_846, %swap3A_847] {strides = array<i32>} : memref<128x64xf32, #tpu.memory_space<vmem>>, vector<1x16xf32>,
      %swap3A_849 = vector.shape_cast %swap3A_848 : vector<1x16xf32> to vector<16xf32>
      %swap3A_850 = vector.shape_cast %add3A_825 : vector<16xf32> to vector<1x16xf32>
      tpu.vector_store %arg11[%swap3A_846, %swap3A_847], %swap3A_850 {strides = array<i32>} : memref<128x64xf32, #tpu.memory_space<vmem>>, vector<1x16xf32>,
      %swap3A_851 = arith.index_cast %add3A_469 : i32 to index
      %swap3A_852 = arith.constant 48 : index
      %swap3A_853 = tpu.vector_load %arg11[%swap3A_851, %swap3A_852] {strides = array<i32>} : memref<128x64xf32, #tpu.memory_space<vmem>>, vector<1x16xf32>,
      %swap3A_854 = vector.shape_cast %swap3A_853 : vector<1x16xf32> to vector<16xf32>
      %swap3A_855 = vector.shape_cast %add3A_835 : vector<16xf32> to vector<1x16xf32>
      tpu.vector_store %arg11[%swap3A_851, %swap3A_852], %swap3A_855 {strides = array<i32>} : memref<128x64xf32, #tpu.memory_space<vmem>>, vector<1x16xf32>,
      %add3A_856 = arith.constant 2 : i32
      %add3A_857 = arith.addi %add3A_469, %add3A_856 : i32
      %lt3A_858 = arith.constant 128 : i32
      %lt3A_859 = arith.cmpi slt, %add3A_857, %lt3A_858 : i32
      %convert_element_type3A_860 = arith.extui %lt3A_859 : i1 to i32
      %cond3A_861 = arith.constant 0 : i32
      %cond3A_862 = arith.cmpi ne, %convert_element_type3A_860, %cond3A_861 : i32
      scf.if %cond3A_862 {
        %add3A_864 = arith.constant 2 : i32
        %add3A_865 = arith.addi %add3A_469, %add3A_864 : i32
        %mul3A_866 = arith.constant 200 : i32
        %mul3A_867 = arith.muli %add3A_865, %mul3A_866 : i32
        %dma_start3A_868 = arith.constant 1 : i32
        %dma_start3A_869 = arith.constant 0 : i32
        %dma_start3A_870 = arith.constant 0 : i32
        %dma_start3A_871 = tpu.memref_slice %arg10[%dma_start3A_868, %dma_start3A_869, %dma_start3A_870] : memref<2x200x64xf32, #tpu.memory_space<vmem>> -> memref<1x104x64xf32, #tpu.memory_space<vmem>>
        %dma_start3A_872 = tpu.memref_squeeze %dma_start3A_871 : memref<1x104x64xf32, #tpu.memory_space<vmem>> -> memref<104x64xf32, #tpu.memory_space<vmem>>
        %dma_start3A_873 = tpu.memref_slice %arg9[%mul3A_867] : memref<25600xi32, #tpu.memory_space<vmem>> -> memref<104xi32, #tpu.memory_space<vmem>>
        %dma_start3A_874 = arith.constant 0 : i32
        %dma_start3A_875 = arith.constant 0 : i32
        %dma_start3A_876 = tpu.memref_slice %arg3[%dma_start3A_874, %dma_start3A_875] : memref<1000000x64xf32, #tpu.memory_space<hbm>> -> memref<1000000x64xf32, #tpu.memory_space<hbm>>
        tpu.enqueue_indirect_dma source(%dma_start3A_876 : memref<1000000x64xf32, #tpu.memory_space<hbm>>) target(%dma_start3A_872 : memref<104x64xf32, #tpu.memory_space<vmem>>) offsets(%dma_start3A_873 : memref<104xi32, #tpu.memory_space<vmem>>) semaphore(%arg15 : memref<!tpu.dma_semaphore, #tpu.memory_space<semaphore_mem>>)
        %add3A_877 = arith.constant 104 : i32
        %add3A_878 = arith.addi %mul3A_867, %add3A_877 : i32
        %dma_start3A_879 = arith.constant 1 : i32
        %dma_start3A_880 = arith.constant 104 : i32
        %dma_start3A_881 = arith.constant 0 : i32
        %dma_start3A_882 = tpu.memref_slice %arg10[%dma_start3A_879, %dma_start3A_880, %dma_start3A_881] : memref<2x200x64xf32, #tpu.memory_space<vmem>> -> memref<1x96x64xf32, #tpu.memory_space<vmem>>
        %dma_start3A_883 = tpu.memref_squeeze %dma_start3A_882 : memref<1x96x64xf32, #tpu.memory_space<vmem>> -> memref<96x64xf32, #tpu.memory_space<vmem>>
        %dma_start3A_884 = tpu.memref_slice %arg9[%add3A_878] : memref<25600xi32, #tpu.memory_space<vmem>> -> memref<96xi32, #tpu.memory_space<vmem>>
        %dma_start3A_885 = arith.constant 0 : i32
        %dma_start3A_886 = arith.constant 0 : i32
        %dma_start3A_887 = tpu.memref_slice %arg3[%dma_start3A_885, %dma_start3A_886] : memref<1000000x64xf32, #tpu.memory_space<hbm>> -> memref<1000000x64xf32, #tpu.memory_space<hbm>>
        tpu.enqueue_indirect_dma source(%dma_start3A_887 : memref<1000000x64xf32, #tpu.memory_space<hbm>>) target(%dma_start3A_883 : memref<96x64xf32, #tpu.memory_space<vmem>>) offsets(%dma_start3A_884 : memref<96xi32, #tpu.memory_space<vmem>>) semaphore(%arg15 : memref<!tpu.dma_semaphore, #tpu.memory_space<semaphore_mem>>)
      } else {
      }
      %scan3A_863 = arith.constant 0 : i32
      scf.yield %scan3A_863 : i32
    }
    %scan3A_72 = arith.constant 64 : i32
    %mul3A_73 = arith.constant 128 : i32
    %mul3A_74 = arith.muli %add3A, %mul3A_73 : i32
    "tpu.region"() ({
      %run_scoped3A = tpu.sem_alloc : memref<!tpu.dma_semaphore, #tpu.memory_space<semaphore_mem>>
      %dma_start3A_75 = arith.constant 0 : i32
      %dma_start3A_76 = tpu.memref_slice %arg6[%mul3A_74, %dma_start3A_75] : memref<4096x64xf32, #tpu.memory_space<hbm>> -> memref<128x64xf32, #tpu.memory_space<hbm>>
      %dma_start3A_77 = arith.constant 0 : i32
      %dma_start3A_78 = tpu.memref_slice %arg6[%mul3A_74, %dma_start3A_77] : memref<4096x64xf32, #tpu.memory_space<hbm>> -> memref<128x64xf32, #tpu.memory_space<hbm>>
      tpu.enqueue_dma source(%arg11 : memref<128x64xf32, #tpu.memory_space<vmem>>) target(%dma_start3A_78 : memref<128x64xf32, #tpu.memory_space<hbm>>) target_semaphore(%run_scoped3A : memref<!tpu.dma_semaphore, #tpu.memory_space<semaphore_mem>>)
      %dma_wait3A_79 = arith.constant 0 : i32
      %dma_wait3A_80 = tpu.memref_slice %arg6[%mul3A_74, %dma_wait3A_79] : memref<4096x64xf32, #tpu.memory_space<hbm>> -> memref<128x64xf32, #tpu.memory_space<hbm>>
      %dma_wait3A_81 = arith.constant 0 : i32
      %dma_wait3A_82 = tpu.memref_slice %arg6[%mul3A_74, %dma_wait3A_81] : memref<4096x64xf32, #tpu.memory_space<hbm>> -> memref<128x64xf32, #tpu.memory_space<hbm>>
      tpu.wait_dma2 semaphore(%run_scoped3A : memref<!tpu.dma_semaphore, #tpu.memory_space<semaphore_mem>>) src(%arg11 : memref<128x64xf32, #tpu.memory_space<vmem>>) dst(%dma_wait3A_82 : memref<128x64xf32, #tpu.memory_space<hbm>>)
      tpu.yield
    }) : () -> ()
    return
  }
}

</mosaic_0001>

<sc_bundles>
// kernel: _sc_pool.3.cloned.1.call-start
scs
__scs_entry_jumppad:
0x0: {  	(pc) =	sbr.rel $0x88, $3  }
0x1: {  	(tag) =	ssettag $0x0;
	lr =	simm.s32 $0x1  }
0x2: {  	[smem:$0x3F9D] =	sst lr;
	_ =	strace $0xD0000000  }
0x3: {  	_ = 	snop  }
0x4: {  	_ = 	snop  }
0x5: {  	_ = 	snop  }
0x6: {  	_ = 	snop  }
0x7: {  	_ = 	snop  }
__scs_overlays_trampoline_lowered:
0x8: {  	[smem:$0x3FAC] =	sst s0  }
0x9: {  	[smem:$0x3FAD] =	sst s1  }
0xa: {  	[smem:$0x3FAE] =	sst s2  }
0xb: {  	[smem:$0x3FAF] =	sst s3  }
0xc: {  	[smem:$0x3FB0] =	sst s4  }
0xd: {  	[smem:$0x3FB1] =	sst s5  }
0xe: {  	[smem:$0x3FB2] =	sst s6  }
0xf: {  	[smem:$0x3FB3] =	sst s7  }
0x10: {  	[smem:$0x3FB4] =	sst s8  }
0x11: {  	[smem:$0x3FB5] =	sst s9;
	s0 =	simm.s32 @!p0 $0x0  }
0x12: {  	s1 =	sld [smem:$0x3F9B];
	s0 =	simm.s32 @p0 $0x1  }
0x13: {  	[smem:$0x3FB6] =	sst s0;
	s0 =	simm.s32 @!p1 $0x0  }
0x14: {  	s2 =	sld [smem:$0x3F9A];
	s0 =	simm.s32 @p1 $0x1  }
0x15: {  	[smem:$0x3FB7] =	sst s0;
	s0 =	simm.s32 @!p2 $0x0  }
0x16: {  	s3 =	sld [smem:$0x3FDB];
	s0 =	simm.s32 @p2 $0x1  }
0x17: {  	s4 =	simm.s32 $0x1BF5;
	[smem:$0x3FB9] =	sst s0  }
0x18: {  	s0 =	sld [smem:$0x3F9C];
	_ =	swait.ge [sflag:s4], $0x0  }
0x19: {  	s7 =	sld [smem:$0x3F9D]  }
0x1a: {  	s8 =	sadd.s32 $0xFFFFE003, lr  }
0x1b: {  	s9 =	sadd.s32 $0xFFFFFEF7, lr;
	s5 =	simm.s32 $0xFFFFFFFF;
	p2 =	slt.u32 s8, $0xFFFFF086  }
0x1c: {  	p1 =	slt.u32 s9, $0xF7A;
	s5 =	simm.s32 @!p2 $0x0  }
0x1d: {  	s5 =	simm.s32 @p1 $0x1;
	p0 =	seq.s32 s7, s2  }
0x1e: {  	s7 =	smul.u32 @!p0 $0xF7A, s2;
	p2 =	seq.s32 @!p0 s5, $0x0  }
0x1f: {  	s9 =	smul.u32 $0xF7A, s1;
	s8 =	simm.s32 @!p0 $0x1BF5;
	p2 =	por !p2, p0  }
0x20: {  	[sflag:s8] =	ssyncset.s32 @!p0 $0xFFFFF086;
	s6 =	sadd.s32 @!p0 s3, s7;
	s7 =	simm.s32 @!p0 $0x108  }
0x21: {  	s3 =	sadd.s32 s3, s9;
	s6 =	sadd.s32 @!p0 $0x88, s6;
	s7 =	simm.s32 @p2 $0x1082  }
0x22: {  	[simem:s7], [sflag:s8] =	dma.local @!p0 [hbm:s6], $0xF7A  }
0x23: {  	s9 =	sor.u32 $0xD0000000, s2;
	s6 =	simm.s32 $0x108;
	_ =	swait.ge @!p0 [sflag:s8], $0x0  }
0x24: {  	s3 =	sadd.s32 $0x88, s3;
	s6 =	simm.s32 @!p1 $0x1082;
	[sflag:s4] =	ssyncset.s32 $0xFFFFF086  }
0x25: {  	[simem:s6], [sflag:s4] =	dma.local [hbm:s3], $0xF7A  }
0x26: {  	[smem:$0x3F9D] =	sst s1;
	(tag) =	ssettag s2;
	_ =	strace s9  }
0x27: {  	s1 =	sld [smem:$0x3FAD]  }
0x28: {  	s2 =	sld [smem:$0x3FAE]  }
0x29: {  	s4 =	sld [smem:$0x3FB0]  }
0x2a: {  	p0 =	seq.s32 s5, $0x0;
	s5 =	sld [smem:$0x3FB1]  }
0x2b: {  	s6 =	sld [smem:$0x3FB2]  }
0x2c: {  	s7 =	sld [smem:$0x3FB3]  }
0x2d: {  	s3 =	simm.s32 $0x108;
	s8 =	sld [smem:$0x3FB4]  }
0x2e: {  	s3 =	simm.s32 @!p0 $0x1082;
	s9 =	sld [smem:$0x3FB5]  }
0x2f: {  	lr =	sadd.s32 s0, s3;
	s0 =	sld [smem:$0x3FAC]  }
0x30: {  	s3 =	sld [smem:$0x3FAF]  }
0x31: {  	[smem:$0x3FB8] =	sst s10  }
0x32: {  	s10 =	sld [smem:$0x3FB6];
	_ =	sdelay $0x3  }
0x33: {  	p0 =	seq.s32 s10, $0x1;
	s10 =	sld [smem:$0x3FB8];
	_ =	sdelay $0x3  }
0x34: {  	[smem:$0x3FB8] =	sst s10  }
0x35: {  	s10 =	sld [smem:$0x3FB7];
	_ =	sdelay $0x3  }
0x36: {  	p1 =	seq.s32 s10, $0x1;
	s10 =	sld [smem:$0x3FB8];
	_ =	sdelay $0x3  }
0x37: {  	[smem:$0x3FB8] =	sst s10  }
0x38: {  	s10 =	sld [smem:$0x3FB9]  }
0x39: {  	_ = 	snop;
	(pc) =	sbr.ind lr, $3  }
0x3a: {  	_ = 	snop  }
0x3b: {  	_ = 	snop  }
0x3c: {  	p2 =	seq.s32 s10, $0x1;
	s10 =	sld [smem:$0x3FB8]  }
0x3d: {  	_ =	shalt  }
0x3e: {  	_ =	shalt  }
0x3f: {  	_ =	shalt  }
0x40: {  	_ =	shalt  }
0x41: {  	_ =	shalt  }
0x42: {  	_ =	shalt  }
0x43: {  	_ =	shalt  }
0x44: {  	_ =	shalt  }
0x45: {  	_ =	shalt  }
0x46: {  	_ =	shalt  }
0x47: {  	_ =	shalt  }
0x48: {  	_ =	shalt  }
0x49: {  	_ =	shalt  }
0x4a: {  	_ =	shalt  }
0x4b: {  	_ =	shalt  }
0x4c: {  	_ =	shalt  }
0x4d: {  	_ =	shalt  }
0x4e: {  	_ =	shalt  }
0x4f: {  	_ =	shalt  }
0x50: {  	_ =	shalt  }
0x51: {  	_ =	shalt  }
0x52: {  	_ =	shalt  }
0x53: {  	_ =	shalt  }
0x54: {  	_ =	shalt  }
0x55: {  	_ =	shalt  }
0x56: {  	_ =	shalt  }
0x57: {  	_ =	shalt  }
0x58: {  	_ =	shalt  }
0x59: {  	_ =	shalt  }
0x5a: {  	_ =	shalt  }
0x5b: {  	_ =	shalt  }
0x5c: {  	_ =	shalt  }
0x5d: {  	_ =	shalt  }
0x5e: {  	_ =	shalt  }
0x5f: {  	_ =	shalt  }
0x60: {  	_ =	shalt  }
0x61: {  	_ =	shalt  }
0x62: {  	_ =	shalt  }
0x63: {  	_ =	shalt  }
0x64: {  	_ =	shalt  }
0x65: {  	_ =	shalt  }
0x66: {  	_ =	shalt  }
0x67: {  	_ =	shalt  }
0x68: {  	_ =	shalt  }
0x69: {  	_ =	shalt  }
0x6a: {  	_ =	shalt  }
0x6b: {  	_ =	shalt  }
0x6c: {  	_ =	shalt  }
0x6d: {  	_ =	shalt  }
0x6e: {  	_ =	shalt  }
0x6f: {  	_ =	shalt  }
0x70: {  	_ =	shalt  }
0x71: {  	_ =	shalt  }
0x72: {  	_ =	shalt  }
0x73: {  	_ =	shalt  }
0x74: {  	_ =	shalt  }
0x75: {  	_ =	shalt  }
0x76: {  	_ =	shalt  }
0x77: {  	_ =	shalt  }
0x78: {  	_ =	shalt  }
0x79: {  	_ =	shalt  }
0x7a: {  	_ =	shalt  }
0x7b: {  	_ =	shalt  }
0x7c: {  	_ =	shalt  }
0x7d: {  	_ =	shalt  }
0x7e: {  	_ =	shalt  }
0x7f: {  	_ =	shalt  }
0x80: {  	_ =	shalt  }
0x81: {  	_ =	shalt  }
0x82: {  	_ =	shalt  }
0x83: {  	_ =	shalt  }
0x84: {  	_ =	shalt  }
0x85: {  	_ =	shalt  }
0x86: {  	_ =	shalt  }
0x87: {  	_ =	shalt  }
.Lfunc_end0:
.L_simem_size_0:
called_computation_lowered:
.L_overlay_start_0:
0x88: {  	s2 =	sld [smem:$0x3FD9]  }
0x89: {  	s3 =	sld [smem:$0x3FFE];
	_ =	sdelay $0x1  }
0x8a: {  	s1 =	srdreg.scid  }
0x8b: {  	s0 =	sand.u32 $0x1, s1  }
0x8c: {  	s17 =	sshll.u32 s0, $0xA;
	s2 =	sadd.s32 s3, s2  }
0x8d: {  	s2 =	sadd.s32 s2, s17  }
0x8e: {  	[smem:$0x3FC4] =	sst s2  }
0x8f: {  	_ = 	snop  }
0x90: {  	s2 =	sld [smem:$0x3FC9]  }
0x91: {  	s18 =	sld [smem:$0x3FC7]  }
0x92: {  	s4 =	sld [smem:$0x3FC6]  }
0x93: {  	s5 =	sld [smem:$0x3FD0];
	(tm) =	ssettm $0x1  }
0x94: {  	s6 =	sld [smem:$0x3FFB];
	_ =	sdelay $0x3  }
0x95: {  	_ =	strace s6  }
0x96: {  	s6 =	sld [smem:$0x3FFC];
	_ =	sdelay $0x3  }
0x97: {  	_ =	strace s6  }
0x98: {  	s6 =	sld [smem:$0x3FFD];
	_ =	sdelay $0x3  }
0x99: {  	_ =	strace s6  }
0x9a: {  	_ =	strace $0x8FFFFFFF  }
0x9b: {  	s19 =	sld [smem:$0x3FDB];
	_ =	sdelay $0x1  }
0x9c: {  	s7 =	simm.s32 $_scs_section_size  }
0x9d: {  	s8 =	simm.s32 $_size__tile_overlayer_lowered;
	s9 =	simm.s32 $_tile_overlayer_lowered  }
0x9e: {  	s22 =	simm.s32 $0x1BFF;
	s21 =	sshll.u32 s9, $0x1;
	s6 =	sadd.s32 s7, s19  }
0x9f: {  	s10 =	simm.s32 $0x0;
	s20 =	sshll.u32 s8, $0x1;
	s8 =	sadd.s32 s21, s6  }
0xa0: {  	[timem:s10], [sflag:s22] =	dma.local [hbm:s8], s20  }
0xa1: {  	_ =	swait.ge [sflag:s22], s20  }
0xa2: {  	s7 =	ssub.s32 $0x0, s20;
	[sflag:s22] =	ssyncset.done $0x0  }
0xa3: {  	[sflag:s22] =	ssyncadd.s32 s7;
	_ =	sdelay $0x1  }
0xa4: {  	s23 =	simm.s32 $0x1B8B  }
0xa5: {  	_ =	swait.ge [sflag:s23], $0x1  }
0xa6: {  	[sflag:s23] =	ssyncset.done $0x0  }
0xa7: {  	s25 =	simm.s32 $0x1B8E;
	s24 =	sld [smem:$0x3FFE];
	[sflag:s23] =	ssyncadd.s32 $0xFFFFFFFF  }
0xa8: {  	s26 =	simm.s32 $execute0_lowered;
	[smem:$0x3FD2] =	sst s25  }
0xa9: {  	s8 =	sshll.u32 s26, $0x1;
	_ =	strace $0x80000046;
	[dreg:$0x1] =	wrdreg $0xFFFFFFFF  }
0xaa: {  	s28 =	simm.s32 $_size_execute0_lowered;
	s6 =	sadd.s32 s6, s8;
	[dreg:$0x0] =	wrdreg $0x0  }
0xab: {  	s8 =	sshll.u32 s28, $0x1;
	[dreg:$0x2] =	wrdreg s6  }
0xac: {  	[dreg:$0x3] =	wrdreg s8  }
0xad: {  	[dreg:$0x4] =	wrdreg $0xC0  }
0xae: {  	_ =	task [dreg:s10], $0x5FFFF  }
0xaf: {  	[dreg:$0x1] =	wrdreg $0xFFFFFFFF  }
0xb0: {  	[dreg:$0x0] =	wrdreg $0x60  }
0xb1: {  	[dreg:$0x2] =	wrdreg s2  }
0xb2: {  	[dreg:$0x3] =	wrdreg s24  }
0xb3: {  	[dreg:$0x4] =	wrdreg s18  }
0xb4: {  	[dreg:$0x5] =	wrdreg s4  }
0xb5: {  	[dreg:$0x6] =	wrdreg s5  }
0xb6: {  	[dreg:$0x7] =	wrdreg $0x9  }
0xb7: {  	_ =	task.clear_ibuf [dreg:s10], $0x8FFFF;
	_ =	strace $0x90000046  }
0xb8: {  	s29 =	simm.s32 $0x9;
	_ =	strace $0x80000048  }
0xb9: {  	_ =	swait.ge [sflag:s29], $0x1  }
0xba: {  	[sflag:s29] =	ssyncadd.s32 $0xFFFFFFFF  }
0xbb: {  	_ =	strace $0x90000048  }
0xbc: {  	_ =	sfence  }
0xbd: {  	s30 =	sld [smem:$0x0];
	_ =	sdelay $0x2  }
0xbe: {  	s31 =	sshll.u32 s1, $0xD;
	s1 =	sshrl.u32 s1, $0x2  }
0xbf: {  	s3 =	sand.u32 $0x4000, s31;
	s1 =	sadd.s32 s1, s30  }
0xc0: {  	s0 =	sor.u32 s3, s0;
	s1 =	sshll.u32 s1, $0x11  }
0xc1: {  	s0 =	sor.u32 s1, s0  }
0xc2: {  	s0 =	sadd.s32 $0x8F2B, s0  }
0xc3: {  	[sflag:s0] =	ssyncadd.remote.s32 $0x1  }
0xc4: {  	_ =	sfence.sel $0xFFFF  }
0xc5: {  	[dreg:$0x0] =	wrdreg $0xFFFFFFFF;
	(pc) =	sbr.abs _section_cstart, $3  }
0xc6: {  	[dreg:$0x1] =	wrdreg $0xFFFFFFFF  }
0xc7: {  	_ =	task.clear_ibuf [dreg:s10], $0x2FFFF;
	_ =	strace $0x9FFFFFFF  }
0xc8: {  	(tm) =	ssettm $0x7FFFFFFF  }
0xc9: {  	_ =	shalt  }
tec
execute0_lowered:
.L_overlay_start_1:
0x0: {  	(tag) =	ssettag $0x1  }
0x1: {  	s0 =	rddreg [dreg:$0x0]  }
0x2: {  	s2 =	rddreg [dreg:$0x1]  }
0x3: {  	s1 =	rddreg [dreg:$0x2]  }
0x4: {  	s3 =	rddreg [dreg:$0x3]  }
0x5: {  	s7 =	rddreg [dreg:$0x4]  }
0x6: {  	s5 =	srdreg.scid;
	s6 =	stileid.u32;
	s4 =	simm.s32 $0x0  }
0x7: {  	s11 =	simm.s32 $0x1;
	s12 =	simm.s32 $0x2;
	s13 =	simm.s32 $0x68  }
0x8: {  	s16 =	simm.s32 $0x60;
	s18 =	simm.s32 $0x14610;
	s19 =	simm.s32 $0xC8D8  }
0x9: {  	s20 =	simm.s32 $0x15E10;
	s21 =	simm.s32 $0xC940;
	s22 =	simm.s32 $0x17810  }
0xa: {  	s23 =	simm.s32 $0x3;
	s24 =	simm.s32 $0x4;
	s25 =	simm.s32 $0x19010  }
0xb: {  	s26 =	simm.s32 $0x0;
	s5 =	sand.u32 $0x1, s5;
	s6 =	sshll.u32 s6, $0x1  }
.Ltmp0:
0xc: {  	[smem:$0x7FF] =	sst s4;
	s8 =	ssub.s32 $0x2, s5;
	(pc) =	sbr.rel .LBB2_1-.Ltmp0, $4  }
0xd: {  	s6 =	sor.u32 s5, s6;
	_ =	strace $0x80000047;
	s5 =	sadd.s32 $0xF42800, s2  }
0xe: {  	s9 =	sshrl.u32 s8, $0x1;
	s10 =	smul.u32 $0xC80, s6;
	s31 =	sshll.u32 s6, $0xA  }
0xf: {  	s30 =	ssub.s32 s8, s9;
	s7 =	sadd.s32 s7, s31;
	s9 =	simm.s32 $0x5  }
0x10: {  	s6 =	sadd.s32 s0, s10;
	s8 =	smax.u32 s30, $0x1;
	s10 =	simm.s32 $0x80  }
.LBB2_12:
0x11: {  	s26 =	sadd.s32 $0x1, s26  }
0x12: {  	p0 =	sne.s32 s26, s8  }
.Ltmp1:
0x13: {  	_ = 	snop;
	(pc) =	sbr.rel @!p0 .LBB2_13-.Ltmp1, $4  }
0x14: {  	[hbm4b:s7+s4] =	stream.linear.scatter [tilespmem:s25], [sflag:$0x5], $0x2000, $0x38;
	[tilespmem:$0x1B010] =	vst v63  }
0x15: {  	_ =	swait.ge [sflag:s9], $0x2000  }
0x16: {  	[sflag:s9] =	ssyncset.done $0x0  }
0x17: {  	[sflag:s9] =	ssyncadd.s32 $0xFFFFE000  }
.LBB2_1:
0x18: {  	[tilespmem:s4], [sflag:$0x5] =	stream.linear.gather [hbm4b:s6+s4], $0x6400, $0x38;
	[tilespmem:$0x1B010] =	vst v63  }
0x19: {  	_ =	swait.ge [sflag:s9], $0x6400  }
0x1a: {  	[sflag:s9] =	ssyncset.done $0x0  }
0x1b: {  	s2 =	simm.s32 $0x0;
	s0 =	simm.s32 $0x6400;
	[sflag:s9] =	ssyncadd.s32 $0xFFFF9C00  }
0x1c: {  	[tilespmem:s0], [sflag:$0x1] =	stream.indirect.gather [hbm4b:s1+s10], $0x1, s2, s10, $0xb8;
	[tilespmem:$0x1B010] =	vst v63  }
0x1d: {  	s14 =	simm.s32 $0xC810;
	s0 =	simm.s32 $0x200  }
.LBB2_2:
0x1e: {  	[tilespmem:s14], [sflag:$0x2] =	stream.indirect.gather [hbm4b:s3+s10], $0x1, s2, s10, $0xb8;
	[tilespmem:$0x1B010] =	vst v63  }
0x1f: {  	s2 =	smov.u32 s0;
	p0 =	sne.s32 s0, $0x18E00  }
.Ltmp2:
0x20: {  	s0 =	sadd.s32 $0x200, s0;
	(pc) =	sbr.rel @p0 .LBB2_2-.Ltmp2, $4  }
0x21: {  	s2 =	sshra.s32 s2, $0x2  }
0x22: {  	s14 =	sadd.s32 $0x6400, s2  }
0x23: {  	[tilespmem:s14], [sflag:$0x1] =	stream.indirect.gather [hbm4b:s1+s10], $0x1, s2, s10, $0xb8;
	[tilespmem:$0x1B010] =	vst v63  }
0x24: {  	s14 =	sadd.s32 $0xC810, s2  }
0x25: {  	[tilespmem:s14], [sflag:$0x2] =	stream.indirect.gather [hbm4b:s3+s10], $0x1, s2, s10, $0xb8;
	[tilespmem:$0x1B010] =	vst v63  }
0x26: {  	_ =	swait.ge [sflag:s11], $0x6400  }
0x27: {  	[sflag:s11] =	ssyncset.done $0x0  }
0x28: {  	[sflag:s11] =	ssyncadd.s32 $0xFFFF9C00  }
0x29: {  	_ =	swait.ge [sflag:s12], $0x6400  }
0x2a: {  	[sflag:s12] =	ssyncset.done $0x0  }
0x2b: {  	s0 =	simm.s32 $0x0;
	s2 =	simm.s32 $0x40;
	[sflag:s12] =	ssyncadd.s32 $0xFFFF9C00  }
.LBB2_4:
0x2c: {  	p0 =	sne.s32 s2, $0x18FC0;
	v0 =	vld [tilespmem:s0+$0x6400];
	_ =	sdelay $0x4  }
0x2d: {  	v0 =	vsub.f32 $0.0e+00, v0;
	_ =	sdelay $0x1  }
0x2e: {  	v0 =	vmul.f32 $1.442695020e+00, v0;
	_ =	sdelay $0x1  }
0x2f: {  	(erf) = vpow2.f32 v0;
	_ =	sdelay $0x8  }
0x30: {  	v0 =	vpop (erf)  }
0x31: {  	v0 =	vadd.f32 $1.000000000e+00, v0;
	_ =	sdelay $0x1  }
0x32: {  	(erf) = vrcp.f32 v0;
	_ =	sdelay $0x3  }
0x33: {  	v0 =	vld [tilespmem:s0+$0x0];
	_ =	sdelay $0x2  }
.Ltmp3:
0x34: {  	(pc) =	sbr.rel @p0 .LBB2_4-.Ltmp3, $4  }
0x35: {  	_ = 	snop  }
0x36: {  	vm0 =	veq.s32 v0, $0x0;
	v0 =	vpop (erf)  }
0x37: {  	v0 =	vsel vm0, $0x0, v0  }
0x38: {  	[tilespmem:s0+$0x6400] =	vst v0;
	s0 =	sshra.s32 s2, $0x2;
	s2 =	sadd.s32 $0x40, s2  }
0x39: {  	v0 =	vld [tilespmem:s0+$0x6400];
	_ =	sdelay $0x4  }
0x3a: {  	v0 =	vsub.f32 $0.0e+00, v0;
	_ =	sdelay $0x1  }
0x3b: {  	v0 =	vmul.f32 $1.442695020e+00, v0;
	_ =	sdelay $0x1  }
0x3c: {  	(erf) = vpow2.f32 v0;
	_ =	sdelay $0x8  }
0x3d: {  	v0 =	vpop (erf)  }
0x3e: {  	v0 =	vadd.f32 $1.000000000e+00, v0;
	_ =	sdelay $0x1  }
0x3f: {  	(erf) = vrcp.f32 v0;
	_ =	sdelay $0x3  }
0x40: {  	v62 =	vld [tilespmem:s0+$0x0];
	_ =	sdelay $0x4  }
0x41: {  	vm0 =	veq.s32 v62, $0x0;
	v63 =	vpop (erf)  }
0x42: {  	v0 =	vsel vm0, $0x0, v63  }
0x43: {  	s17 =	simm.s32 $0xC810;
	s2 =	simm.s32 $0x12C10;
	[tilespmem:s0+$0x6400] =	vst v0  }
0x44: {  	[tilespmem:s2], [sflag:$0x3] =	stream.indirect.gather [hbm4b:s5+s13], $0x40, s17, s13, $0xb8;
	[tilespmem:$0x1B010] =	vst v63  }
0x45: {  	s31 =	simm.s32 $0xC878  }
0x46: {  	[tilespmem:s18], [sflag:$0x3] =	stream.indirect.gather [hbm4b:s5+s16], $0x40, s31, s16, $0xb8;
	[tilespmem:$0x1B010] =	vst v63  }
0x47: {  	_ = 	snop  }
0x48: {  	[tilespmem:s20], [sflag:$0x4] =	stream.indirect.gather [hbm4b:s5+s13], $0x40, s19, s13, $0xb8;
	[tilespmem:$0x1B010] =	vst v63  }
0x49: {  	s28 =	simm.s32 $0x0;
	s29 =	simm.s32 $0x6400;
	s30 =	simm.s32 $0x64C8  }
0x4a: {  	[tilespmem:s22], [sflag:$0x4] =	stream.indirect.gather [hbm4b:s5+s16], $0x40, s21, s16, $0xb8;
	[tilespmem:$0x1B010] =	vst v63  }
.LBB2_6:
0x4b: {  	_ =	swait.ge [sflag:s23], $0x3200  }
0x4c: {  	[sflag:s23] =	ssyncset.done $0x0  }
0x4d: {  	s0 =	simm.s32 $0x12E10;
	[sflag:s23] =	ssyncadd.s32 $0xFFFFCE00  }
0x4e: {  	v3 =	vld [tilespmem:s0+$0x1C0]  }
0x4f: {  	v6 =	vld [tilespmem:s0+$0x1D0]  }
0x50: {  	v7 =	vld [tilespmem:s0+$0x180]  }
0x51: {  	v9 =	vld [tilespmem:s0+$0x190]  }
0x52: {  	v10 =	vld [tilespmem:s0+$0x140]  }
0x53: {  	v12 =	vmov s29;
	v13 =	vld [tilespmem:s0+$0x150]  }
0x54: {  	v14 =	vld [tilespmem:s0+$0x100]  }
0x55: {  	v17 =	vld [tilespmem:s0+$0x110]  }
0x56: {  	v18 =	vld [tilespmem:s0+$0xC0]  }
0x57: {  	s2 =	simm.s32 $0x0;
	v20 =	vld [tilespmem:s0+$0xD0]  }
0x58: {  	v4 =	vld.idx.msk [tilespmem:v12+s2+$0x0 ss:$0x1], $0xffff  }
0x59: {  	v21 =	vld [tilespmem:s0+$0x80]  }
0x5a: {  	v23 =	vld [tilespmem:s0+$0x90]  }
0x5b: {  	v24 =	vld [tilespmem:s0+$0x40]  }
0x5c: {  	v26 =	vld [tilespmem:s0+$0x50]  }
0x5d: {  	v27 =	vld [tilespmem:s0+$0x0];
	v1 =	vbroadcast v4, $0xE;
	v0 =	vbroadcast v4, $0xF  }
0x5e: {  	v32 =	vld [tilespmem:s0+$0x10];
	v5 =	vbroadcast v4, $0xC;
	v2 =	vbroadcast v4, $0xD  }
0x5f: {  	v36 =	vld [tilespmem:s0+$0xFFFFFFC0];
	v11 =	vbroadcast v4, $0xA;
	v8 =	vbroadcast v4, $0xB  }
0x60: {  	v37 =	vld [tilespmem:s0+$0xFFFFFFD0];
	v16 =	vbroadcast v4, $0x8;
	v15 =	vbroadcast v4, $0x9  }
0x61: {  	v38 =	vld [tilespmem:s0+$0xFFFFFF80];
	v22 =	vbroadcast v4, $0x6;
	v19 =	vbroadcast v4, $0x7  }
0x62: {  	v42 =	vld [tilespmem:s0+$0xFFFFFF90];
	v28 =	vbroadcast v4, $0x4;
	v25 =	vbroadcast v4, $0x5  }
0x63: {  	v39 =	vld [tilespmem:s0+$0xFFFFFF40];
	v30 =	vbroadcast v4, $0x2;
	v29 =	vbroadcast v4, $0x3  }
0x64: {  	v41 =	vld [tilespmem:s0+$0xFFFFFF50];
	v43 =	vbroadcast v4, $0x0;
	v35 =	vbroadcast v4, $0x1  }
0x65: {  	v40 =	vld [tilespmem:s0+$0xFFFFFF00];
	v4 =	vmul.f32 v3, v0;
	v3 =	vmul.f32 v6, v0  }
0x66: {  	v44 =	vld [tilespmem:s0+$0xFFFFFF10];
	v6 =	vmul.f32 v7, v1;
	v7 =	vmul.f32 v9, v1  }
0x67: {  	v45 =	vld [tilespmem:s0+$0xFFFFFEC0];
	v9 =	vmul.f32 v10, v2;
	v10 =	vmul.f32 v13, v2  }
0x68: {  	v46 =	vld [tilespmem:s0+$0xFFFFFED0];
	v13 =	vmul.f32 v14, v5;
	v14 =	vmul.f32 v17, v5  }
0x69: {  	v31 =	vimm.f32 $0.0e+00;
	v47 =	vld [tilespmem:s0+$0xFFFFFE80];
	v17 =	vmul.f32 v18, v8;
	v18 =	vmul.f32 v20, v8  }
0x6a: {  	v34 =	vimm.f32 $0.0e+00;
	v48 =	vld [tilespmem:s0+$0xFFFFFE90];
	v20 =	vmul.f32 v21, v11;
	v21 =	vmul.f32 v23, v11  }
0x6b: {  	v33 =	vimm.f32 $0.0e+00;
	v49 =	vld [tilespmem:s0+$0xFFFFFE40];
	v23 =	vmul.f32 v24, v15;
	v24 =	vmul.f32 v26, v15  }
0x6c: {  	s31 =	smul.u32 $0x190, s28;
	v50 =	vld [tilespmem:s0+$0xFFFFFE50];
	s2 =	simm.s32 $0x40;
	v26 =	vmul.f32 v27, v16;
	v27 =	vmul.f32 v32, v16;
	v32 =	vimm.f32 $0.0e+00  }
.LBB2_7:
0x6d: {  	p0 =	sne.s32 s2, $0x2C0;
	v51 =	vld [tilespmem:s0+$0xFFFFFE00];
	v36 =	vmul.f32 v36, v19;
	v37 =	vmul.f32 v37, v19  }
0x6e: {  	v38 =	vmul.f32 v38, v22;
	v42 =	vmul.f32 v42, v22;
	v52 =	vld [tilespmem:s0+$0xFFFFFE10]  }
0x6f: {  	v39 =	vmul.f32 v39, v25;
	v41 =	vmul.f32 v41, v25;
	v53 =	vld [tilespmem:s0+$0xFFFFFE20]  }
0x70: {  	v40 =	vmul.f32 v40, v28;
	v44 =	vmul.f32 v44, v28;
	v54 =	vld [tilespmem:s0+$0xFFFFFE30]  }
0x71: {  	v45 =	vmul.f32 v45, v29;
	v46 =	vmul.f32 v46, v29;
	v55 =	vld [tilespmem:s0+$0xFFFFFE60]  }
0x72: {  	v47 =	vmul.f32 v47, v30;
	v48 =	vmul.f32 v48, v30;
	v56 =	vld [tilespmem:s0+$0xFFFFFE70]  }
0x73: {  	v49 =	vmul.f32 v49, v35;
	v50 =	vmul.f32 v50, v35;
	v57 =	vld [tilespmem:s0+$0xFFFFFEA0]  }
0x74: {  	v51 =	vmul.f32 v51, v43;
	v52 =	vmul.f32 v52, v43;
	v58 =	vld [tilespmem:s0+$0xFFFFFEB0]  }
0x75: {  	v53 =	vmul.f32 v53, v43;
	v43 =	vmul.f32 v54, v43;
	v54 =	vld [tilespmem:s0+$0xFFFFFEE0]  }
0x76: {  	v31 =	vadd.f32 v51, v31;
	v34 =	vadd.f32 v52, v34;
	v51 =	vmul.f32 v55, v35;
	v52 =	vld [tilespmem:s0+$0xFFFFFEF0]  }
0x77: {  	v33 =	vadd.f32 v53, v33;
	v32 =	vadd.f32 v43, v32;
	v35 =	vmul.f32 v56, v35;
	v43 =	vld [tilespmem:s0+$0xFFFFFF20]  }
0x78: {  	v31 =	vadd.f32 v49, v31;
	v34 =	vadd.f32 v50, v34;
	v49 =	vmul.f32 v57, v30;
	v50 =	vld [tilespmem:s0+$0xFFFFFF30]  }
0x79: {  	v33 =	vadd.f32 v51, v33;
	v32 =	vadd.f32 v35, v32;
	v30 =	vmul.f32 v58, v30;
	v35 =	vld [tilespmem:s0+$0xFFFFFF60]  }
0x7a: {  	v31 =	vadd.f32 v47, v31;
	v34 =	vadd.f32 v48, v34;
	v47 =	vmul.f32 v54, v29;
	v48 =	vld [tilespmem:s0+$0xFFFFFF70]  }
0x7b: {  	v33 =	vadd.f32 v49, v33;
	v30 =	vadd.f32 v30, v32;
	v29 =	vmul.f32 v52, v29;
	v32 =	vld [tilespmem:s0+$0xFFFFFFA0]  }
0x7c: {  	v31 =	vadd.f32 v45, v31;
	v34 =	vadd.f32 v46, v34;
	v43 =	vmul.f32 v43, v28;
	v45 =	vld [tilespmem:s0+$0xFFFFFFB0]  }
0x7d: {  	v33 =	vadd.f32 v47, v33;
	v29 =	vadd.f32 v29, v30;
	v28 =	vmul.f32 v50, v28;
	v30 =	vld [tilespmem:s0+$0xFFFFFFE0]  }
0x7e: {  	v31 =	vadd.f32 v40, v31;
	v34 =	vadd.f32 v44, v34;
	v35 =	vmul.f32 v35, v25;
	v40 =	vld [tilespmem:s0+$0xFFFFFFF0]  }
0x7f: {  	v33 =	vadd.f32 v43, v33;
	v28 =	vadd.f32 v28, v29;
	v25 =	vmul.f32 v48, v25;
	v29 =	vld [tilespmem:s0+$0x20]  }
0x80: {  	v31 =	vadd.f32 v39, v31;
	v34 =	vadd.f32 v41, v34;
	v32 =	vmul.f32 v32, v22;
	v39 =	vld [tilespmem:s0+$0x30]  }
0x81: {  	v33 =	vadd.f32 v35, v33;
	v25 =	vadd.f32 v25, v28;
	v22 =	vmul.f32 v45, v22;
	v28 =	vld [tilespmem:s0+$0x60]  }
0x82: {  	v31 =	vadd.f32 v38, v31;
	v34 =	vadd.f32 v42, v34;
	v30 =	vmul.f32 v30, v19;
	v35 =	vld [tilespmem:s0+$0x70]  }
0x83: {  	v32 =	vadd.f32 v32, v33;
	v22 =	vadd.f32 v22, v25;
	v19 =	vmul.f32 v40, v19;
	v25 =	vld [tilespmem:s0+$0xA0]  }
0x84: {  	v31 =	vadd.f32 v36, v31;
	v33 =	vadd.f32 v37, v34;
	v29 =	vmul.f32 v29, v16;
	v34 =	vld [tilespmem:s0+$0xB0]  }
0x85: {  	v30 =	vadd.f32 v30, v32;
	v19 =	vadd.f32 v19, v22;
	v16 =	vmul.f32 v39, v16;
	v22 =	vld [tilespmem:s0+$0xE0]  }
0x86: {  	v26 =	vadd.f32 v26, v31;
	v27 =	vadd.f32 v27, v33;
	v28 =	vmul.f32 v28, v15;
	v31 =	vld [tilespmem:s0+$0xF0]  }
0x87: {  	v29 =	vadd.f32 v29, v30;
	v16 =	vadd.f32 v16, v19;
	v15 =	vmul.f32 v35, v15;
	v19 =	vld [tilespmem:s0+$0x120]  }
0x88: {  	v23 =	vadd.f32 v23, v26;
	v24 =	vadd.f32 v24, v27;
	v25 =	vmul.f32 v25, v11;
	v26 =	vld [tilespmem:s0+$0x130]  }
0x89: {  	v27 =	vadd.f32 v28, v29;
	v15 =	vadd.f32 v15, v16;
	v11 =	vmul.f32 v34, v11;
	v16 =	vld [tilespmem:s0+$0x160]  }
0x8a: {  	v20 =	vadd.f32 v20, v23;
	v21 =	vadd.f32 v21, v24;
	v22 =	vmul.f32 v22, v8;
	v23 =	vld [tilespmem:s0+$0x170]  }
0x8b: {  	v24 =	vadd.f32 v25, v27;
	v11 =	vadd.f32 v11, v15;
	v8 =	vmul.f32 v31, v8;
	v15 =	vld [tilespmem:s0+$0x1A0]  }
0x8c: {  	v17 =	vadd.f32 v17, v20;
	v18 =	vadd.f32 v18, v21;
	v19 =	vmul.f32 v19, v5;
	v20 =	vld [tilespmem:s0+$0x1B0]  }
0x8d: {  	v21 =	vadd.f32 v22, v24;
	v8 =	vadd.f32 v8, v11;
	v5 =	vmul.f32 v26, v5;
	v11 =	vld [tilespmem:s0+$0x1E0]  }
0x8e: {  	v13 =	vadd.f32 v13, v17;
	v14 =	vadd.f32 v14, v18;
	v16 =	vmul.f32 v16, v2;
	v17 =	vld [tilespmem:s0+$0x1F0];
	s0 =	sadd.s32 $0x400, s0  }
0x8f: {  	v19 =	vadd.f32 v19, v21;
	v18 =	vld [tilespmem:s0+$0x1C0];
	v5 =	vadd.f32 v5, v8;
	v2 =	vmul.f32 v23, v2  }
0x90: {  	v8 =	vadd.f32 v9, v13;
	v9 =	vadd.f32 v10, v14;
	v21 =	vld [tilespmem:s0+$0x1D0];
	v10 =	vmul.f32 v15, v1  }
0x91: {  	v14 =	vadd.f32 v16, v19;
	v13 =	vld [tilespmem:s0+$0x180];
	v2 =	vadd.f32 v2, v5;
	v1 =	vmul.f32 v20, v1  }
0x92: {  	v5 =	vadd.f32 v6, v8;
	v6 =	vadd.f32 v7, v9;
	v20 =	vld [tilespmem:s0+$0x190];
	v7 =	vmul.f32 v11, v0  }
0x93: {  	v8 =	vadd.f32 v10, v14;
	v9 =	vld [tilespmem:s0+$0x140];
	v1 =	vadd.f32 v1, v2;
	v0 =	vmul.f32 v17, v0  }
0x94: {  	v31 =	vadd.f32 v4, v5;
	v34 =	vadd.f32 v3, v6;
	v10 =	vld [tilespmem:s0+$0x150]  }
0x95: {  	v33 =	vadd.f32 v7, v8;
	v14 =	vld [tilespmem:s0+$0x100];
	v32 =	vadd.f32 v0, v1  }
0x96: {  	v17 =	vld [tilespmem:s0+$0x110]  }
0x97: {  	s14 =	sshra.s32 s2, $0x2;
	v23 =	vld [tilespmem:s0+$0xC0]  }
0x98: {  	v3 =	vld.idx.msk [tilespmem:v12+s14+$0x0 ss:$0x1], $0xffff  }
0x99: {  	v24 =	vld [tilespmem:s0+$0xD0]  }
0x9a: {  	v26 =	vld [tilespmem:s0+$0x80]  }
0x9b: {  	v27 =	vld [tilespmem:s0+$0x90]  }
0x9c: {  	v50 =	vld [tilespmem:s0+$0x40]  }
0x9d: {  	v51 =	vld [tilespmem:s0+$0x50]  }
0x9e: {  	v1 =	vbroadcast v3, $0xE;
	v0 =	vbroadcast v3, $0xF;
	v52 =	vld [tilespmem:s0+$0x0]  }
0x9f: {  	v5 =	vbroadcast v3, $0xC;
	v2 =	vbroadcast v3, $0xD;
	v53 =	vld [tilespmem:s0+$0x10]  }
0xa0: {  	v11 =	vbroadcast v3, $0xA;
	v8 =	vbroadcast v3, $0xB;
	v36 =	vld [tilespmem:s0+$0xFFFFFFC0]  }
0xa1: {  	v16 =	vbroadcast v3, $0x8;
	v15 =	vbroadcast v3, $0x9;
	v37 =	vld [tilespmem:s0+$0xFFFFFFD0]  }
0xa2: {  	v22 =	vbroadcast v3, $0x6;
	v19 =	vbroadcast v3, $0x7;
	v38 =	vld [tilespmem:s0+$0xFFFFFF80]  }
0xa3: {  	v28 =	vbroadcast v3, $0x4;
	v25 =	vbroadcast v3, $0x5;
	v42 =	vld [tilespmem:s0+$0xFFFFFF90]  }
0xa4: {  	v30 =	vbroadcast v3, $0x2;
	v29 =	vbroadcast v3, $0x3;
	v39 =	vld [tilespmem:s0+$0xFFFFFF40]  }
0xa5: {  	v43 =	vbroadcast v3, $0x0;
	v35 =	vbroadcast v3, $0x1;
	v41 =	vld [tilespmem:s0+$0xFFFFFF50]  }
0xa6: {  	v4 =	vmul.f32 v18, v0;
	v3 =	vmul.f32 v21, v0;
	v40 =	vld [tilespmem:s0+$0xFFFFFF00]  }
0xa7: {  	v6 =	vmul.f32 v13, v1;
	v7 =	vmul.f32 v20, v1;
	v44 =	vld [tilespmem:s0+$0xFFFFFF10]  }
0xa8: {  	v9 =	vmul.f32 v9, v2;
	v10 =	vmul.f32 v10, v2;
	v45 =	vld [tilespmem:s0+$0xFFFFFEC0]  }
.Ltmp4:
0xa9: {  	v13 =	vmul.f32 v14, v5;
	v14 =	vmul.f32 v17, v5;
	v46 =	vld [tilespmem:s0+$0xFFFFFED0];
	(pc) =	sbr.rel @p0 .LBB2_7-.Ltmp4, $4  }
0xaa: {  	v17 =	vmul.f32 v23, v8;
	v18 =	vmul.f32 v24, v8;
	v47 =	vld [tilespmem:s0+$0xFFFFFE80]  }
0xab: {  	v20 =	vmul.f32 v26, v11;
	v21 =	vmul.f32 v27, v11;
	v48 =	vld [tilespmem:s0+$0xFFFFFE90]  }
0xac: {  	v23 =	vmul.f32 v50, v15;
	v24 =	vmul.f32 v51, v15;
	v49 =	vld [tilespmem:s0+$0xFFFFFE40]  }
0xad: {  	s2 =	sadd.s32 $0x40, s2;
	v26 =	vmul.f32 v52, v16;
	v27 =	vmul.f32 v53, v16;
	v50 =	vld [tilespmem:s0+$0xFFFFFE50]  }
0xae: {  	v12 =	vld [tilespmem:s0+$0xFFFFFE00]  }
0xaf: {  	v51 =	vld [tilespmem:s0+$0xFFFFFE10]  }
0xb0: {  	v52 =	vld [tilespmem:s0+$0xFFFFFE20]  }
0xb1: {  	v53 =	vld [tilespmem:s0+$0xFFFFFE30]  }
0xb2: {  	v54 =	vld [tilespmem:s0+$0xFFFFFE60]  }
0xb3: {  	v55 =	vld [tilespmem:s0+$0xFFFFFE70]  }
0xb4: {  	v56 =	vld [tilespmem:s0+$0xFFFFFEA0]  }
0xb5: {  	v57 =	vld [tilespmem:s0+$0xFFFFFEB0]  }
0xb6: {  	v58 =	vld [tilespmem:s0+$0xFFFFFEE0];
	v36 =	vmul.f32 v36, v19  }
0xb7: {  	v59 =	vld [tilespmem:s0+$0xFFFFFEF0];
	v37 =	vmul.f32 v37, v19;
	v38 =	vmul.f32 v38, v22  }
0xb8: {  	v60 =	vld [tilespmem:s0+$0xFFFFFF20];
	v42 =	vmul.f32 v42, v22;
	v39 =	vmul.f32 v39, v25  }
0xb9: {  	v61 =	vld [tilespmem:s0+$0xFFFFFF30];
	v12 =	vmul.f32 v12, v43;
	v51 =	vmul.f32 v51, v43  }
0xba: {  	v52 =	vmul.f32 v52, v43;
	v63 =	vmul.f32 v53, v43;
	v43 =	vld [tilespmem:s0+$0xFFFFFFF0]  }
0xbb: {  	v41 =	vmul.f32 v41, v25;
	v40 =	vmul.f32 v40, v28;
	v53 =	vld [tilespmem:s0+$0x20]  }
0xbc: {  	v45 =	vmul.f32 v45, v29;
	v12 =	vadd.f32 v12, v31;
	v31 =	vadd.f32 v51, v34;
	v34 =	vld [tilespmem:s0+$0xFFFFFF60]  }
0xbd: {  	v46 =	vmul.f32 v46, v29;
	v47 =	vmul.f32 v47, v30;
	v51 =	vld [tilespmem:s0+$0xFFFFFF70]  }
0xbe: {  	v49 =	vmul.f32 v49, v35;
	v50 =	vmul.f32 v50, v35;
	v33 =	vadd.f32 v52, v33;
	v52 =	vld [tilespmem:s0+$0xFFFFFFA0]  }
0xbf: {  	v62 =	vmul.f32 v54, v35;
	v32 =	vadd.f32 v63, v32;
	v63 =	vmul.f32 v55, v35;
	v35 =	vld [tilespmem:s0+$0x70]  }
0xc0: {  	v48 =	vmul.f32 v48, v30;
	v56 =	vmul.f32 v56, v30;
	v55 =	vld [tilespmem:s0+$0xB0]  }
0xc1: {  	v30 =	vmul.f32 v57, v30;
	v12 =	vadd.f32 v49, v12;
	v49 =	vld [tilespmem:s0+$0xFFFFFFB0];
	v31 =	vadd.f32 v50, v31  }
0xc2: {  	v50 =	vld [tilespmem:s0+$0xFFFFFFE0];
	v33 =	vadd.f32 v62, v33;
	v32 =	vadd.f32 v63, v32;
	v62 =	vmul.f32 v58, v29  }
0xc3: {  	v29 =	vmul.f32 v59, v29;
	v58 =	vld [tilespmem:s0+$0x130];
	v12 =	vadd.f32 v47, v12;
	v31 =	vadd.f32 v48, v31  }
0xc4: {  	v63 =	vmul.f32 v60, v28;
	v60 =	vld [tilespmem:s0+$0x170];
	v33 =	vadd.f32 v56, v33;
	v30 =	vadd.f32 v30, v32  }
0xc5: {  	v44 =	vmul.f32 v44, v28;
	v47 =	vld [tilespmem:s0+$0x30];
	v12 =	vadd.f32 v45, v12;
	v31 =	vadd.f32 v46, v31  }
0xc6: {  	v28 =	vmul.f32 v61, v28;
	v48 =	vld [tilespmem:s0+$0x60];
	v33 =	vadd.f32 v62, v33;
	v29 =	vadd.f32 v29, v30  }
0xc7: {  	v32 =	vld [tilespmem:s0+$0xA0];
	v34 =	vmul.f32 v34, v25;
	v12 =	vadd.f32 v40, v12;
	v31 =	vadd.f32 v44, v31  }
0xc8: {  	v56 =	vld [tilespmem:s0+$0xF0];
	v25 =	vmul.f32 v51, v25;
	v33 =	vadd.f32 v63, v33;
	v28 =	vadd.f32 v28, v29  }
0xc9: {  	v57 =	vmul.f32 v52, v22;
	v30 =	vld [tilespmem:s0+$0xE0];
	v12 =	vadd.f32 v39, v12;
	v31 =	vadd.f32 v41, v31  }
0xca: {  	v62 =	vld [tilespmem:s0+$0x1B0];
	v22 =	vmul.f32 v49, v22;
	v33 =	vadd.f32 v34, v33;
	v25 =	vadd.f32 v25, v28  }
0xcb: {  	v59 =	vmul.f32 v50, v19;
	v29 =	vld [tilespmem:s0+$0x120];
	v12 =	vadd.f32 v38, v12;
	v31 =	vadd.f32 v42, v31  }
0xcc: {  	v19 =	vmul.f32 v43, v19;
	v28 =	vld [tilespmem:s0+$0x160];
	v33 =	vadd.f32 v57, v33;
	v22 =	vadd.f32 v22, v25  }
0xcd: {  	v61 =	vmul.f32 v53, v16;
	v25 =	vld [tilespmem:s0+$0x1A0];
	v12 =	vadd.f32 v36, v12;
	v31 =	vadd.f32 v37, v31  }
0xce: {  	v16 =	vmul.f32 v47, v16;
	v33 =	vadd.f32 v59, v33;
	v19 =	vadd.f32 v19, v22;
	v22 =	vld [tilespmem:s0+$0x1E0]  }
0xcf: {  	v12 =	vadd.f32 v26, v12;
	v26 =	vadd.f32 v27, v31;
	v27 =	vmul.f32 v48, v15;
	v31 =	vld [tilespmem:s0+$0x1F0]  }
0xd0: {  	v33 =	vadd.f32 v61, v33;
	v16 =	vadd.f32 v16, v19;
	v15 =	vmul.f32 v35, v15;
	v19 =	vld [tilespmem:s31+$0x64C0]  }
0xd1: {  	v12 =	vadd.f32 v23, v12;
	v23 =	vadd.f32 v24, v26;
	v24 =	vmul.f32 v32, v11;
	v26 =	vld [tilespmem:$0x15C10]  }
0xd2: {  	v27 =	vadd.f32 v27, v33;
	v15 =	vadd.f32 v15, v16;
	v11 =	vmul.f32 v55, v11;
	v16 =	vld [tilespmem:$0x15C20]  }
0xd3: {  	v12 =	vadd.f32 v20, v12;
	v20 =	vadd.f32 v21, v23;
	v21 =	vmul.f32 v30, v8;
	v23 =	vld [tilespmem:$0x15C30]  }
0xd4: {  	v24 =	vadd.f32 v24, v27;
	v11 =	vadd.f32 v11, v15;
	v8 =	vmul.f32 v56, v8;
	v15 =	vld [tilespmem:$0x15C40]  }
0xd5: {  	v12 =	vadd.f32 v17, v12;
	v17 =	vadd.f32 v18, v20;
	v18 =	vmul.f32 v29, v5;
	v20 =	vld [tilespmem:$0x15C50]  }
0xd6: {  	v21 =	vadd.f32 v21, v24;
	v8 =	vadd.f32 v8, v11;
	v5 =	vmul.f32 v58, v5;
	v11 =	vld [tilespmem:$0x15C60]  }
0xd7: {  	v12 =	vadd.f32 v13, v12;
	v13 =	vadd.f32 v14, v17;
	v14 =	vmul.f32 v28, v2;
	v17 =	vld [tilespmem:$0x15C70]  }
0xd8: {  	v18 =	vadd.f32 v18, v21;
	v5 =	vadd.f32 v5, v8;
	v2 =	vmul.f32 v60, v2;
	v8 =	vld [tilespmem:$0x15C80]  }
0xd9: {  	v9 =	vadd.f32 v9, v12;
	v10 =	vadd.f32 v10, v13;
	v12 =	vld [tilespmem:$0x15C90]  }
0xda: {  	v13 =	vmul.f32 v25, v1;
	v14 =	vadd.f32 v14, v18;
	v2 =	vadd.f32 v2, v5;
	v5 =	vld [tilespmem:$0x15CA0]  }
0xdb: {  	v21 =	vbroadcast v19, $0x1;
	v1 =	vmul.f32 v62, v1;
	v18 =	vld [tilespmem:$0x15CC0];
	v6 =	vadd.f32 v6, v9  }
0xdc: {  	v7 =	vadd.f32 v7, v10;
	v9 =	vld [tilespmem:$0x15CB0];
	v13 =	vadd.f32 v13, v14;
	v14 =	vbroadcast v19, $0x0  }
0xdd: {  	v10 =	vmul.f32 v22, v0;
	v1 =	vadd.f32 v1, v2;
	v0 =	vmul.f32 v31, v0;
	v22 =	vld [tilespmem:$0x15CF0]  }
0xde: {  	v2 =	vadd.f32 v4, v6;
	v4 =	vld [tilespmem:$0x15CD0];
	v3 =	vadd.f32 v3, v7;
	v6 =	vmul.f32 v26, v14  }
0xdf: {  	v7 =	vmul.f32 v16, v14;
	v16 =	vld [tilespmem:$0x15CE0];
	v10 =	vadd.f32 v10, v13;
	v13 =	vmul.f32 v23, v14  }
0xe0: {  	v0 =	vadd.f32 v0, v1;
	v1 =	vadd.f32 v6, v2;
	v2 =	vmul.f32 v15, v14;
	v6 =	vld [tilespmem:$0x15D00]  }
0xe1: {  	v3 =	vadd.f32 v7, v3;
	v7 =	vadd.f32 v13, v10;
	v10 =	vmul.f32 v20, v21;
	v13 =	vld [tilespmem:$0x15D10]  }
0xe2: {  	v14 =	vld [tilespmem:$0x15D20];
	v0 =	vadd.f32 v2, v0;
	v2 =	vmul.f32 v11, v21;
	v11 =	vbroadcast v19, $0x2  }
0xe3: {  	v8 =	vmul.f32 v8, v21;
	v15 =	vld [tilespmem:$0x15D30];
	v1 =	vadd.f32 v10, v1;
	v10 =	vmul.f32 v17, v21  }
0xe4: {  	v17 =	vld [tilespmem:$0x15D50];
	v2 =	vadd.f32 v2, v3;
	v3 =	vmul.f32 v12, v11;
	v5 =	vmul.f32 v5, v11  }
0xe5: {  	v12 =	vld [tilespmem:$0x15D40];
	v7 =	vadd.f32 v10, v7;
	v9 =	vmul.f32 v9, v11;
	v10 =	vbroadcast v19, $0x3  }
0xe6: {  	v0 =	vadd.f32 v8, v0;
	v8 =	vld [tilespmem:$0x15D60];
	v1 =	vadd.f32 v3, v1;
	v3 =	vmul.f32 v18, v11  }
0xe7: {  	v2 =	vadd.f32 v5, v2;
	v5 =	vadd.f32 v9, v7;
	v4 =	vmul.f32 v4, v10;
	v7 =	vld [tilespmem:$0x15D70]  }
0xe8: {  	v9 =	vbroadcast v19, $0x4;
	v11 =	vld [tilespmem:$0x15D80];
	v0 =	vadd.f32 v3, v0;
	v3 =	vmul.f32 v16, v10  }
0xe9: {  	v6 =	vmul.f32 v6, v10;
	v1 =	vadd.f32 v4, v1;
	v4 =	vmul.f32 v22, v10;
	v10 =	vld [tilespmem:$0x15D90]  }
0xea: {  	v16 =	vld [tilespmem:$0x15DB0];
	v2 =	vadd.f32 v3, v2;
	v3 =	vmul.f32 v13, v9;
	v13 =	vmul.f32 v14, v9  }
0xeb: {  	v14 =	vld [tilespmem:$0x15DA0];
	v4 =	vadd.f32 v4, v5;
	v5 =	vmul.f32 v15, v9;
	v15 =	vbroadcast v19, $0x5  }
0xec: {  	v0 =	vadd.f32 v6, v0;
	v6 =	vld [tilespmem:$0x15DC0];
	v1 =	vadd.f32 v3, v1;
	v3 =	vmul.f32 v12, v9  }
0xed: {  	v2 =	vadd.f32 v13, v2;
	v4 =	vadd.f32 v5, v4;
	v5 =	vmul.f32 v17, v15;
	v9 =	vld [tilespmem:$0x15DD0]  }
0xee: {  	v12 =	vld [tilespmem:$0x15DE0];
	v0 =	vadd.f32 v3, v0;
	v3 =	vmul.f32 v8, v15;
	v8 =	vbroadcast v19, $0x6  }
0xef: {  	v1 =	vadd.f32 v5, v1;
	v5 =	vmul.f32 v7, v15;
	v7 =	vmul.f32 v11, v15;
	v11 =	vld [tilespmem:$0x15DF0]  }
0xf0: {  	v13 =	vld [tilespmem:$0x15E00];
	v2 =	vadd.f32 v3, v2;
	v3 =	vmul.f32 v10, v8;
	v10 =	vbroadcast v19, $0x7  }
0xf1: {  	v4 =	vadd.f32 v5, v4;
	v0 =	vadd.f32 v7, v0;
	v5 =	vmul.f32 v14, v8  }
0xf2: {  	v1 =	vadd.f32 v3, v1;
	v3 =	vmul.f32 v16, v8;
	v7 =	vmul.f32 v9, v10  }
0xf3: {  	v2 =	vadd.f32 v5, v2;
	v5 =	vmul.f32 v6, v8;
	v6 =	vmul.f32 v12, v10  }
0xf4: {  	s2 =	sshll.u32 s28, $0x7;
	v3 =	vadd.f32 v3, v4;
	v1 =	vadd.f32 v7, v1;
	v4 =	vmul.f32 v11, v10  }
0xf5: {  	s0 =	sand.u32 $0x3FFFFF80, s2;
	v0 =	vadd.f32 v5, v0;
	v2 =	vadd.f32 v6, v2;
	v5 =	vmul.f32 v13, v10  }
0xf6: {  	v3 =	vadd.f32 v4, v3;
	[tilespmem:s0+$0x19010] =	vst v1  }
0xf7: {  	v0 =	vadd.f32 v5, v0;
	[tilespmem:s0+$0x19020] =	vst v2  }
0xf8: {  	p0 =	seq.s32 s28, $0x3F;
	[tilespmem:s0+$0x19030] =	vst v3  }
0xf9: {  	s14 =	simm.s32 @!p0 $0x12C10;
	s2 =	simm.s32 @!p0 $0x68;
	[tilespmem:s0+$0x19040] =	vst v0;
	s0 =	sadd.s32 @!p0 $0xC9A0, s31  }
0xfa: {  	[tilespmem:s14], [sflag:$0x3] =	stream.indirect.gather @!p0 [hbm4b:s5+s2], $0x40, s0, s2, $0xb8;
	[tilespmem:$0x1B010] =	vst v63  }
0xfb: {  	s0 =	sadd.s32 @!p0 $0xCA08, s31;
	s2 =	simm.s32 @!p0 $0x60;
	s14 =	simm.s32 @!p0 $0x14610  }
0xfc: {  	[tilespmem:s14], [sflag:$0x3] =	stream.indirect.gather @!p0 [hbm4b:s5+s2], $0x40, s0, s2, $0xb8;
	[tilespmem:$0x1B010] =	vst v63  }
0xfd: {  	_ =	swait.ge [sflag:s24], $0x3200  }
0xfe: {  	[sflag:s24] =	ssyncset.done $0x0  }
0xff: {  	s2 =	simm.s32 $0x16200;
	[sflag:s24] =	ssyncadd.s32 $0xFFFFCE00  }
0x100: {  	v3 =	vld [tilespmem:s2+$0xFFFFFFD0]  }
0x101: {  	v6 =	vld [tilespmem:s2+$0xFFFFFFE0]  }
0x102: {  	v7 =	vld [tilespmem:s2+$0xFFFFFF90]  }
0x103: {  	v9 =	vld [tilespmem:s2+$0xFFFFFFA0]  }
0x104: {  	v12 =	vmov s30;
	v10 =	vld [tilespmem:s2+$0xFFFFFF50]  }
0x105: {  	v13 =	vld [tilespmem:s2+$0xFFFFFF60]  }
0x106: {  	v14 =	vld [tilespmem:s2+$0xFFFFFF10]  }
0x107: {  	v17 =	vld [tilespmem:s2+$0xFFFFFF20]  }
0x108: {  	s14 =	simm.s32 $0x0;
	v18 =	vld [tilespmem:s2+$0xFFFFFED0]  }
0x109: {  	v4 =	vld.idx.msk [tilespmem:v12+s14+$0x0 ss:$0x1], $0xffff  }
0x10a: {  	v20 =	vld [tilespmem:s2+$0xFFFFFEE0]  }
0x10b: {  	v21 =	vld [tilespmem:s2+$0xFFFFFE90]  }
0x10c: {  	v23 =	vld [tilespmem:s2+$0xFFFFFEA0]  }
0x10d: {  	v24 =	vld [tilespmem:s2+$0xFFFFFE50]  }
0x10e: {  	v26 =	vld [tilespmem:s2+$0xFFFFFE60]  }
0x10f: {  	v27 =	vld [tilespmem:s2+$0xFFFFFE10];
	v1 =	vbroadcast v4, $0xE;
	v0 =	vbroadcast v4, $0xF  }
0x110: {  	v63 =	vld [tilespmem:s2+$0xFFFFFE20];
	v5 =	vbroadcast v4, $0xC;
	v2 =	vbroadcast v4, $0xD  }
0x111: {  	v36 =	vld [tilespmem:s2+$0xFFFFFDD0];
	v11 =	vbroadcast v4, $0xA;
	v8 =	vbroadcast v4, $0xB  }
0x112: {  	v37 =	vld [tilespmem:s2+$0xFFFFFDE0];
	v16 =	vbroadcast v4, $0x8;
	v15 =	vbroadcast v4, $0x9  }
0x113: {  	v38 =	vld [tilespmem:s2+$0xFFFFFD90];
	v22 =	vbroadcast v4, $0x6;
	v19 =	vbroadcast v4, $0x7  }
0x114: {  	v42 =	vld [tilespmem:s2+$0xFFFFFDA0];
	v28 =	vbroadcast v4, $0x4;
	v25 =	vbroadcast v4, $0x5  }
0x115: {  	v39 =	vld [tilespmem:s2+$0xFFFFFD50];
	v30 =	vbroadcast v4, $0x2;
	v29 =	vbroadcast v4, $0x3  }
0x116: {  	v41 =	vld [tilespmem:s2+$0xFFFFFD60];
	v43 =	vbroadcast v4, $0x0;
	v35 =	vbroadcast v4, $0x1  }
0x117: {  	v40 =	vld [tilespmem:s2+$0xFFFFFD10];
	v4 =	vmul.f32 v3, v0;
	v3 =	vmul.f32 v6, v0  }
0x118: {  	v44 =	vld [tilespmem:s2+$0xFFFFFD20];
	v6 =	vmul.f32 v7, v1;
	v7 =	vmul.f32 v9, v1  }
0x119: {  	v45 =	vld [tilespmem:s2+$0xFFFFFCD0];
	v9 =	vmul.f32 v10, v2;
	v10 =	vmul.f32 v13, v2  }
0x11a: {  	s15 =	sshll.u32 s28, $0x1;
	v46 =	vld [tilespmem:s2+$0xFFFFFCE0];
	v13 =	vmul.f32 v14, v5;
	v14 =	vmul.f32 v17, v5  }
0x11b: {  	v34 =	vimm.f32 $0.0e+00;
	s0 =	sor.u32 $0x1, s15;
	v47 =	vld [tilespmem:s2+$0xFFFFFC90];
	v17 =	vmul.f32 v18, v8;
	v18 =	vmul.f32 v20, v8  }
0x11c: {  	v33 =	vimm.f32 $0.0e+00;
	s17 =	smul.u32 $0x320, s0;
	v48 =	vld [tilespmem:s2+$0xFFFFFCA0];
	v20 =	vmul.f32 v21, v11;
	v21 =	vmul.f32 v23, v11  }
0x11d: {  	v32 =	vimm.f32 $0.0e+00;
	v49 =	vld [tilespmem:s2+$0xFFFFFC50];
	v23 =	vmul.f32 v24, v15;
	v24 =	vmul.f32 v26, v15  }
0x11e: {  	v31 =	vimm.f32 $0.0e+00;
	s15 =	simm.s32 $0x40;
	s14 =	sshra.s32 s17, $0x2;
	v50 =	vld [tilespmem:s2+$0xFFFFFC60];
	v26 =	vmul.f32 v27, v16;
	v27 =	vmul.f32 v63, v16  }
.LBB2_9:
0x11f: {  	p1 =	sne.s32 s15, $0x2C0;
	v51 =	vld [tilespmem:s2+$0xFFFFFC10];
	v36 =	vmul.f32 v36, v19;
	v37 =	vmul.f32 v37, v19  }
0x120: {  	v38 =	vmul.f32 v38, v22;
	v42 =	vmul.f32 v42, v22;
	v52 =	vld [tilespmem:s2+$0xFFFFFC20]  }
0x121: {  	v39 =	vmul.f32 v39, v25;
	v41 =	vmul.f32 v41, v25;
	v53 =	vld [tilespmem:s2+$0xFFFFFC30]  }
0x122: {  	v40 =	vmul.f32 v40, v28;
	v44 =	vmul.f32 v44, v28;
	v54 =	vld [tilespmem:s2+$0xFFFFFC40]  }
0x123: {  	v45 =	vmul.f32 v45, v29;
	v46 =	vmul.f32 v46, v29;
	v55 =	vld [tilespmem:s2+$0xFFFFFC70]  }
0x124: {  	v47 =	vmul.f32 v47, v30;
	v48 =	vmul.f32 v48, v30;
	v56 =	vld [tilespmem:s2+$0xFFFFFC80]  }
0x125: {  	v49 =	vmul.f32 v49, v35;
	v50 =	vmul.f32 v50, v35;
	v57 =	vld [tilespmem:s2+$0xFFFFFCB0]  }
0x126: {  	v51 =	vmul.f32 v51, v43;
	v52 =	vmul.f32 v52, v43;
	v58 =	vld [tilespmem:s2+$0xFFFFFCC0]  }
0x127: {  	v53 =	vmul.f32 v53, v43;
	v43 =	vmul.f32 v54, v43;
	v54 =	vld [tilespmem:s2+$0xFFFFFCF0]  }
0x128: {  	v31 =	vadd.f32 v51, v31;
	v34 =	vadd.f32 v52, v34;
	v51 =	vmul.f32 v55, v35;
	v52 =	vld [tilespmem:s2+$0xFFFFFD00]  }
0x129: {  	v33 =	vadd.f32 v53, v33;
	v32 =	vadd.f32 v43, v32;
	v35 =	vmul.f32 v56, v35;
	v43 =	vld [tilespmem:s2+$0xFFFFFD30]  }
0x12a: {  	v31 =	vadd.f32 v49, v31;
	v34 =	vadd.f32 v50, v34;
	v49 =	vmul.f32 v57, v30;
	v50 =	vld [tilespmem:s2+$0xFFFFFD40]  }
0x12b: {  	v33 =	vadd.f32 v51, v33;
	v32 =	vadd.f32 v35, v32;
	v30 =	vmul.f32 v58, v30;
	v35 =	vld [tilespmem:s2+$0xFFFFFD70]  }
0x12c: {  	v31 =	vadd.f32 v47, v31;
	v34 =	vadd.f32 v48, v34;
	v47 =	vmul.f32 v54, v29;
	v48 =	vld [tilespmem:s2+$0xFFFFFD80]  }
0x12d: {  	v33 =	vadd.f32 v49, v33;
	v30 =	vadd.f32 v30, v32;
	v29 =	vmul.f32 v52, v29;
	v32 =	vld [tilespmem:s2+$0xFFFFFDB0]  }
0x12e: {  	v31 =	vadd.f32 v45, v31;
	v34 =	vadd.f32 v46, v34;
	v43 =	vmul.f32 v43, v28;
	v45 =	vld [tilespmem:s2+$0xFFFFFDC0]  }
0x12f: {  	v33 =	vadd.f32 v47, v33;
	v29 =	vadd.f32 v29, v30;
	v28 =	vmul.f32 v50, v28;
	v30 =	vld [tilespmem:s2+$0xFFFFFDF0]  }
0x130: {  	v31 =	vadd.f32 v40, v31;
	v34 =	vadd.f32 v44, v34;
	v35 =	vmul.f32 v35, v25;
	v40 =	vld [tilespmem:s2+$0xFFFFFE00]  }
0x131: {  	v33 =	vadd.f32 v43, v33;
	v28 =	vadd.f32 v28, v29;
	v25 =	vmul.f32 v48, v25;
	v29 =	vld [tilespmem:s2+$0xFFFFFE30]  }
0x132: {  	v31 =	vadd.f32 v39, v31;
	v34 =	vadd.f32 v41, v34;
	v32 =	vmul.f32 v32, v22;
	v39 =	vld [tilespmem:s2+$0xFFFFFE40]  }
0x133: {  	v33 =	vadd.f32 v35, v33;
	v25 =	vadd.f32 v25, v28;
	v22 =	vmul.f32 v45, v22;
	v28 =	vld [tilespmem:s2+$0xFFFFFE70]  }
0x134: {  	v31 =	vadd.f32 v38, v31;
	v34 =	vadd.f32 v42, v34;
	v30 =	vmul.f32 v30, v19;
	v35 =	vld [tilespmem:s2+$0xFFFFFE80]  }
0x135: {  	v32 =	vadd.f32 v32, v33;
	v22 =	vadd.f32 v22, v25;
	v19 =	vmul.f32 v40, v19;
	v25 =	vld [tilespmem:s2+$0xFFFFFEB0]  }
0x136: {  	v31 =	vadd.f32 v36, v31;
	v33 =	vadd.f32 v37, v34;
	v29 =	vmul.f32 v29, v16;
	v34 =	vld [tilespmem:s2+$0xFFFFFEC0]  }
0x137: {  	v30 =	vadd.f32 v30, v32;
	v19 =	vadd.f32 v19, v22;
	v16 =	vmul.f32 v39, v16;
	v22 =	vld [tilespmem:s2+$0xFFFFFEF0]  }
0x138: {  	v26 =	vadd.f32 v26, v31;
	v27 =	vadd.f32 v27, v33;
	v28 =	vmul.f32 v28, v15;
	v31 =	vld [tilespmem:s2+$0xFFFFFF00]  }
0x139: {  	v29 =	vadd.f32 v29, v30;
	v16 =	vadd.f32 v16, v19;
	v15 =	vmul.f32 v35, v15;
	v19 =	vld [tilespmem:s2+$0xFFFFFF30]  }
0x13a: {  	v23 =	vadd.f32 v23, v26;
	v24 =	vadd.f32 v24, v27;
	v25 =	vmul.f32 v25, v11;
	v26 =	vld [tilespmem:s2+$0xFFFFFF40]  }
0x13b: {  	v27 =	vadd.f32 v28, v29;
	v15 =	vadd.f32 v15, v16;
	v11 =	vmul.f32 v34, v11;
	v16 =	vld [tilespmem:s2+$0xFFFFFF70]  }
0x13c: {  	v20 =	vadd.f32 v20, v23;
	v21 =	vadd.f32 v21, v24;
	v22 =	vmul.f32 v22, v8;
	v23 =	vld [tilespmem:s2+$0xFFFFFF80]  }
0x13d: {  	v24 =	vadd.f32 v25, v27;
	v11 =	vadd.f32 v11, v15;
	v8 =	vmul.f32 v31, v8;
	v15 =	vld [tilespmem:s2+$0xFFFFFFB0]  }
0x13e: {  	v17 =	vadd.f32 v17, v20;
	v18 =	vadd.f32 v18, v21;
	v19 =	vmul.f32 v19, v5;
	v20 =	vld [tilespmem:s2+$0xFFFFFFC0]  }
0x13f: {  	v21 =	vadd.f32 v22, v24;
	v8 =	vadd.f32 v8, v11;
	v5 =	vmul.f32 v26, v5;
	v11 =	vld [tilespmem:s2+$0xFFFFFFF0]  }
0x140: {  	v13 =	vadd.f32 v13, v17;
	v14 =	vadd.f32 v14, v18;
	v16 =	vmul.f32 v16, v2;
	v17 =	vld [tilespmem:s2+$0x0];
	s2 =	sadd.s32 $0x400, s2  }
0x141: {  	v19 =	vadd.f32 v19, v21;
	v18 =	vld [tilespmem:s2+$0xFFFFFFD0];
	v5 =	vadd.f32 v5, v8;
	v2 =	vmul.f32 v23, v2  }
0x142: {  	v8 =	vadd.f32 v9, v13;
	v9 =	vadd.f32 v10, v14;
	v21 =	vld [tilespmem:s2+$0xFFFFFFE0];
	v10 =	vmul.f32 v15, v1  }
0x143: {  	v14 =	vadd.f32 v16, v19;
	v13 =	vld [tilespmem:s2+$0xFFFFFF90];
	v2 =	vadd.f32 v2, v5;
	v1 =	vmul.f32 v20, v1  }
0x144: {  	v5 =	vadd.f32 v6, v8;
	v6 =	vadd.f32 v7, v9;
	v20 =	vld [tilespmem:s2+$0xFFFFFFA0];
	v7 =	vmul.f32 v11, v0  }
0x145: {  	v8 =	vadd.f32 v10, v14;
	v9 =	vld [tilespmem:s2+$0xFFFFFF50];
	v1 =	vadd.f32 v1, v2;
	v0 =	vmul.f32 v17, v0  }
0x146: {  	v31 =	vadd.f32 v4, v5;
	v34 =	vadd.f32 v3, v6;
	v10 =	vld [tilespmem:s2+$0xFFFFFF60]  }
0x147: {  	v33 =	vadd.f32 v7, v8;
	v14 =	vld [tilespmem:s2+$0xFFFFFF10];
	v32 =	vadd.f32 v0, v1  }
0x148: {  	v17 =	vld [tilespmem:s2+$0xFFFFFF20]  }
0x149: {  	s17 =	sshra.s32 s15, $0x2;
	v23 =	vld [tilespmem:s2+$0xFFFFFED0]  }
0x14a: {  	v3 =	vld.idx.msk [tilespmem:v12+s17+$0x0 ss:$0x1], $0xffff  }
0x14b: {  	v24 =	vld [tilespmem:s2+$0xFFFFFEE0]  }
0x14c: {  	v26 =	vld [tilespmem:s2+$0xFFFFFE90]  }
0x14d: {  	v27 =	vld [tilespmem:s2+$0xFFFFFEA0]  }
0x14e: {  	v50 =	vld [tilespmem:s2+$0xFFFFFE50]  }
0x14f: {  	v51 =	vld [tilespmem:s2+$0xFFFFFE60]  }
0x150: {  	v1 =	vbroadcast v3, $0xE;
	v0 =	vbroadcast v3, $0xF;
	v52 =	vld [tilespmem:s2+$0xFFFFFE10]  }
0x151: {  	v5 =	vbroadcast v3, $0xC;
	v2 =	vbroadcast v3, $0xD;
	v53 =	vld [tilespmem:s2+$0xFFFFFE20]  }
0x152: {  	v11 =	vbroadcast v3, $0xA;
	v8 =	vbroadcast v3, $0xB;
	v36 =	vld [tilespmem:s2+$0xFFFFFDD0]  }
0x153: {  	v16 =	vbroadcast v3, $0x8;
	v15 =	vbroadcast v3, $0x9;
	v37 =	vld [tilespmem:s2+$0xFFFFFDE0]  }
0x154: {  	v22 =	vbroadcast v3, $0x6;
	v19 =	vbroadcast v3, $0x7;
	v38 =	vld [tilespmem:s2+$0xFFFFFD90]  }
0x155: {  	v28 =	vbroadcast v3, $0x4;
	v25 =	vbroadcast v3, $0x5;
	v42 =	vld [tilespmem:s2+$0xFFFFFDA0]  }
0x156: {  	v30 =	vbroadcast v3, $0x2;
	v29 =	vbroadcast v3, $0x3;
	v39 =	vld [tilespmem:s2+$0xFFFFFD50]  }
0x157: {  	v43 =	vbroadcast v3, $0x0;
	v35 =	vbroadcast v3, $0x1;
	v41 =	vld [tilespmem:s2+$0xFFFFFD60]  }
0x158: {  	v4 =	vmul.f32 v18, v0;
	v3 =	vmul.f32 v21, v0;
	v40 =	vld [tilespmem:s2+$0xFFFFFD10]  }
0x159: {  	v6 =	vmul.f32 v13, v1;
	v7 =	vmul.f32 v20, v1;
	v44 =	vld [tilespmem:s2+$0xFFFFFD20]  }
0x15a: {  	v9 =	vmul.f32 v9, v2;
	v10 =	vmul.f32 v10, v2;
	v45 =	vld [tilespmem:s2+$0xFFFFFCD0]  }
.Ltmp5:
0x15b: {  	v13 =	vmul.f32 v14, v5;
	v14 =	vmul.f32 v17, v5;
	v46 =	vld [tilespmem:s2+$0xFFFFFCE0];
	(pc) =	sbr.rel @p1 .LBB2_9-.Ltmp5, $4  }
0x15c: {  	v17 =	vmul.f32 v23, v8;
	v18 =	vmul.f32 v24, v8;
	v47 =	vld [tilespmem:s2+$0xFFFFFC90]  }
0x15d: {  	v20 =	vmul.f32 v26, v11;
	v21 =	vmul.f32 v27, v11;
	v48 =	vld [tilespmem:s2+$0xFFFFFCA0]  }
0x15e: {  	v23 =	vmul.f32 v50, v15;
	v24 =	vmul.f32 v51, v15;
	v49 =	vld [tilespmem:s2+$0xFFFFFC50]  }
0x15f: {  	s15 =	sadd.s32 $0x40, s15;
	v26 =	vmul.f32 v52, v16;
	v27 =	vmul.f32 v53, v16;
	v50 =	vld [tilespmem:s2+$0xFFFFFC60]  }
0x160: {  	v12 =	vld [tilespmem:s2+$0xFFFFFC10]  }
0x161: {  	v51 =	vld [tilespmem:s2+$0xFFFFFC20]  }
0x162: {  	v52 =	vld [tilespmem:s2+$0xFFFFFC30]  }
0x163: {  	v53 =	vld [tilespmem:s2+$0xFFFFFC40]  }
0x164: {  	v54 =	vld [tilespmem:s2+$0xFFFFFC70]  }
0x165: {  	v55 =	vld [tilespmem:s2+$0xFFFFFC80]  }
0x166: {  	v56 =	vld [tilespmem:s2+$0xFFFFFCB0]  }
0x167: {  	v57 =	vld [tilespmem:s2+$0xFFFFFCC0]  }
0x168: {  	v58 =	vld [tilespmem:s2+$0xFFFFFCF0]  }
0x169: {  	v59 =	vld [tilespmem:s2+$0xFFFFFD00]  }
0x16a: {  	v60 =	vld [tilespmem:s2+$0xFFFFFD30]  }
0x16b: {  	v61 =	vld [tilespmem:s2+$0xFFFFFD40];
	v12 =	vmul.f32 v12, v43;
	v51 =	vmul.f32 v51, v43  }
0x16c: {  	v52 =	vmul.f32 v52, v43;
	v63 =	vmul.f32 v53, v43;
	v43 =	vld [tilespmem:s2+$0xFFFFFE00]  }
0x16d: {  	v36 =	vmul.f32 v36, v19;
	v37 =	vmul.f32 v37, v19;
	v53 =	vld [tilespmem:s2+$0xFFFFFE30]  }
0x16e: {  	v38 =	vmul.f32 v38, v22;
	v12 =	vadd.f32 v12, v31;
	v31 =	vadd.f32 v51, v34;
	v34 =	vld [tilespmem:s2+$0xFFFFFD70]  }
0x16f: {  	v42 =	vmul.f32 v42, v22;
	v39 =	vmul.f32 v39, v25;
	v51 =	vld [tilespmem:s2+$0xFFFFFD80]  }
0x170: {  	v49 =	vmul.f32 v49, v35;
	v50 =	vmul.f32 v50, v35;
	v33 =	vadd.f32 v52, v33;
	v52 =	vld [tilespmem:s2+$0xFFFFFDB0]  }
0x171: {  	v62 =	vmul.f32 v54, v35;
	v32 =	vadd.f32 v63, v32;
	v63 =	vmul.f32 v55, v35;
	v35 =	vld [tilespmem:s2+$0xFFFFFE80]  }
0x172: {  	v41 =	vmul.f32 v41, v25;
	v40 =	vmul.f32 v40, v28;
	v55 =	vld [tilespmem:s2+$0xFFFFFEB0]  }
0x173: {  	v44 =	vmul.f32 v44, v28;
	v47 =	vmul.f32 v47, v30;
	v12 =	vadd.f32 v49, v12;
	v49 =	vld [tilespmem:s2+$0xFFFFFDC0]  }
0x174: {  	v45 =	vmul.f32 v45, v29;
	v48 =	vmul.f32 v48, v30;
	v31 =	vadd.f32 v50, v31;
	v50 =	vld [tilespmem:s2+$0xFFFFFDF0]  }
0x175: {  	v57 =	vmul.f32 v57, v30;
	v32 =	vadd.f32 v63, v32;
	v12 =	vadd.f32 v47, v12;
	v47 =	vld [tilespmem:s2+$0xFFFFFE40]  }
0x176: {  	v46 =	vmul.f32 v46, v29;
	v56 =	vmul.f32 v56, v30;
	v31 =	vadd.f32 v48, v31;
	v48 =	vld [tilespmem:s2+$0xFFFFFE70]  }
0x177: {  	v33 =	vadd.f32 v62, v33;
	v62 =	vmul.f32 v58, v29;
	v30 =	vadd.f32 v57, v32;
	v57 =	vld [tilespmem:s2+$0xFFFFFEC0]  }
0x178: {  	v63 =	vmul.f32 v59, v29;
	v58 =	vmul.f32 v61, v28;
	v32 =	vld [tilespmem:$0x18E60]  }
0x179: {  	v33 =	vadd.f32 v56, v33;
	v56 =	vmul.f32 v60, v28;
	v59 =	vmul.f32 v51, v25;
	v51 =	vld [tilespmem:s2+$0x0]  }
0x17a: {  	v60 =	vmul.f32 v52, v22;
	v54 =	vmul.f32 v55, v11;
	v55 =	vld [tilespmem:$0x18E10]  }
0x17b: {  	v52 =	vmul.f32 v35, v15;
	v35 =	vld [tilespmem:$0x18E70];
	v12 =	vadd.f32 v45, v12;
	v31 =	vadd.f32 v46, v31  }
0x17c: {  	v34 =	vmul.f32 v34, v25;
	v33 =	vadd.f32 v62, v33;
	v29 =	vadd.f32 v63, v30;
	v30 =	vld [tilespmem:s2+$0xFFFFFEF0]  }
0x17d: {  	v63 =	vmul.f32 v43, v19;
	v46 =	vld [tilespmem:$0x18EC0];
	v12 =	vadd.f32 v40, v12;
	v31 =	vadd.f32 v44, v31  }
0x17e: {  	v43 =	vmul.f32 v53, v16;
	v40 =	vld [tilespmem:s2+$0xFFFFFF00];
	v33 =	vadd.f32 v56, v33;
	v28 =	vadd.f32 v58, v29  }
0x17f: {  	v61 =	vmul.f32 v49, v22;
	v12 =	vadd.f32 v39, v12;
	v31 =	vadd.f32 v41, v31;
	v41 =	vld [tilespmem:s2+$0xFFFFFF40]  }
0x180: {  	v62 =	vmul.f32 v50, v19;
	v45 =	vmul.f32 v47, v16;
	v25 =	vadd.f32 v59, v28;
	v28 =	vld [tilespmem:s2+$0xFFFFFF70]  }
0x181: {  	v50 =	vmul.f32 v48, v15;
	v33 =	vadd.f32 v34, v33;
	v12 =	vadd.f32 v38, v12;
	v38 =	vld [tilespmem:s2+$0xFFFFFF80]  }
0x182: {  	v56 =	vmul.f32 v57, v11;
	v31 =	vadd.f32 v42, v31;
	v22 =	vadd.f32 v61, v25;
	v42 =	vld [tilespmem:s2+$0xFFFFFFB0]  }
0x183: {  	v44 =	vld [tilespmem:s2+$0xFFFFFFC0];
	v59 =	vmul.f32 v30, v8;
	v33 =	vadd.f32 v60, v33;
	v12 =	vadd.f32 v36, v12  }
0x184: {  	v47 =	vld [tilespmem:s2+$0xFFFFFFF0];
	v61 =	vmul.f32 v40, v8;
	v31 =	vadd.f32 v37, v31;
	v19 =	vadd.f32 v63, v22  }
0x185: {  	v29 =	vld [tilespmem:s2+$0xFFFFFF30];
	v33 =	vadd.f32 v62, v33;
	v30 =	vmul.f32 v41, v5;
	v12 =	vadd.f32 v26, v12  }
0x186: {  	v34 =	vmul.f32 v28, v2;
	v49 =	vadd.f32 v27, v31;
	v16 =	vadd.f32 v45, v19;
	v19 =	vld [tilespmem:s14+$0x64C0]  }
0x187: {  	v57 =	vld [tilespmem:$0x18E20];
	v33 =	vadd.f32 v43, v33;
	v36 =	vmul.f32 v38, v2;
	v40 =	vmul.f32 v42, v1  }
0x188: {  	v39 =	vld [tilespmem:$0x18E90];
	v42 =	vmul.f32 v44, v1;
	v12 =	vadd.f32 v23, v12;
	v53 =	vadd.f32 v24, v49  }
0x189: {  	v60 =	vld [tilespmem:$0x18E30];
	v44 =	vmul.f32 v47, v0;
	v27 =	vadd.f32 v50, v33;
	v15 =	vadd.f32 v52, v16  }
0x18a: {  	v62 =	vld [tilespmem:$0x18E40];
	v47 =	vmul.f32 v51, v0;
	v12 =	vadd.f32 v20, v12;
	v58 =	vadd.f32 v21, v53  }
0x18b: {  	v41 =	vld [tilespmem:$0x18EA0];
	v24 =	vadd.f32 v54, v27;
	v11 =	vadd.f32 v56, v15;
	v45 =	vbroadcast v19, $0x0  }
0x18c: {  	v38 =	vld [tilespmem:$0x18E80];
	v27 =	vmul.f32 v29, v5;
	v54 =	vbroadcast v19, $0x1;
	v12 =	vadd.f32 v17, v12  }
0x18d: {  	v29 =	vld [tilespmem:$0x18E50];
	v63 =	vadd.f32 v18, v58;
	v21 =	vadd.f32 v59, v24;
	v50 =	vmul.f32 v55, v45  }
0x18e: {  	v43 =	vld [tilespmem:$0x18EB0];
	v8 =	vadd.f32 v61, v11;
	v51 =	vmul.f32 v57, v45;
	v53 =	vmul.f32 v60, v45  }
0x18f: {  	v52 =	vld [tilespmem:$0x18EE0];
	v57 =	vmul.f32 v62, v45;
	v62 =	vmul.f32 v32, v54;
	v12 =	vadd.f32 v13, v12  }
0x190: {  	v20 =	vld [tilespmem:$0x18F20];
	v23 =	vmul.f32 v35, v54;
	v33 =	vadd.f32 v14, v63;
	v18 =	vadd.f32 v27, v21  }
0x191: {  	v61 =	vld [tilespmem:$0x18F10];
	v5 =	vadd.f32 v30, v8;
	v63 =	vbroadcast v19, $0x2;
	v8 =	vmul.f32 v38, v54  }
0x192: {  	v55 =	vld [tilespmem:$0x18EF0];
	v27 =	vbroadcast v19, $0x3;
	v60 =	vmul.f32 v29, v54;
	v9 =	vadd.f32 v9, v12  }
0x193: {  	v24 =	vld [tilespmem:$0x18F30];
	v10 =	vadd.f32 v10, v33;
	v14 =	vadd.f32 v34, v18;
	v25 =	vmul.f32 v39, v63  }
0x194: {  	v2 =	vadd.f32 v36, v5;
	v5 =	vmul.f32 v41, v63;
	v29 =	vmul.f32 v46, v63  }
0x195: {  	v49 =	vld [tilespmem:$0x18ED0];
	v33 =	vmul.f32 v52, v27;
	v34 =	vbroadcast v19, $0x4;
	v6 =	vadd.f32 v6, v9  }
0x196: {  	v58 =	vld [tilespmem:$0x18F00];
	v7 =	vadd.f32 v7, v10;
	v13 =	vadd.f32 v40, v14;
	v9 =	vmul.f32 v43, v63  }
0x197: {  	v26 =	vld [tilespmem:$0x18F40];
	v1 =	vadd.f32 v42, v2;
	v36 =	vmul.f32 v55, v27;
	v38 =	vmul.f32 v61, v34  }
0x198: {  	v28 =	vld [tilespmem:$0x18F50];
	v39 =	vmul.f32 v20, v34;
	v41 =	vmul.f32 v24, v34;
	v48 =	vadd.f32 v4, v6  }
0x199: {  	v42 =	vbroadcast v19, $0x5;
	v3 =	vadd.f32 v3, v7;
	v10 =	vadd.f32 v44, v13  }
0x19a: {  	v35 =	vld [tilespmem:$0x18F80];
	v55 =	vbroadcast v19, $0x7;
	v0 =	vadd.f32 v47, v1;
	v56 =	vadd.f32 v50, v48  }
0x19b: {  	v30 =	vld [tilespmem:$0x18F60];
	v4 =	vmul.f32 v49, v27;
	v6 =	vmul.f32 v58, v27;
	v3 =	vadd.f32 v51, v3  }
0x19c: {  	v32 =	vld [tilespmem:$0x18F70];
	v44 =	vmul.f32 v26, v34;
	v59 =	vadd.f32 v53, v10;
	v1 =	vadd.f32 v60, v56  }
0x19d: {  	v37 =	vld [tilespmem:$0x18F90];
	v46 =	vmul.f32 v28, v42;
	v0 =	vadd.f32 v57, v0;
	v2 =	vadd.f32 v62, v3  }
0x19e: {  	v40 =	vld [tilespmem:$0x18FA0];
	v49 =	vbroadcast v19, $0x6;
	v7 =	vadd.f32 v23, v59;
	v1 =	vadd.f32 v25, v1  }
0x19f: {  	v43 =	vld [tilespmem:$0x18FB0];
	v52 =	vmul.f32 v35, v42;
	v0 =	vadd.f32 v8, v0;
	v2 =	vadd.f32 v5, v2  }
0x1a0: {  	v45 =	vld [tilespmem:$0x18FC0];
	v48 =	vmul.f32 v30, v42;
	v31 =	vadd.f32 v9, v7;
	v1 =	vadd.f32 v4, v1  }
0x1a1: {  	v47 =	vld [tilespmem:$0x18FD0];
	v51 =	vmul.f32 v32, v42;
	v0 =	vadd.f32 v29, v0;
	v2 =	vadd.f32 v33, v2  }
0x1a2: {  	v50 =	vld [tilespmem:$0x18FE0];
	v54 =	vmul.f32 v37, v49;
	v4 =	vadd.f32 v36, v31;
	v1 =	vadd.f32 v38, v1  }
0x1a3: {  	v53 =	vld [tilespmem:$0x18FF0];
	v57 =	vmul.f32 v40, v49;
	v0 =	vadd.f32 v6, v0;
	v2 =	vadd.f32 v39, v2  }
0x1a4: {  	v58 =	vmul.f32 v43, v49;
	v56 =	vld [tilespmem:$0x19000];
	v4 =	vadd.f32 v41, v4;
	v1 =	vadd.f32 v46, v1  }
0x1a5: {  	v60 =	vmul.f32 v45, v49;
	v0 =	vadd.f32 v44, v0;
	v2 =	vadd.f32 v48, v2  }
0x1a6: {  	v59 =	vmul.f32 v47, v55;
	v4 =	vadd.f32 v51, v4;
	v1 =	vadd.f32 v54, v1  }
0x1a7: {  	v61 =	vmul.f32 v50, v55;
	v0 =	vadd.f32 v52, v0;
	v2 =	vadd.f32 v57, v2  }
0x1a8: {  	s0 =	sshll.u32 s0, $0x6;
	v62 =	vmul.f32 v53, v55;
	v3 =	vadd.f32 v58, v4;
	v1 =	vadd.f32 v59, v1  }
.Ltmp6:
0x1a9: {  	s0 =	sand.u32 $0x3FFFFFC0, s0;
	v63 =	vmul.f32 v56, v55;
	v0 =	vadd.f32 v60, v0;
	v2 =	vadd.f32 v61, v2;
	(pc) =	sbr.rel @p0 .LBB2_12-.Ltmp6, $4  }
0x1aa: {  	v3 =	vadd.f32 v62, v3;
	[tilespmem:s0+$0x19010] =	vst v1  }
0x1ab: {  	v0 =	vadd.f32 v63, v0;
	[tilespmem:s0+$0x19020] =	vst v2  }
0x1ac: {  	[tilespmem:s0+$0x19030] =	vst v3  }
0x1ad: {  	[tilespmem:s0+$0x19040] =	vst v0  }
.Ltmp7:
0x1ae: {  	(pc) =	sbr.rel .LBB2_6-.Ltmp7, $4  }
0x1af: {  	s0 =	sadd.s32 $0xCA68, s31;
	s31 =	sadd.s32 $0xCAD0, s31  }
0x1b0: {  	[tilespmem:s20], [sflag:$0x4] =	stream.indirect.gather [hbm4b:s5+s13], $0x40, s0, s13, $0xb8;
	[tilespmem:$0x1B010] =	vst v63  }
0x1b1: {  	s28 =	sadd.s32 $0x1, s28;
	s29 =	sadd.s32 $0x190, s29;
	s30 =	sadd.s32 $0x190, s30  }
0x1b2: {  	[tilespmem:s22], [sflag:$0x4] =	stream.indirect.gather [hbm4b:s5+s16], $0x40, s31, s16, $0xb8;
	[tilespmem:$0x1B010] =	vst v63  }
.LBB2_13:
0x1b3: {  	_ =	sfence.sel $0x180000  }
0x1b4: {  	[bflag:$0x0] =	sbarrier.arrive $0xFFFF  }
0x1b5: {  	_ =	strace $0x90000047  }
0x1b6: {  	s0 =	stileid.u32;
	[bflag:$0x2] =	sbarrier.arrive $0xFFFF  }
0x1b7: {  	p0 =	sne.s32 s0, $0x0;
	s0 =	rddreg [dreg:$0x5]  }
0x1b8: {  	s0 =	sadd.s32 @!p0 $0x100000, s0  }
0x1b9: {  	[sflag:s0] =	ssyncadd.tile.s32 @!p0 $0x1;
	_ =	shalt  }
.Lfunc_end2:
_tile_overlayer_lowered:
.L_overlay_start_2:
0x1ba: {  	(tag) =	ssettag $0x2  }
0x1bb: {  	s0 =	rddreg [dreg:$0x0];
	s2 =	stileid.u32  }
0x1bc: {  	s1 =	rddreg [dreg:$0x1];
	p0 =	sne.s32 s2, $0x0  }
0x1bd: {  	s3 =	rddreg [dreg:$0x2];
	[bflag:$0x3] =	sbarrier.arrive $0xFFFF;
	s2 =	simm.s32 @!p0 $0x1C05  }
0x1be: {  	[timem:s3], [sflag:s2] =	dma.local @!p0 [hbm:s0], s1  }
0x1bf: {  	s0 =	simm.s32 @!p0 $0x5  }
0x1c0: {  	_ =	swait.ge @!p0 [sflag:s0], s1  }
0x1c1: {  	s1 =	ssub.s32 @!p0 $0x0, s1;
	[sflag:s0] =	ssyncset.done @!p0 $0x0  }
0x1c2: {  	[sflag:s0] =	ssyncadd.s32 @!p0 s1  }
0x1c3: {  	[bflag:$0x3] =	sbarrier.arrive $0xFFFF  }
0x1c4: {  	_ =	shalt  }

</sc_bundles>
